<compile_context>
chip_gen: v7x
topology: tpu7x:2x2x1
jax: 0.10.2.dev20260603
libtpu: 0.0.44.dev20260713+nightly
codegen_flags: <defaults>
</compile_context>

<pallas_src>
import functools

import jax
import jax.numpy as jnp
from jax import lax
from jax.experimental import pallas as pl
from jax.experimental.pallas import tpu as pltpu
from jax.experimental.pallas import tpu_sc as plsc

N_FIELDS = 26
NF_A = 16
NF_B = 10
EMB_DIM = 50
LANE = 128
VB = 16384


def _tc_transpose_table(Et, f0, nf, card):
    grid = (nf, pl.cdiv(card, VB))

    def body(in_ref, out_ref):
        x = in_ref[0]
        xt = jnp.swapaxes(x, 0, 1)
        out_ref[0] = jnp.pad(xt, ((0, 0), (0, LANE - EMB_DIM)))

    return pl.pallas_call(
        body,
        grid=grid,
        in_specs=[pl.BlockSpec((1, EMB_DIM, VB),
                               lambda f, v: (f + f0, 0, v))],
        out_specs=pl.BlockSpec((1, VB, LANE), lambda f, v: (f, v, 0)),
        out_shape=jax.ShapeDtypeStruct((nf, card, LANE), jnp.float32),
    )(Et)


def _sc_gather_scatter(table, src_idx, dst_idx):
    n = src_idx.shape[0] * src_idx.shape[1]
    info = plsc.get_sparse_core_info()
    nw = info.num_cores * info.num_subcores
    per_w = n // nw
    pair = 1024
    n_ch = per_w // pair
    mesh = plsc.VectorSubcoreMesh(core_axis_name="c", subcore_axis_name="s")

    @functools.partial(
        pl.kernel,
        mesh=mesh,
        out_type=jax.ShapeDtypeStruct((n, LANE), jnp.float32),
        scratch_types=[
            pltpu.VMEM((8, 128), jnp.int32),
            pltpu.VMEM((8, 128), jnp.int32),
            pltpu.VMEM((256, LANE), jnp.float32),
            pltpu.VMEM((256, LANE), jnp.float32),
            pltpu.SemaphoreType.DMA,
            pltpu.SemaphoreType.DMA,
            pltpu.SemaphoreType.DMA,
            pltpu.SemaphoreType.DMA,
        ],
    )
    def k(table_hbm, src_hbm, dst_hbm, out_hbm, src_v, dst_v, rows_a,
          rows_b, gsem_a, gsem_b, ssem_a, ssem_b):
        wid = lax.axis_index("s") * info.num_cores + lax.axis_index("c")
        base = wid * per_w
        rows = (rows_a, rows_b)
        gsems = (gsem_a, gsem_b)
        ssems = (ssem_a, ssem_b)

        def body(i, carry):
            off = base + i * pair
            row0 = pl.multiple_of(off // 128, 8)
            pltpu.sync_copy(src_hbm.at[pl.ds(row0, 8)], src_v)
            pltpu.sync_copy(dst_hbm.at[pl.ds(row0, 8)], dst_v)
            pend = [None, None]
            for u in range(4):
                slot = u % 2
                if pend[slot] is not None:
                    for c in pend[slot]:
                        c.wait()
                gathers = [
                    pltpu.async_copy(
                        table_hbm.at[src_v.at[u * 2 + j]],
                        rows[slot].at[pl.ds(j * 128, 128)], gsems[slot])
                    for j in range(2)
                ]
                for c in gathers:
                    c.wait()
                pend[slot] = [
                    pltpu.async_copy(
                        rows[slot].at[pl.ds(j * 128, 128)],
                        out_hbm.at[dst_v.at[u * 2 + j]], ssems[slot])
                    for j in range(2)
                ]
            for slot in range(2):
                for c in pend[slot]:
                    c.wait()
            return carry

        lax.fori_loop(0, n_ch, body, 0)

    return k(table, src_idx, dst_idx)


def _tc_mlp(x_num, emb4a, emb4b, w1n, w1e, b1, w2, b2, w3, b3):
    b = x_num.shape[0]
    d_num = x_num.shape[1]
    blk = 1024
    grid = (b // blk,)

    def body(xn_ref, ea_ref, eb_ref, w1n_ref, w1e_ref, b1_ref, w2_ref,
             b2_ref, w3_ref, b3_ref, out_ref):
        h = jnp.dot(xn_ref[...], w1n_ref[...],
                    preferred_element_type=jnp.float32)
        for t in range(N_FIELDS):
            if t < NF_A:
                xt = ea_ref[:, t, :, :].reshape(blk, LANE)
            else:
                xt = eb_ref[:, t - NF_A, :, :].reshape(blk, LANE)
            h += jnp.dot(xt, w1e_ref[t],
                         preferred_element_type=jnp.float32)
        h = jnp.maximum(h + b1_ref[...], 0.0)
        h = jnp.maximum(
            jnp.dot(h, w2_ref[...], preferred_element_type=jnp.float32)
            + b2_ref[...], 0.0)
        out_ref[...] = (
            jnp.dot(h, w3_ref[...], preferred_element_type=jnp.float32)
            + b3_ref[...])

    out = pl.pallas_call(
        body,
        grid=grid,
        in_specs=[
            pl.BlockSpec((blk, d_num), lambda i: (i, 0)),
            pl.BlockSpec((blk // 8, NF_A, 8, LANE), lambda i: (i, 0, 0, 0)),
            pl.BlockSpec((blk // 8, NF_B, 8, LANE), lambda i: (i, 0, 0, 0)),
            pl.BlockSpec((d_num, 128), lambda i: (0, 0)),
            pl.BlockSpec((N_FIELDS, LANE, 128), lambda i: (0, 0, 0)),
            pl.BlockSpec((1, 128), lambda i: (0, 0)),
            pl.BlockSpec((128, 64), lambda i: (0, 0)),
            pl.BlockSpec((1, 64), lambda i: (0, 0)),
            pl.BlockSpec((64, 1), lambda i: (0, 0)),
            pl.BlockSpec((1, 1), lambda i: (0, 0)),
        ],
        out_specs=pl.BlockSpec((blk, 1), lambda i: (i, 0)),
        out_shape=jax.ShapeDtypeStruct((b, 1), jnp.float32),
    )(x_num, emb4a, emb4b, w1n, w1e, b1.reshape(1, -1), w2,
      b2.reshape(1, -1), w3, b3.reshape(1, 1))
    return out[:, 0]


def _group(x_cat, b, card, f0, nf):
    offs = ((jnp.arange(nf, dtype=jnp.int32) + f0) * card)[None, :]
    src = (x_cat[:, f0:f0 + nf] + offs).reshape(b * nf // 128, 128)
    bb = jnp.arange(b, dtype=jnp.int32)[:, None]
    ff = jnp.arange(nf, dtype=jnp.int32)[None, :]
    dst = (((bb // 8) * nf + ff) * 8 + (bb % 8)).reshape(b * nf // 128, 128)
    return src, dst


def kernel(x_num, x_cat, E, W1, b1, W2, b2, W3, b3):
    b = x_num.shape[0]
    card = E.shape[1]
    d_num = x_num.shape[1]

    Et = jnp.swapaxes(E, 1, 2)
    tab_a = _tc_transpose_table(Et, 0, NF_A, card)
    src_a, dst_a = _group(x_cat, b, card, 0, NF_A)
    emb_a = _sc_gather_scatter(
        tab_a.reshape(NF_A * card, LANE), src_a, dst_a)
    tab_b = _tc_transpose_table(Et, NF_A, NF_B, card)
    src_b, dst_b = _group(x_cat, b, card, NF_A, NF_B)
    src_b = src_b - NF_A * card
    emb_b = _sc_gather_scatter(
        tab_b.reshape(NF_B * card, LANE), src_b, dst_b)

    emb4a = emb_a.reshape(b // 8, NF_A, 8, LANE)
    emb4b = emb_b.reshape(b // 8, NF_B, 8, LANE)

    w1e = jnp.pad(W1[d_num:].reshape(N_FIELDS, EMB_DIM, 128),
                  ((0, 0), (0, LANE - EMB_DIM), (0, 0)))
    return _tc_mlp(x_num, emb4a, emb4b, W1[:d_num], w1e, b1, W2, b2,
                   W3, b3)

# --- scband reference (transcript-rebuilt; emitter-appended) ---
"""Pipeline reference for scband-mlpwith-embeddings-87729001988916 (READ-ONLY COPY).

The authoritative reference and input builder live on the scoring server;
editing this copy changes nothing except your own understanding.
"""

import jax, jax.numpy as jnp
import numpy as np

B = 16384
NUM_NUMERIC = 13
N_FIELDS = 26
CARD = 100000
EMB_DIM = 50  # min(50, max(2, (100000 + 1) // 2)) = 50
TOTAL_EMB = N_FIELDS * EMB_DIM  # 1300
D_IN = NUM_NUMERIC + TOTAL_EMB  # 1313


def setup_inputs(seed: int = 0) -> dict:
    key = jax.random.key(seed)
    ks = jax.random.split(key, 10)
    x_num = jax.random.normal(ks[0], (B, NUM_NUMERIC), dtype=jnp.float32)
    x_cat = jax.random.randint(ks[1], (B, N_FIELDS), 0, CARD, dtype=jnp.int64 if jax.config.read('jax_enable_x64') else jnp.int32).astype(jnp.int32)
    # All 26 tables share the same (cardinality, emb_dim); stack into one tensor.
    E = jax.random.normal(ks[2], (N_FIELDS, CARD, EMB_DIM), dtype=jnp.float32) * 0.05
    W1 = jax.random.normal(ks[3], (D_IN, 128), dtype=jnp.float32) * (1.0 / np.sqrt(D_IN))
    b1 = jnp.zeros((128,), dtype=jnp.float32)
    W2 = jax.random.normal(ks[4], (128, 64), dtype=jnp.float32) * (1.0 / np.sqrt(128))
    b2 = jnp.zeros((64,), dtype=jnp.float32)
    W3 = jax.random.normal(ks[5], (64, 1), dtype=jnp.float32) * (1.0 / np.sqrt(64))
    b3 = jnp.zeros((1,), dtype=jnp.float32)
    return {"x_num": x_num, "x_cat": x_cat, "E": E, "W1": W1, "b1": b1, "W2": W2, "b2": b2, "W3": W3, "b3": b3}


def reference(x_num, x_cat, E, W1, b1, W2, b2, W3, b3):
    # Per-field embedding lookup: E[i][x_cat[:, i]] for each field i.
    field_ids = jnp.arange(N_FIELDS)[None, :]          # [1, 26]
    emb = E[field_ids, x_cat]                          # [B, 26, 50] gather
    emb_flat = emb.reshape(emb.shape[0], -1)           # [B, 1300]
    x = jnp.concatenate([x_num, emb_flat], axis=1)     # [B, 1313]
    h = jax.nn.relu(x @ W1 + b1)                       # dropout is identity in eval
    h = jax.nn.relu(h @ W2 + b2)
    out = h @ W3 + b3                                  # [B, 1]
    return out.squeeze(1)                              # [B]

if __name__ == "__main__":
    import jax
    _d = setup_inputs()
    print(jax.jit(kernel)(*tuple(_d.values())))

</pallas_src>

<mosaic_0001>
#map = affine_map<(d0, d1) -> (0, 0)>
module attributes {stable_mosaic.version = 14 : i64} {
  func.func @k(%arg0: i32, %arg1: i32, %arg2: memref<1600000x128xf32, #tpu.memory_space<hbm>>, %arg3: memref<2048x128xi32, #tpu.memory_space<hbm>>, %arg4: memref<2048x128xi32, #tpu.memory_space<hbm>>, %arg5: memref<262144x128xf32, #tpu.memory_space<hbm>>, %arg6: memref<8x128xi32, #tpu.memory_space<vmem>>, %arg7: memref<8x128xi32, #tpu.memory_space<vmem>>, %arg8: memref<256x128xf32, #tpu.memory_space<vmem>>, %arg9: memref<256x128xf32, #tpu.memory_space<vmem>>, %arg10: memref<!tpu.dma_semaphore, #tpu.memory_space<semaphore_mem>>, %arg11: memref<!tpu.dma_semaphore, #tpu.memory_space<semaphore_mem>>, %arg12: memref<!tpu.dma_semaphore, #tpu.memory_space<semaphore_mem>>, %arg13: memref<!tpu.dma_semaphore, #tpu.memory_space<semaphore_mem>>) attributes {dimension_semantics = [#tpu.dimension_semantics<core_parallel>, #tpu.dimension_semantics<subcore_parallel>], iteration_bounds = array<i64: 2, 16>, scalar_prefetch = 0 : i64, scratch_operands = 8 : i64, tpu.core_type = #tpu.core_type<sc_vector_subcore>, window_params = [{transform_indices = #map}, {transform_indices = #map}, {transform_indices = #map}, {transform_indices = #map}]} {
    %mul3A = arith.constant 2 : i32
    %mul3A_0 = arith.muli %arg1, %mul3A : i32
    %add3A = arith.addi %mul3A_0, %arg0 : i32
    %mul3A_1 = arith.constant 8192 : i32
    %mul3A_2 = arith.muli %add3A, %mul3A_1 : i32
    %scan3A = arith.constant 0 : i32
    %scan3A_3 = arith.constant 0 : i32
    %scan3A_4 = arith.constant 8 : i32
    %scan3A_5 = arith.addi %scan3A_3, %scan3A_4 : i32
    %scan3A_6 = arith.constant 1 : i32
    scf.for %scan3A_8 = %scan3A_3 to %scan3A_5 step %scan3A_6  : i32 {
      %mul3A_9 = arith.constant 1024 : i32
      %mul3A_10 = arith.muli %scan3A_8, %mul3A_9 : i32
      %add3A_11 = arith.addi %mul3A_2, %mul3A_10 : i32
      %jit3A = arith.constant 128 : i32
      %div3A = arith.divsi %add3A_11, %jit3A : i32
      %sign3A = arith.constant 0 : i32
      %sign3A_12 = arith.cmpi sgt, %add3A_11, %sign3A : i32
      %sign3A_13 = arith.extui %sign3A_12 : i1 to i32
      %sign3A_14 = arith.constant 0 : i32
      %sign3A_15 = arith.cmpi slt, %add3A_11, %sign3A_14 : i32
      %sign3A_16 = arith.extui %sign3A_15 : i1 to i32
      %sign3A_17 = arith.subi %sign3A_13, %sign3A_16 : i32
      %sign3A_18 = arith.constant 0 : i32
      %sign3A_19 = arith.cmpi sgt, %jit3A, %sign3A_18 : i32
      %sign3A_20 = arith.extui %sign3A_19 : i1 to i32
      %sign3A_21 = arith.constant 0 : i32
      %sign3A_22 = arith.cmpi slt, %jit3A, %sign3A_21 : i32
      %sign3A_23 = arith.extui %sign3A_22 : i1 to i32
      %sign3A_24 = arith.subi %sign3A_20, %sign3A_23 : i32
      %ne3A = arith.cmpi ne, %sign3A_17, %sign3A_24 : i32
      %rem3A = arith.remsi %add3A_11, %jit3A : i32
      %ne3A_25 = arith.constant 0 : i32
      %ne3A_26 = arith.cmpi ne, %rem3A, %ne3A_25 : i32
      %and3A = arith.andi %ne3A, %ne3A_26 : i1
      %sub3A = arith.constant 1 : i32
      %sub3A_27 = arith.subi %div3A, %sub3A : i32
      %select_n3A = arith.select %and3A, %sub3A_27, %div3A : i32
      %multiple_of3A = tpu.assume_multiple %select_n3A, 8 : i32
      "tpu.region"() ({
        %run_scoped3A = tpu.sem_alloc : memref<!tpu.dma_semaphore, #tpu.memory_space<semaphore_mem>>
        %dma_start3A_346 = arith.constant 0 : i32
        %dma_start3A_347 = tpu.memref_slice %arg3[%multiple_of3A, %dma_start3A_346] : memref<2048x128xi32, #tpu.memory_space<hbm>> -> memref<8x128xi32, #tpu.memory_space<hbm>>
        %dma_start3A_348 = arith.constant 0 : i32
        %dma_start3A_349 = tpu.memref_slice %arg3[%multiple_of3A, %dma_start3A_348] : memref<2048x128xi32, #tpu.memory_space<hbm>> -> memref<8x128xi32, #tpu.memory_space<hbm>>
        tpu.enqueue_dma source(%dma_start3A_349 : memref<8x128xi32, #tpu.memory_space<hbm>>) target(%arg6 : memref<8x128xi32, #tpu.memory_space<vmem>>) target_semaphore(%run_scoped3A : memref<!tpu.dma_semaphore, #tpu.memory_space<semaphore_mem>>)
        %dma_wait3A_350 = arith.constant 0 : i32
        %dma_wait3A_351 = tpu.memref_slice %arg3[%multiple_of3A, %dma_wait3A_350] : memref<2048x128xi32, #tpu.memory_space<hbm>> -> memref<8x128xi32, #tpu.memory_space<hbm>>
        %dma_wait3A_352 = arith.constant 0 : i32
        %dma_wait3A_353 = tpu.memref_slice %arg3[%multiple_of3A, %dma_wait3A_352] : memref<2048x128xi32, #tpu.memory_space<hbm>> -> memref<8x128xi32, #tpu.memory_space<hbm>>
        tpu.wait_dma2 semaphore(%run_scoped3A : memref<!tpu.dma_semaphore, #tpu.memory_space<semaphore_mem>>) src(%dma_wait3A_353 : memref<8x128xi32, #tpu.memory_space<hbm>>) dst(%arg6 : memref<8x128xi32, #tpu.memory_space<vmem>>)
        tpu.yield
      }) : () -> ()
      "tpu.region"() ({
        %run_scoped3A = tpu.sem_alloc : memref<!tpu.dma_semaphore, #tpu.memory_space<semaphore_mem>>
        %dma_start3A_346 = arith.constant 0 : i32
        %dma_start3A_347 = tpu.memref_slice %arg4[%multiple_of3A, %dma_start3A_346] : memref<2048x128xi32, #tpu.memory_space<hbm>> -> memref<8x128xi32, #tpu.memory_space<hbm>>
        %dma_start3A_348 = arith.constant 0 : i32
        %dma_start3A_349 = tpu.memref_slice %arg4[%multiple_of3A, %dma_start3A_348] : memref<2048x128xi32, #tpu.memory_space<hbm>> -> memref<8x128xi32, #tpu.memory_space<hbm>>
        tpu.enqueue_dma source(%dma_start3A_349 : memref<8x128xi32, #tpu.memory_space<hbm>>) target(%arg7 : memref<8x128xi32, #tpu.memory_space<vmem>>) target_semaphore(%run_scoped3A : memref<!tpu.dma_semaphore, #tpu.memory_space<semaphore_mem>>)
        %dma_wait3A_350 = arith.constant 0 : i32
        %dma_wait3A_351 = tpu.memref_slice %arg4[%multiple_of3A, %dma_wait3A_350] : memref<2048x128xi32, #tpu.memory_space<hbm>> -> memref<8x128xi32, #tpu.memory_space<hbm>>
        %dma_wait3A_352 = arith.constant 0 : i32
        %dma_wait3A_353 = tpu.memref_slice %arg4[%multiple_of3A, %dma_wait3A_352] : memref<2048x128xi32, #tpu.memory_space<hbm>> -> memref<8x128xi32, #tpu.memory_space<hbm>>
        tpu.wait_dma2 semaphore(%run_scoped3A : memref<!tpu.dma_semaphore, #tpu.memory_space<semaphore_mem>>) src(%dma_wait3A_353 : memref<8x128xi32, #tpu.memory_space<hbm>>) dst(%arg7 : memref<8x128xi32, #tpu.memory_space<vmem>>)
        tpu.yield
      }) : () -> ()
      %dma_start3A = arith.constant 0 : i32
      %dma_start3A_28 = arith.constant 0 : i32
      %dma_start3A_29 = arith.constant 0 : i32
      %dma_start3A_30 = tpu.memref_slice %arg8[%dma_start3A_28, %dma_start3A_29] : memref<256x128xf32, #tpu.memory_space<vmem>> -> memref<128x128xf32, #tpu.memory_space<vmem>>
      %dma_start3A_31 = arith.constant 0 : i32
      %dma_start3A_32 = tpu.memref_slice %arg6[%dma_start3A, %dma_start3A_31] : memref<8x128xi32, #tpu.memory_space<vmem>> -> memref<1x128xi32, #tpu.memory_space<vmem>>
      %dma_start3A_33 = tpu.memref_squeeze %dma_start3A_32 : memref<1x128xi32, #tpu.memory_space<vmem>> -> memref<128xi32, #tpu.memory_space<vmem>>
      %dma_start3A_34 = arith.constant 0 : i32
      %dma_start3A_35 = arith.constant 0 : i32
      %dma_start3A_36 = tpu.memref_slice %arg2[%dma_start3A_34, %dma_start3A_35] : memref<1600000x128xf32, #tpu.memory_space<hbm>> -> memref<1600000x128xf32, #tpu.memory_space<hbm>>
      tpu.enqueue_indirect_dma source(%dma_start3A_36 : memref<1600000x128xf32, #tpu.memory_space<hbm>>) target(%dma_start3A_30 : memref<128x128xf32, #tpu.memory_space<vmem>>) offsets(%dma_start3A_33 : memref<128xi32, #tpu.memory_space<vmem>>) semaphore(%arg10 : memref<!tpu.dma_semaphore, #tpu.memory_space<semaphore_mem>>)
      %dma_start3A_37 = arith.constant 1 : i32
      %dma_start3A_38 = arith.constant 128 : i32
      %dma_start3A_39 = arith.constant 0 : i32
      %dma_start3A_40 = tpu.memref_slice %arg8[%dma_start3A_38, %dma_start3A_39] : memref<256x128xf32, #tpu.memory_space<vmem>> -> memref<128x128xf32, #tpu.memory_space<vmem>>
      %dma_start3A_41 = arith.constant 0 : i32
      %dma_start3A_42 = tpu.memref_slice %arg6[%dma_start3A_37, %dma_start3A_41] : memref<8x128xi32, #tpu.memory_space<vmem>> -> memref<1x128xi32, #tpu.memory_space<vmem>>
      %dma_start3A_43 = tpu.memref_squeeze %dma_start3A_42 : memref<1x128xi32, #tpu.memory_space<vmem>> -> memref<128xi32, #tpu.memory_space<vmem>>
      %dma_start3A_44 = arith.constant 0 : i32
      %dma_start3A_45 = arith.constant 0 : i32
      %dma_start3A_46 = tpu.memref_slice %arg2[%dma_start3A_44, %dma_start3A_45] : memref<1600000x128xf32, #tpu.memory_space<hbm>> -> memref<1600000x128xf32, #tpu.memory_space<hbm>>
      tpu.enqueue_indirect_dma source(%dma_start3A_46 : memref<1600000x128xf32, #tpu.memory_space<hbm>>) target(%dma_start3A_40 : memref<128x128xf32, #tpu.memory_space<vmem>>) offsets(%dma_start3A_43 : memref<128xi32, #tpu.memory_space<vmem>>) semaphore(%arg10 : memref<!tpu.dma_semaphore, #tpu.memory_space<semaphore_mem>>)
      %dma_wait3A = arith.constant 0 : i32
      %dma_wait3A_47 = arith.constant 0 : i32
      %dma_wait3A_48 = arith.constant 0 : i32
      %dma_wait3A_49 = tpu.memref_slice %arg8[%dma_wait3A_47, %dma_wait3A_48] : memref<256x128xf32, #tpu.memory_space<vmem>> -> memref<128x128xf32, #tpu.memory_space<vmem>>
      %dma_wait3A_50 = arith.constant 0 : i32
      %dma_wait3A_51 = tpu.memref_slice %arg6[%dma_wait3A, %dma_wait3A_50] : memref<8x128xi32, #tpu.memory_space<vmem>> -> memref<1x128xi32, #tpu.memory_space<vmem>>
      %dma_wait3A_52 = tpu.memref_squeeze %dma_wait3A_51 : memref<1x128xi32, #tpu.memory_space<vmem>> -> memref<128xi32, #tpu.memory_space<vmem>>
      %dma_wait3A_53 = arith.constant 0 : i32
      %dma_wait3A_54 = arith.constant 0 : i32
      %dma_wait3A_55 = tpu.memref_slice %arg2[%dma_wait3A_53, %dma_wait3A_54] : memref<1600000x128xf32, #tpu.memory_space<hbm>> -> memref<1600000x128xf32, #tpu.memory_space<hbm>>
      tpu.wait_indirect_dma semaphore(%arg10 : memref<!tpu.dma_semaphore, #tpu.memory_space<semaphore_mem>>) src(%dma_wait3A_55 : memref<1600000x128xf32, #tpu.memory_space<hbm>>) dst(%dma_wait3A_49 : memref<128x128xf32, #tpu.memory_space<vmem>>)
      %dma_wait3A_56 = arith.constant 1 : i32
      %dma_wait3A_57 = arith.constant 128 : i32
      %dma_wait3A_58 = arith.constant 0 : i32
      %dma_wait3A_59 = tpu.memref_slice %arg8[%dma_wait3A_57, %dma_wait3A_58] : memref<256x128xf32, #tpu.memory_space<vmem>> -> memref<128x128xf32, #tpu.memory_space<vmem>>
      %dma_wait3A_60 = arith.constant 0 : i32
      %dma_wait3A_61 = tpu.memref_slice %arg6[%dma_wait3A_56, %dma_wait3A_60] : memref<8x128xi32, #tpu.memory_space<vmem>> -> memref<1x128xi32, #tpu.memory_space<vmem>>
      %dma_wait3A_62 = tpu.memref_squeeze %dma_wait3A_61 : memref<1x128xi32, #tpu.memory_space<vmem>> -> memref<128xi32, #tpu.memory_space<vmem>>
      %dma_wait3A_63 = arith.constant 0 : i32
      %dma_wait3A_64 = arith.constant 0 : i32
      %dma_wait3A_65 = tpu.memref_slice %arg2[%dma_wait3A_63, %dma_wait3A_64] : memref<1600000x128xf32, #tpu.memory_space<hbm>> -> memref<1600000x128xf32, #tpu.memory_space<hbm>>
      tpu.wait_indirect_dma semaphore(%arg10 : memref<!tpu.dma_semaphore, #tpu.memory_space<semaphore_mem>>) src(%dma_wait3A_65 : memref<1600000x128xf32, #tpu.memory_space<hbm>>) dst(%dma_wait3A_59 : memref<128x128xf32, #tpu.memory_space<vmem>>)
      %dma_start3A_66 = arith.constant 0 : i32
      %dma_start3A_67 = arith.constant 0 : i32
      %dma_start3A_68 = arith.constant 0 : i32
      %dma_start3A_69 = tpu.memref_slice %arg8[%dma_start3A_67, %dma_start3A_68] : memref<256x128xf32, #tpu.memory_space<vmem>> -> memref<128x128xf32, #tpu.memory_space<vmem>>
      %dma_start3A_70 = arith.constant 0 : i32
      %dma_start3A_71 = tpu.memref_slice %arg7[%dma_start3A_66, %dma_start3A_70] : memref<8x128xi32, #tpu.memory_space<vmem>> -> memref<1x128xi32, #tpu.memory_space<vmem>>
      %dma_start3A_72 = tpu.memref_squeeze %dma_start3A_71 : memref<1x128xi32, #tpu.memory_space<vmem>> -> memref<128xi32, #tpu.memory_space<vmem>>
      %dma_start3A_73 = arith.constant 0 : i32
      %dma_start3A_74 = arith.constant 0 : i32
      %dma_start3A_75 = tpu.memref_slice %arg5[%dma_start3A_73, %dma_start3A_74] : memref<262144x128xf32, #tpu.memory_space<hbm>> -> memref<262144x128xf32, #tpu.memory_space<hbm>>
      tpu.enqueue_indirect_dma source(%dma_start3A_69 : memref<128x128xf32, #tpu.memory_space<vmem>>) target(%dma_start3A_75 : memref<262144x128xf32, #tpu.memory_space<hbm>>) offsets(%dma_start3A_72 : memref<128xi32, #tpu.memory_space<vmem>>) semaphore(%arg12 : memref<!tpu.dma_semaphore, #tpu.memory_space<semaphore_mem>>)
      %dma_start3A_76 = arith.constant 1 : i32
      %dma_start3A_77 = arith.constant 128 : i32
      %dma_start3A_78 = arith.constant 0 : i32
      %dma_start3A_79 = tpu.memref_slice %arg8[%dma_start3A_77, %dma_start3A_78] : memref<256x128xf32, #tpu.memory_space<vmem>> -> memref<128x128xf32, #tpu.memory_space<vmem>>
      %dma_start3A_80 = arith.constant 0 : i32
      %dma_start3A_81 = tpu.memref_slice %arg7[%dma_start3A_76, %dma_start3A_80] : memref<8x128xi32, #tpu.memory_space<vmem>> -> memref<1x128xi32, #tpu.memory_space<vmem>>
      %dma_start3A_82 = tpu.memref_squeeze %dma_start3A_81 : memref<1x128xi32, #tpu.memory_space<vmem>> -> memref<128xi32, #tpu.memory_space<vmem>>
      %dma_start3A_83 = arith.constant 0 : i32
      %dma_start3A_84 = arith.constant 0 : i32
      %dma_start3A_85 = tpu.memref_slice %arg5[%dma_start3A_83, %dma_start3A_84] : memref<262144x128xf32, #tpu.memory_space<hbm>> -> memref<262144x128xf32, #tpu.memory_space<hbm>>
      tpu.enqueue_indirect_dma source(%dma_start3A_79 : memref<128x128xf32, #tpu.memory_space<vmem>>) target(%dma_start3A_85 : memref<262144x128xf32, #tpu.memory_space<hbm>>) offsets(%dma_start3A_82 : memref<128xi32, #tpu.memory_space<vmem>>) semaphore(%arg12 : memref<!tpu.dma_semaphore, #tpu.memory_space<semaphore_mem>>)
      %dma_start3A_86 = arith.constant 2 : i32
      %dma_start3A_87 = arith.constant 0 : i32
      %dma_start3A_88 = arith.constant 0 : i32
      %dma_start3A_89 = tpu.memref_slice %arg9[%dma_start3A_87, %dma_start3A_88] : memref<256x128xf32, #tpu.memory_space<vmem>> -> memref<128x128xf32, #tpu.memory_space<vmem>>
      %dma_start3A_90 = arith.constant 0 : i32
      %dma_start3A_91 = tpu.memref_slice %arg6[%dma_start3A_86, %dma_start3A_90] : memref<8x128xi32, #tpu.memory_space<vmem>> -> memref<1x128xi32, #tpu.memory_space<vmem>>
      %dma_start3A_92 = tpu.memref_squeeze %dma_start3A_91 : memref<1x128xi32, #tpu.memory_space<vmem>> -> memref<128xi32, #tpu.memory_space<vmem>>
      %dma_start3A_93 = arith.constant 0 : i32
      %dma_start3A_94 = arith.constant 0 : i32
      %dma_start3A_95 = tpu.memref_slice %arg2[%dma_start3A_93, %dma_start3A_94] : memref<1600000x128xf32, #tpu.memory_space<hbm>> -> memref<1600000x128xf32, #tpu.memory_space<hbm>>
      tpu.enqueue_indirect_dma source(%dma_start3A_95 : memref<1600000x128xf32, #tpu.memory_space<hbm>>) target(%dma_start3A_89 : memref<128x128xf32, #tpu.memory_space<vmem>>) offsets(%dma_start3A_92 : memref<128xi32, #tpu.memory_space<vmem>>) semaphore(%arg11 : memref<!tpu.dma_semaphore, #tpu.memory_space<semaphore_mem>>)
      %dma_start3A_96 = arith.constant 3 : i32
      %dma_start3A_97 = arith.constant 128 : i32
      %dma_start3A_98 = arith.constant 0 : i32
      %dma_start3A_99 = tpu.memref_slice %arg9[%dma_start3A_97, %dma_start3A_98] : memref<256x128xf32, #tpu.memory_space<vmem>> -> memref<128x128xf32, #tpu.memory_space<vmem>>
      %dma_start3A_100 = arith.constant 0 : i32
      %dma_start3A_101 = tpu.memref_slice %arg6[%dma_start3A_96, %dma_start3A_100] : memref<8x128xi32, #tpu.memory_space<vmem>> -> memref<1x128xi32, #tpu.memory_space<vmem>>
      %dma_start3A_102 = tpu.memref_squeeze %dma_start3A_101 : memref<1x128xi32, #tpu.memory_space<vmem>> -> memref<128xi32, #tpu.memory_space<vmem>>
      %dma_start3A_103 = arith.constant 0 : i32
      %dma_start3A_104 = arith.constant 0 : i32
      %dma_start3A_105 = tpu.memref_slice %arg2[%dma_start3A_103, %dma_start3A_104] : memref<1600000x128xf32, #tpu.memory_space<hbm>> -> memref<1600000x128xf32, #tpu.memory_space<hbm>>
      tpu.enqueue_indirect_dma source(%dma_start3A_105 : memref<1600000x128xf32, #tpu.memory_space<hbm>>) target(%dma_start3A_99 : memref<128x128xf32, #tpu.memory_space<vmem>>) offsets(%dma_start3A_102 : memref<128xi32, #tpu.memory_space<vmem>>) semaphore(%arg11 : memref<!tpu.dma_semaphore, #tpu.memory_space<semaphore_mem>>)
      %dma_wait3A_106 = arith.constant 2 : i32
      %dma_wait3A_107 = arith.constant 0 : i32
      %dma_wait3A_108 = arith.constant 0 : i32
      %dma_wait3A_109 = tpu.memref_slice %arg9[%dma_wait3A_107, %dma_wait3A_108] : memref<256x128xf32, #tpu.memory_space<vmem>> -> memref<128x128xf32, #tpu.memory_space<vmem>>
      %dma_wait3A_110 = arith.constant 0 : i32
      %dma_wait3A_111 = tpu.memref_slice %arg6[%dma_wait3A_106, %dma_wait3A_110] : memref<8x128xi32, #tpu.memory_space<vmem>> -> memref<1x128xi32, #tpu.memory_space<vmem>>
      %dma_wait3A_112 = tpu.memref_squeeze %dma_wait3A_111 : memref<1x128xi32, #tpu.memory_space<vmem>> -> memref<128xi32, #tpu.memory_space<vmem>>
      %dma_wait3A_113 = arith.constant 0 : i32
      %dma_wait3A_114 = arith.constant 0 : i32
      %dma_wait3A_115 = tpu.memref_slice %arg2[%dma_wait3A_113, %dma_wait3A_114] : memref<1600000x128xf32, #tpu.memory_space<hbm>> -> memref<1600000x128xf32, #tpu.memory_space<hbm>>
      tpu.wait_indirect_dma semaphore(%arg11 : memref<!tpu.dma_semaphore, #tpu.memory_space<semaphore_mem>>) src(%dma_wait3A_115 : memref<1600000x128xf32, #tpu.memory_space<hbm>>) dst(%dma_wait3A_109 : memref<128x128xf32, #tpu.memory_space<vmem>>)
      %dma_wait3A_116 = arith.constant 3 : i32
      %dma_wait3A_117 = arith.constant 128 : i32
      %dma_wait3A_118 = arith.constant 0 : i32
      %dma_wait3A_119 = tpu.memref_slice %arg9[%dma_wait3A_117, %dma_wait3A_118] : memref<256x128xf32, #tpu.memory_space<vmem>> -> memref<128x128xf32, #tpu.memory_space<vmem>>
      %dma_wait3A_120 = arith.constant 0 : i32
      %dma_wait3A_121 = tpu.memref_slice %arg6[%dma_wait3A_116, %dma_wait3A_120] : memref<8x128xi32, #tpu.memory_space<vmem>> -> memref<1x128xi32, #tpu.memory_space<vmem>>
      %dma_wait3A_122 = tpu.memref_squeeze %dma_wait3A_121 : memref<1x128xi32, #tpu.memory_space<vmem>> -> memref<128xi32, #tpu.memory_space<vmem>>
      %dma_wait3A_123 = arith.constant 0 : i32
      %dma_wait3A_124 = arith.constant 0 : i32
      %dma_wait3A_125 = tpu.memref_slice %arg2[%dma_wait3A_123, %dma_wait3A_124] : memref<1600000x128xf32, #tpu.memory_space<hbm>> -> memref<1600000x128xf32, #tpu.memory_space<hbm>>
      tpu.wait_indirect_dma semaphore(%arg11 : memref<!tpu.dma_semaphore, #tpu.memory_space<semaphore_mem>>) src(%dma_wait3A_125 : memref<1600000x128xf32, #tpu.memory_space<hbm>>) dst(%dma_wait3A_119 : memref<128x128xf32, #tpu.memory_space<vmem>>)
      %dma_start3A_126 = arith.constant 2 : i32
      %dma_start3A_127 = arith.constant 0 : i32
      %dma_start3A_128 = arith.constant 0 : i32
      %dma_start3A_129 = tpu.memref_slice %arg9[%dma_start3A_127, %dma_start3A_128] : memref<256x128xf32, #tpu.memory_space<vmem>> -> memref<128x128xf32, #tpu.memory_space<vmem>>
      %dma_start3A_130 = arith.constant 0 : i32
      %dma_start3A_131 = tpu.memref_slice %arg7[%dma_start3A_126, %dma_start3A_130] : memref<8x128xi32, #tpu.memory_space<vmem>> -> memref<1x128xi32, #tpu.memory_space<vmem>>
      %dma_start3A_132 = tpu.memref_squeeze %dma_start3A_131 : memref<1x128xi32, #tpu.memory_space<vmem>> -> memref<128xi32, #tpu.memory_space<vmem>>
      %dma_start3A_133 = arith.constant 0 : i32
      %dma_start3A_134 = arith.constant 0 : i32
      %dma_start3A_135 = tpu.memref_slice %arg5[%dma_start3A_133, %dma_start3A_134] : memref<262144x128xf32, #tpu.memory_space<hbm>> -> memref<262144x128xf32, #tpu.memory_space<hbm>>
      tpu.enqueue_indirect_dma source(%dma_start3A_129 : memref<128x128xf32, #tpu.memory_space<vmem>>) target(%dma_start3A_135 : memref<262144x128xf32, #tpu.memory_space<hbm>>) offsets(%dma_start3A_132 : memref<128xi32, #tpu.memory_space<vmem>>) semaphore(%arg13 : memref<!tpu.dma_semaphore, #tpu.memory_space<semaphore_mem>>)
      %dma_start3A_136 = arith.constant 3 : i32
      %dma_start3A_137 = arith.constant 128 : i32
      %dma_start3A_138 = arith.constant 0 : i32
      %dma_start3A_139 = tpu.memref_slice %arg9[%dma_start3A_137, %dma_start3A_138] : memref<256x128xf32, #tpu.memory_space<vmem>> -> memref<128x128xf32, #tpu.memory_space<vmem>>
      %dma_start3A_140 = arith.constant 0 : i32
      %dma_start3A_141 = tpu.memref_slice %arg7[%dma_start3A_136, %dma_start3A_140] : memref<8x128xi32, #tpu.memory_space<vmem>> -> memref<1x128xi32, #tpu.memory_space<vmem>>
      %dma_start3A_142 = tpu.memref_squeeze %dma_start3A_141 : memref<1x128xi32, #tpu.memory_space<vmem>> -> memref<128xi32, #tpu.memory_space<vmem>>
      %dma_start3A_143 = arith.constant 0 : i32
      %dma_start3A_144 = arith.constant 0 : i32
      %dma_start3A_145 = tpu.memref_slice %arg5[%dma_start3A_143, %dma_start3A_144] : memref<262144x128xf32, #tpu.memory_space<hbm>> -> memref<262144x128xf32, #tpu.memory_space<hbm>>
      tpu.enqueue_indirect_dma source(%dma_start3A_139 : memref<128x128xf32, #tpu.memory_space<vmem>>) target(%dma_start3A_145 : memref<262144x128xf32, #tpu.memory_space<hbm>>) offsets(%dma_start3A_142 : memref<128xi32, #tpu.memory_space<vmem>>) semaphore(%arg13 : memref<!tpu.dma_semaphore, #tpu.memory_space<semaphore_mem>>)
      %dma_wait3A_146 = arith.constant 0 : i32
      %dma_wait3A_147 = arith.constant 0 : i32
      %dma_wait3A_148 = arith.constant 0 : i32
      %dma_wait3A_149 = tpu.memref_slice %arg8[%dma_wait3A_147, %dma_wait3A_148] : memref<256x128xf32, #tpu.memory_space<vmem>> -> memref<128x128xf32, #tpu.memory_space<vmem>>
      %dma_wait3A_150 = arith.constant 0 : i32
      %dma_wait3A_151 = tpu.memref_slice %arg7[%dma_wait3A_146, %dma_wait3A_150] : memref<8x128xi32, #tpu.memory_space<vmem>> -> memref<1x128xi32, #tpu.memory_space<vmem>>
      %dma_wait3A_152 = tpu.memref_squeeze %dma_wait3A_151 : memref<1x128xi32, #tpu.memory_space<vmem>> -> memref<128xi32, #tpu.memory_space<vmem>>
      %dma_wait3A_153 = arith.constant 0 : i32
      %dma_wait3A_154 = arith.constant 0 : i32
      %dma_wait3A_155 = tpu.memref_slice %arg5[%dma_wait3A_153, %dma_wait3A_154] : memref<262144x128xf32, #tpu.memory_space<hbm>> -> memref<262144x128xf32, #tpu.memory_space<hbm>>
      tpu.wait_indirect_dma semaphore(%arg12 : memref<!tpu.dma_semaphore, #tpu.memory_space<semaphore_mem>>) src(%dma_wait3A_149 : memref<128x128xf32, #tpu.memory_space<vmem>>) dst(%dma_wait3A_155 : memref<262144x128xf32, #tpu.memory_space<hbm>>)
      %dma_wait3A_156 = arith.constant 1 : i32
      %dma_wait3A_157 = arith.constant 128 : i32
      %dma_wait3A_158 = arith.constant 0 : i32
      %dma_wait3A_159 = tpu.memref_slice %arg8[%dma_wait3A_157, %dma_wait3A_158] : memref<256x128xf32, #tpu.memory_space<vmem>> -> memref<128x128xf32, #tpu.memory_space<vmem>>
      %dma_wait3A_160 = arith.constant 0 : i32
      %dma_wait3A_161 = tpu.memref_slice %arg7[%dma_wait3A_156, %dma_wait3A_160] : memref<8x128xi32, #tpu.memory_space<vmem>> -> memref<1x128xi32, #tpu.memory_space<vmem>>
      %dma_wait3A_162 = tpu.memref_squeeze %dma_wait3A_161 : memref<1x128xi32, #tpu.memory_space<vmem>> -> memref<128xi32, #tpu.memory_space<vmem>>
      %dma_wait3A_163 = arith.constant 0 : i32
      %dma_wait3A_164 = arith.constant 0 : i32
      %dma_wait3A_165 = tpu.memref_slice %arg5[%dma_wait3A_163, %dma_wait3A_164] : memref<262144x128xf32, #tpu.memory_space<hbm>> -> memref<262144x128xf32, #tpu.memory_space<hbm>>
      tpu.wait_indirect_dma semaphore(%arg12 : memref<!tpu.dma_semaphore, #tpu.memory_space<semaphore_mem>>) src(%dma_wait3A_159 : memref<128x128xf32, #tpu.memory_space<vmem>>) dst(%dma_wait3A_165 : memref<262144x128xf32, #tpu.memory_space<hbm>>)
      %dma_start3A_166 = arith.constant 4 : i32
      %dma_start3A_167 = arith.constant 0 : i32
      %dma_start3A_168 = arith.constant 0 : i32
      %dma_start3A_169 = tpu.memref_slice %arg8[%dma_start3A_167, %dma_start3A_168] : memref<256x128xf32, #tpu.memory_space<vmem>> -> memref<128x128xf32, #tpu.memory_space<vmem>>
      %dma_start3A_170 = arith.constant 0 : i32
      %dma_start3A_171 = tpu.memref_slice %arg6[%dma_start3A_166, %dma_start3A_170] : memref<8x128xi32, #tpu.memory_space<vmem>> -> memref<1x128xi32, #tpu.memory_space<vmem>>
      %dma_start3A_172 = tpu.memref_squeeze %dma_start3A_171 : memref<1x128xi32, #tpu.memory_space<vmem>> -> memref<128xi32, #tpu.memory_space<vmem>>
      %dma_start3A_173 = arith.constant 0 : i32
      %dma_start3A_174 = arith.constant 0 : i32
      %dma_start3A_175 = tpu.memref_slice %arg2[%dma_start3A_173, %dma_start3A_174] : memref<1600000x128xf32, #tpu.memory_space<hbm>> -> memref<1600000x128xf32, #tpu.memory_space<hbm>>
      tpu.enqueue_indirect_dma source(%dma_start3A_175 : memref<1600000x128xf32, #tpu.memory_space<hbm>>) target(%dma_start3A_169 : memref<128x128xf32, #tpu.memory_space<vmem>>) offsets(%dma_start3A_172 : memref<128xi32, #tpu.memory_space<vmem>>) semaphore(%arg10 : memref<!tpu.dma_semaphore, #tpu.memory_space<semaphore_mem>>)
      %dma_start3A_176 = arith.constant 5 : i32
      %dma_start3A_177 = arith.constant 128 : i32
      %dma_start3A_178 = arith.constant 0 : i32
      %dma_start3A_179 = tpu.memref_slice %arg8[%dma_start3A_177, %dma_start3A_178] : memref<256x128xf32, #tpu.memory_space<vmem>> -> memref<128x128xf32, #tpu.memory_space<vmem>>
      %dma_start3A_180 = arith.constant 0 : i32
      %dma_start3A_181 = tpu.memref_slice %arg6[%dma_start3A_176, %dma_start3A_180] : memref<8x128xi32, #tpu.memory_space<vmem>> -> memref<1x128xi32, #tpu.memory_space<vmem>>
      %dma_start3A_182 = tpu.memref_squeeze %dma_start3A_181 : memref<1x128xi32, #tpu.memory_space<vmem>> -> memref<128xi32, #tpu.memory_space<vmem>>
      %dma_start3A_183 = arith.constant 0 : i32
      %dma_start3A_184 = arith.constant 0 : i32
      %dma_start3A_185 = tpu.memref_slice %arg2[%dma_start3A_183, %dma_start3A_184] : memref<1600000x128xf32, #tpu.memory_space<hbm>> -> memref<1600000x128xf32, #tpu.memory_space<hbm>>
      tpu.enqueue_indirect_dma source(%dma_start3A_185 : memref<1600000x128xf32, #tpu.memory_space<hbm>>) target(%dma_start3A_179 : memref<128x128xf32, #tpu.memory_space<vmem>>) offsets(%dma_start3A_182 : memref<128xi32, #tpu.memory_space<vmem>>) semaphore(%arg10 : memref<!tpu.dma_semaphore, #tpu.memory_space<semaphore_mem>>)
      %dma_wait3A_186 = arith.constant 4 : i32
      %dma_wait3A_187 = arith.constant 0 : i32
      %dma_wait3A_188 = arith.constant 0 : i32
      %dma_wait3A_189 = tpu.memref_slice %arg8[%dma_wait3A_187, %dma_wait3A_188] : memref<256x128xf32, #tpu.memory_space<vmem>> -> memref<128x128xf32, #tpu.memory_space<vmem>>
      %dma_wait3A_190 = arith.constant 0 : i32
      %dma_wait3A_191 = tpu.memref_slice %arg6[%dma_wait3A_186, %dma_wait3A_190] : memref<8x128xi32, #tpu.memory_space<vmem>> -> memref<1x128xi32, #tpu.memory_space<vmem>>
      %dma_wait3A_192 = tpu.memref_squeeze %dma_wait3A_191 : memref<1x128xi32, #tpu.memory_space<vmem>> -> memref<128xi32, #tpu.memory_space<vmem>>
      %dma_wait3A_193 = arith.constant 0 : i32
      %dma_wait3A_194 = arith.constant 0 : i32
      %dma_wait3A_195 = tpu.memref_slice %arg2[%dma_wait3A_193, %dma_wait3A_194] : memref<1600000x128xf32, #tpu.memory_space<hbm>> -> memref<1600000x128xf32, #tpu.memory_space<hbm>>
      tpu.wait_indirect_dma semaphore(%arg10 : memref<!tpu.dma_semaphore, #tpu.memory_space<semaphore_mem>>) src(%dma_wait3A_195 : memref<1600000x128xf32, #tpu.memory_space<hbm>>) dst(%dma_wait3A_189 : memref<128x128xf32, #tpu.memory_space<vmem>>)
      %dma_wait3A_196 = arith.constant 5 : i32
      %dma_wait3A_197 = arith.constant 128 : i32
      %dma_wait3A_198 = arith.constant 0 : i32
      %dma_wait3A_199 = tpu.memref_slice %arg8[%dma_wait3A_197, %dma_wait3A_198] : memref<256x128xf32, #tpu.memory_space<vmem>> -> memref<128x128xf32, #tpu.memory_space<vmem>>
      %dma_wait3A_200 = arith.constant 0 : i32
      %dma_wait3A_201 = tpu.memref_slice %arg6[%dma_wait3A_196, %dma_wait3A_200] : memref<8x128xi32, #tpu.memory_space<vmem>> -> memref<1x128xi32, #tpu.memory_space<vmem>>
      %dma_wait3A_202 = tpu.memref_squeeze %dma_wait3A_201 : memref<1x128xi32, #tpu.memory_space<vmem>> -> memref<128xi32, #tpu.memory_space<vmem>>
      %dma_wait3A_203 = arith.constant 0 : i32
      %dma_wait3A_204 = arith.constant 0 : i32
      %dma_wait3A_205 = tpu.memref_slice %arg2[%dma_wait3A_203, %dma_wait3A_204] : memref<1600000x128xf32, #tpu.memory_space<hbm>> -> memref<1600000x128xf32, #tpu.memory_space<hbm>>
      tpu.wait_indirect_dma semaphore(%arg10 : memref<!tpu.dma_semaphore, #tpu.memory_space<semaphore_mem>>) src(%dma_wait3A_205 : memref<1600000x128xf32, #tpu.memory_space<hbm>>) dst(%dma_wait3A_199 : memref<128x128xf32, #tpu.memory_space<vmem>>)
      %dma_start3A_206 = arith.constant 4 : i32
      %dma_start3A_207 = arith.constant 0 : i32
      %dma_start3A_208 = arith.constant 0 : i32
      %dma_start3A_209 = tpu.memref_slice %arg8[%dma_start3A_207, %dma_start3A_208] : memref<256x128xf32, #tpu.memory_space<vmem>> -> memref<128x128xf32, #tpu.memory_space<vmem>>
      %dma_start3A_210 = arith.constant 0 : i32
      %dma_start3A_211 = tpu.memref_slice %arg7[%dma_start3A_206, %dma_start3A_210] : memref<8x128xi32, #tpu.memory_space<vmem>> -> memref<1x128xi32, #tpu.memory_space<vmem>>
      %dma_start3A_212 = tpu.memref_squeeze %dma_start3A_211 : memref<1x128xi32, #tpu.memory_space<vmem>> -> memref<128xi32, #tpu.memory_space<vmem>>
      %dma_start3A_213 = arith.constant 0 : i32
      %dma_start3A_214 = arith.constant 0 : i32
      %dma_start3A_215 = tpu.memref_slice %arg5[%dma_start3A_213, %dma_start3A_214] : memref<262144x128xf32, #tpu.memory_space<hbm>> -> memref<262144x128xf32, #tpu.memory_space<hbm>>
      tpu.enqueue_indirect_dma source(%dma_start3A_209 : memref<128x128xf32, #tpu.memory_space<vmem>>) target(%dma_start3A_215 : memref<262144x128xf32, #tpu.memory_space<hbm>>) offsets(%dma_start3A_212 : memref<128xi32, #tpu.memory_space<vmem>>) semaphore(%arg12 : memref<!tpu.dma_semaphore, #tpu.memory_space<semaphore_mem>>)
      %dma_start3A_216 = arith.constant 5 : i32
      %dma_start3A_217 = arith.constant 128 : i32
      %dma_start3A_218 = arith.constant 0 : i32
      %dma_start3A_219 = tpu.memref_slice %arg8[%dma_start3A_217, %dma_start3A_218] : memref<256x128xf32, #tpu.memory_space<vmem>> -> memref<128x128xf32, #tpu.memory_space<vmem>>
      %dma_start3A_220 = arith.constant 0 : i32
      %dma_start3A_221 = tpu.memref_slice %arg7[%dma_start3A_216, %dma_start3A_220] : memref<8x128xi32, #tpu.memory_space<vmem>> -> memref<1x128xi32, #tpu.memory_space<vmem>>
      %dma_start3A_222 = tpu.memref_squeeze %dma_start3A_221 : memref<1x128xi32, #tpu.memory_space<vmem>> -> memref<128xi32, #tpu.memory_space<vmem>>
      %dma_start3A_223 = arith.constant 0 : i32
      %dma_start3A_224 = arith.constant 0 : i32
      %dma_start3A_225 = tpu.memref_slice %arg5[%dma_start3A_223, %dma_start3A_224] : memref<262144x128xf32, #tpu.memory_space<hbm>> -> memref<262144x128xf32, #tpu.memory_space<hbm>>
      tpu.enqueue_indirect_dma source(%dma_start3A_219 : memref<128x128xf32, #tpu.memory_space<vmem>>) target(%dma_start3A_225 : memref<262144x128xf32, #tpu.memory_space<hbm>>) offsets(%dma_start3A_222 : memref<128xi32, #tpu.memory_space<vmem>>) semaphore(%arg12 : memref<!tpu.dma_semaphore, #tpu.memory_space<semaphore_mem>>)
      %dma_wait3A_226 = arith.constant 2 : i32
      %dma_wait3A_227 = arith.constant 0 : i32
      %dma_wait3A_228 = arith.constant 0 : i32
      %dma_wait3A_229 = tpu.memref_slice %arg9[%dma_wait3A_227, %dma_wait3A_228] : memref<256x128xf32, #tpu.memory_space<vmem>> -> memref<128x128xf32, #tpu.memory_space<vmem>>
      %dma_wait3A_230 = arith.constant 0 : i32
      %dma_wait3A_231 = tpu.memref_slice %arg7[%dma_wait3A_226, %dma_wait3A_230] : memref<8x128xi32, #tpu.memory_space<vmem>> -> memref<1x128xi32, #tpu.memory_space<vmem>>
      %dma_wait3A_232 = tpu.memref_squeeze %dma_wait3A_231 : memref<1x128xi32, #tpu.memory_space<vmem>> -> memref<128xi32, #tpu.memory_space<vmem>>
      %dma_wait3A_233 = arith.constant 0 : i32
      %dma_wait3A_234 = arith.constant 0 : i32
      %dma_wait3A_235 = tpu.memref_slice %arg5[%dma_wait3A_233, %dma_wait3A_234] : memref<262144x128xf32, #tpu.memory_space<hbm>> -> memref<262144x128xf32, #tpu.memory_space<hbm>>
      tpu.wait_indirect_dma semaphore(%arg13 : memref<!tpu.dma_semaphore, #tpu.memory_space<semaphore_mem>>) src(%dma_wait3A_229 : memref<128x128xf32, #tpu.memory_space<vmem>>) dst(%dma_wait3A_235 : memref<262144x128xf32, #tpu.memory_space<hbm>>)
      %dma_wait3A_236 = arith.constant 3 : i32
      %dma_wait3A_237 = arith.constant 128 : i32
      %dma_wait3A_238 = arith.constant 0 : i32
      %dma_wait3A_239 = tpu.memref_slice %arg9[%dma_wait3A_237, %dma_wait3A_238] : memref<256x128xf32, #tpu.memory_space<vmem>> -> memref<128x128xf32, #tpu.memory_space<vmem>>
      %dma_wait3A_240 = arith.constant 0 : i32
      %dma_wait3A_241 = tpu.memref_slice %arg7[%dma_wait3A_236, %dma_wait3A_240] : memref<8x128xi32, #tpu.memory_space<vmem>> -> memref<1x128xi32, #tpu.memory_space<vmem>>
      %dma_wait3A_242 = tpu.memref_squeeze %dma_wait3A_241 : memref<1x128xi32, #tpu.memory_space<vmem>> -> memref<128xi32, #tpu.memory_space<vmem>>
      %dma_wait3A_243 = arith.constant 0 : i32
      %dma_wait3A_244 = arith.constant 0 : i32
      %dma_wait3A_245 = tpu.memref_slice %arg5[%dma_wait3A_243, %dma_wait3A_244] : memref<262144x128xf32, #tpu.memory_space<hbm>> -> memref<262144x128xf32, #tpu.memory_space<hbm>>
      tpu.wait_indirect_dma semaphore(%arg13 : memref<!tpu.dma_semaphore, #tpu.memory_space<semaphore_mem>>) src(%dma_wait3A_239 : memref<128x128xf32, #tpu.memory_space<vmem>>) dst(%dma_wait3A_245 : memref<262144x128xf32, #tpu.memory_space<hbm>>)
      %dma_start3A_246 = arith.constant 6 : i32
      %dma_start3A_247 = arith.constant 0 : i32
      %dma_start3A_248 = arith.constant 0 : i32
      %dma_start3A_249 = tpu.memref_slice %arg9[%dma_start3A_247, %dma_start3A_248] : memref<256x128xf32, #tpu.memory_space<vmem>> -> memref<128x128xf32, #tpu.memory_space<vmem>>
      %dma_start3A_250 = arith.constant 0 : i32
      %dma_start3A_251 = tpu.memref_slice %arg6[%dma_start3A_246, %dma_start3A_250] : memref<8x128xi32, #tpu.memory_space<vmem>> -> memref<1x128xi32, #tpu.memory_space<vmem>>
      %dma_start3A_252 = tpu.memref_squeeze %dma_start3A_251 : memref<1x128xi32, #tpu.memory_space<vmem>> -> memref<128xi32, #tpu.memory_space<vmem>>
      %dma_start3A_253 = arith.constant 0 : i32
      %dma_start3A_254 = arith.constant 0 : i32
      %dma_start3A_255 = tpu.memref_slice %arg2[%dma_start3A_253, %dma_start3A_254] : memref<1600000x128xf32, #tpu.memory_space<hbm>> -> memref<1600000x128xf32, #tpu.memory_space<hbm>>
      tpu.enqueue_indirect_dma source(%dma_start3A_255 : memref<1600000x128xf32, #tpu.memory_space<hbm>>) target(%dma_start3A_249 : memref<128x128xf32, #tpu.memory_space<vmem>>) offsets(%dma_start3A_252 : memref<128xi32, #tpu.memory_space<vmem>>) semaphore(%arg11 : memref<!tpu.dma_semaphore, #tpu.memory_space<semaphore_mem>>)
      %dma_start3A_256 = arith.constant 7 : i32
      %dma_start3A_257 = arith.constant 128 : i32
      %dma_start3A_258 = arith.constant 0 : i32
      %dma_start3A_259 = tpu.memref_slice %arg9[%dma_start3A_257, %dma_start3A_258] : memref<256x128xf32, #tpu.memory_space<vmem>> -> memref<128x128xf32, #tpu.memory_space<vmem>>
      %dma_start3A_260 = arith.constant 0 : i32
      %dma_start3A_261 = tpu.memref_slice %arg6[%dma_start3A_256, %dma_start3A_260] : memref<8x128xi32, #tpu.memory_space<vmem>> -> memref<1x128xi32, #tpu.memory_space<vmem>>
      %dma_start3A_262 = tpu.memref_squeeze %dma_start3A_261 : memref<1x128xi32, #tpu.memory_space<vmem>> -> memref<128xi32, #tpu.memory_space<vmem>>
      %dma_start3A_263 = arith.constant 0 : i32
      %dma_start3A_264 = arith.constant 0 : i32
      %dma_start3A_265 = tpu.memref_slice %arg2[%dma_start3A_263, %dma_start3A_264] : memref<1600000x128xf32, #tpu.memory_space<hbm>> -> memref<1600000x128xf32, #tpu.memory_space<hbm>>
      tpu.enqueue_indirect_dma source(%dma_start3A_265 : memref<1600000x128xf32, #tpu.memory_space<hbm>>) target(%dma_start3A_259 : memref<128x128xf32, #tpu.memory_space<vmem>>) offsets(%dma_start3A_262 : memref<128xi32, #tpu.memory_space<vmem>>) semaphore(%arg11 : memref<!tpu.dma_semaphore, #tpu.memory_space<semaphore_mem>>)
      %dma_wait3A_266 = arith.constant 6 : i32
      %dma_wait3A_267 = arith.constant 0 : i32
      %dma_wait3A_268 = arith.constant 0 : i32
      %dma_wait3A_269 = tpu.memref_slice %arg9[%dma_wait3A_267, %dma_wait3A_268] : memref<256x128xf32, #tpu.memory_space<vmem>> -> memref<128x128xf32, #tpu.memory_space<vmem>>
      %dma_wait3A_270 = arith.constant 0 : i32
      %dma_wait3A_271 = tpu.memref_slice %arg6[%dma_wait3A_266, %dma_wait3A_270] : memref<8x128xi32, #tpu.memory_space<vmem>> -> memref<1x128xi32, #tpu.memory_space<vmem>>
      %dma_wait3A_272 = tpu.memref_squeeze %dma_wait3A_271 : memref<1x128xi32, #tpu.memory_space<vmem>> -> memref<128xi32, #tpu.memory_space<vmem>>
      %dma_wait3A_273 = arith.constant 0 : i32
      %dma_wait3A_274 = arith.constant 0 : i32
      %dma_wait3A_275 = tpu.memref_slice %arg2[%dma_wait3A_273, %dma_wait3A_274] : memref<1600000x128xf32, #tpu.memory_space<hbm>> -> memref<1600000x128xf32, #tpu.memory_space<hbm>>
      tpu.wait_indirect_dma semaphore(%arg11 : memref<!tpu.dma_semaphore, #tpu.memory_space<semaphore_mem>>) src(%dma_wait3A_275 : memref<1600000x128xf32, #tpu.memory_space<hbm>>) dst(%dma_wait3A_269 : memref<128x128xf32, #tpu.memory_space<vmem>>)
      %dma_wait3A_276 = arith.constant 7 : i32
      %dma_wait3A_277 = arith.constant 128 : i32
      %dma_wait3A_278 = arith.constant 0 : i32
      %dma_wait3A_279 = tpu.memref_slice %arg9[%dma_wait3A_277, %dma_wait3A_278] : memref<256x128xf32, #tpu.memory_space<vmem>> -> memref<128x128xf32, #tpu.memory_space<vmem>>
      %dma_wait3A_280 = arith.constant 0 : i32
      %dma_wait3A_281 = tpu.memref_slice %arg6[%dma_wait3A_276, %dma_wait3A_280] : memref<8x128xi32, #tpu.memory_space<vmem>> -> memref<1x128xi32, #tpu.memory_space<vmem>>
      %dma_wait3A_282 = tpu.memref_squeeze %dma_wait3A_281 : memref<1x128xi32, #tpu.memory_space<vmem>> -> memref<128xi32, #tpu.memory_space<vmem>>
      %dma_wait3A_283 = arith.constant 0 : i32
      %dma_wait3A_284 = arith.constant 0 : i32
      %dma_wait3A_285 = tpu.memref_slice %arg2[%dma_wait3A_283, %dma_wait3A_284] : memref<1600000x128xf32, #tpu.memory_space<hbm>> -> memref<1600000x128xf32, #tpu.memory_space<hbm>>
      tpu.wait_indirect_dma semaphore(%arg11 : memref<!tpu.dma_semaphore, #tpu.memory_space<semaphore_mem>>) src(%dma_wait3A_285 : memref<1600000x128xf32, #tpu.memory_space<hbm>>) dst(%dma_wait3A_279 : memref<128x128xf32, #tpu.memory_space<vmem>>)
      %dma_start3A_286 = arith.constant 6 : i32
      %dma_start3A_287 = arith.constant 0 : i32
      %dma_start3A_288 = arith.constant 0 : i32
      %dma_start3A_289 = tpu.memref_slice %arg9[%dma_start3A_287, %dma_start3A_288] : memref<256x128xf32, #tpu.memory_space<vmem>> -> memref<128x128xf32, #tpu.memory_space<vmem>>
      %dma_start3A_290 = arith.constant 0 : i32
      %dma_start3A_291 = tpu.memref_slice %arg7[%dma_start3A_286, %dma_start3A_290] : memref<8x128xi32, #tpu.memory_space<vmem>> -> memref<1x128xi32, #tpu.memory_space<vmem>>
      %dma_start3A_292 = tpu.memref_squeeze %dma_start3A_291 : memref<1x128xi32, #tpu.memory_space<vmem>> -> memref<128xi32, #tpu.memory_space<vmem>>
      %dma_start3A_293 = arith.constant 0 : i32
      %dma_start3A_294 = arith.constant 0 : i32
      %dma_start3A_295 = tpu.memref_slice %arg5[%dma_start3A_293, %dma_start3A_294] : memref<262144x128xf32, #tpu.memory_space<hbm>> -> memref<262144x128xf32, #tpu.memory_space<hbm>>
      tpu.enqueue_indirect_dma source(%dma_start3A_289 : memref<128x128xf32, #tpu.memory_space<vmem>>) target(%dma_start3A_295 : memref<262144x128xf32, #tpu.memory_space<hbm>>) offsets(%dma_start3A_292 : memref<128xi32, #tpu.memory_space<vmem>>) semaphore(%arg13 : memref<!tpu.dma_semaphore, #tpu.memory_space<semaphore_mem>>)
      %dma_start3A_296 = arith.constant 7 : i32
      %dma_start3A_297 = arith.constant 128 : i32
      %dma_start3A_298 = arith.constant 0 : i32
      %dma_start3A_299 = tpu.memref_slice %arg9[%dma_start3A_297, %dma_start3A_298] : memref<256x128xf32, #tpu.memory_space<vmem>> -> memref<128x128xf32, #tpu.memory_space<vmem>>
      %dma_start3A_300 = arith.constant 0 : i32
      %dma_start3A_301 = tpu.memref_slice %arg7[%dma_start3A_296, %dma_start3A_300] : memref<8x128xi32, #tpu.memory_space<vmem>> -> memref<1x128xi32, #tpu.memory_space<vmem>>
      %dma_start3A_302 = tpu.memref_squeeze %dma_start3A_301 : memref<1x128xi32, #tpu.memory_space<vmem>> -> memref<128xi32, #tpu.memory_space<vmem>>
      %dma_start3A_303 = arith.constant 0 : i32
      %dma_start3A_304 = arith.constant 0 : i32
      %dma_start3A_305 = tpu.memref_slice %arg5[%dma_start3A_303, %dma_start3A_304] : memref<262144x128xf32, #tpu.memory_space<hbm>> -> memref<262144x128xf32, #tpu.memory_space<hbm>>
      tpu.enqueue_indirect_dma source(%dma_start3A_299 : memref<128x128xf32, #tpu.memory_space<vmem>>) target(%dma_start3A_305 : memref<262144x128xf32, #tpu.memory_space<hbm>>) offsets(%dma_start3A_302 : memref<128xi32, #tpu.memory_space<vmem>>) semaphore(%arg13 : memref<!tpu.dma_semaphore, #tpu.memory_space<semaphore_mem>>)
      %dma_wait3A_306 = arith.constant 4 : i32
      %dma_wait3A_307 = arith.constant 0 : i32
      %dma_wait3A_308 = arith.constant 0 : i32
      %dma_wait3A_309 = tpu.memref_slice %arg8[%dma_wait3A_307, %dma_wait3A_308] : memref<256x128xf32, #tpu.memory_space<vmem>> -> memref<128x128xf32, #tpu.memory_space<vmem>>
      %dma_wait3A_310 = arith.constant 0 : i32
      %dma_wait3A_311 = tpu.memref_slice %arg7[%dma_wait3A_306, %dma_wait3A_310] : memref<8x128xi32, #tpu.memory_space<vmem>> -> memref<1x128xi32, #tpu.memory_space<vmem>>
      %dma_wait3A_312 = tpu.memref_squeeze %dma_wait3A_311 : memref<1x128xi32, #tpu.memory_space<vmem>> -> memref<128xi32, #tpu.memory_space<vmem>>
      %dma_wait3A_313 = arith.constant 0 : i32
      %dma_wait3A_314 = arith.constant 0 : i32
      %dma_wait3A_315 = tpu.memref_slice %arg5[%dma_wait3A_313, %dma_wait3A_314] : memref<262144x128xf32, #tpu.memory_space<hbm>> -> memref<262144x128xf32, #tpu.memory_space<hbm>>
      tpu.wait_indirect_dma semaphore(%arg12 : memref<!tpu.dma_semaphore, #tpu.memory_space<semaphore_mem>>) src(%dma_wait3A_309 : memref<128x128xf32, #tpu.memory_space<vmem>>) dst(%dma_wait3A_315 : memref<262144x128xf32, #tpu.memory_space<hbm>>)
      %dma_wait3A_316 = arith.constant 5 : i32
      %dma_wait3A_317 = arith.constant 128 : i32
      %dma_wait3A_318 = arith.constant 0 : i32
      %dma_wait3A_319 = tpu.memref_slice %arg8[%dma_wait3A_317, %dma_wait3A_318] : memref<256x128xf32, #tpu.memory_space<vmem>> -> memref<128x128xf32, #tpu.memory_space<vmem>>
      %dma_wait3A_320 = arith.constant 0 : i32
      %dma_wait3A_321 = tpu.memref_slice %arg7[%dma_wait3A_316, %dma_wait3A_320] : memref<8x128xi32, #tpu.memory_space<vmem>> -> memref<1x128xi32, #tpu.memory_space<vmem>>
      %dma_wait3A_322 = tpu.memref_squeeze %dma_wait3A_321 : memref<1x128xi32, #tpu.memory_space<vmem>> -> memref<128xi32, #tpu.memory_space<vmem>>
      %dma_wait3A_323 = arith.constant 0 : i32
      %dma_wait3A_324 = arith.constant 0 : i32
      %dma_wait3A_325 = tpu.memref_slice %arg5[%dma_wait3A_323, %dma_wait3A_324] : memref<262144x128xf32, #tpu.memory_space<hbm>> -> memref<262144x128xf32, #tpu.memory_space<hbm>>
      tpu.wait_indirect_dma semaphore(%arg12 : memref<!tpu.dma_semaphore, #tpu.memory_space<semaphore_mem>>) src(%dma_wait3A_319 : memref<128x128xf32, #tpu.memory_space<vmem>>) dst(%dma_wait3A_325 : memref<262144x128xf32, #tpu.memory_space<hbm>>)
      %dma_wait3A_326 = arith.constant 6 : i32
      %dma_wait3A_327 = arith.constant 0 : i32
      %dma_wait3A_328 = arith.constant 0 : i32
      %dma_wait3A_329 = tpu.memref_slice %arg9[%dma_wait3A_327, %dma_wait3A_328] : memref<256x128xf32, #tpu.memory_space<vmem>> -> memref<128x128xf32, #tpu.memory_space<vmem>>
      %dma_wait3A_330 = arith.constant 0 : i32
      %dma_wait3A_331 = tpu.memref_slice %arg7[%dma_wait3A_326, %dma_wait3A_330] : memref<8x128xi32, #tpu.memory_space<vmem>> -> memref<1x128xi32, #tpu.memory_space<vmem>>
      %dma_wait3A_332 = tpu.memref_squeeze %dma_wait3A_331 : memref<1x128xi32, #tpu.memory_space<vmem>> -> memref<128xi32, #tpu.memory_space<vmem>>
      %dma_wait3A_333 = arith.constant 0 : i32
      %dma_wait3A_334 = arith.constant 0 : i32
      %dma_wait3A_335 = tpu.memref_slice %arg5[%dma_wait3A_333, %dma_wait3A_334] : memref<262144x128xf32, #tpu.memory_space<hbm>> -> memref<262144x128xf32, #tpu.memory_space<hbm>>
      tpu.wait_indirect_dma semaphore(%arg13 : memref<!tpu.dma_semaphore, #tpu.memory_space<semaphore_mem>>) src(%dma_wait3A_329 : memref<128x128xf32, #tpu.memory_space<vmem>>) dst(%dma_wait3A_335 : memref<262144x128xf32, #tpu.memory_space<hbm>>)
      %dma_wait3A_336 = arith.constant 7 : i32
      %dma_wait3A_337 = arith.constant 128 : i32
      %dma_wait3A_338 = arith.constant 0 : i32
      %dma_wait3A_339 = tpu.memref_slice %arg9[%dma_wait3A_337, %dma_wait3A_338] : memref<256x128xf32, #tpu.memory_space<vmem>> -> memref<128x128xf32, #tpu.memory_space<vmem>>
      %dma_wait3A_340 = arith.constant 0 : i32
      %dma_wait3A_341 = tpu.memref_slice %arg7[%dma_wait3A_336, %dma_wait3A_340] : memref<8x128xi32, #tpu.memory_space<vmem>> -> memref<1x128xi32, #tpu.memory_space<vmem>>
      %dma_wait3A_342 = tpu.memref_squeeze %dma_wait3A_341 : memref<1x128xi32, #tpu.memory_space<vmem>> -> memref<128xi32, #tpu.memory_space<vmem>>
      %dma_wait3A_343 = arith.constant 0 : i32
      %dma_wait3A_344 = arith.constant 0 : i32
      %dma_wait3A_345 = tpu.memref_slice %arg5[%dma_wait3A_343, %dma_wait3A_344] : memref<262144x128xf32, #tpu.memory_space<hbm>> -> memref<262144x128xf32, #tpu.memory_space<hbm>>
      tpu.wait_indirect_dma semaphore(%arg13 : memref<!tpu.dma_semaphore, #tpu.memory_space<semaphore_mem>>) src(%dma_wait3A_339 : memref<128x128xf32, #tpu.memory_space<vmem>>) dst(%dma_wait3A_345 : memref<262144x128xf32, #tpu.memory_space<hbm>>)
    }
    %scan3A_7 = arith.constant 8 : i32
    return
  }
}

#map = affine_map<(d0, d1) -> (0, 0)>
module attributes {stable_mosaic.version = 14 : i64} {
  func.func @k(%arg0: i32, %arg1: i32, %arg2: memref<1000000x128xf32, #tpu.memory_space<hbm>>, %arg3: memref<1280x128xi32, #tpu.memory_space<hbm>>, %arg4: memref<1280x128xi32, #tpu.memory_space<hbm>>, %arg5: memref<163840x128xf32, #tpu.memory_space<hbm>>, %arg6: memref<8x128xi32, #tpu.memory_space<vmem>>, %arg7: memref<8x128xi32, #tpu.memory_space<vmem>>, %arg8: memref<256x128xf32, #tpu.memory_space<vmem>>, %arg9: memref<256x128xf32, #tpu.memory_space<vmem>>, %arg10: memref<!tpu.dma_semaphore, #tpu.memory_space<semaphore_mem>>, %arg11: memref<!tpu.dma_semaphore, #tpu.memory_space<semaphore_mem>>, %arg12: memref<!tpu.dma_semaphore, #tpu.memory_space<semaphore_mem>>, %arg13: memref<!tpu.dma_semaphore, #tpu.memory_space<semaphore_mem>>) attributes {dimension_semantics = [#tpu.dimension_semantics<core_parallel>, #tpu.dimension_semantics<subcore_parallel>], iteration_bounds = array<i64: 2, 16>, scalar_prefetch = 0 : i64, scratch_operands = 8 : i64, tpu.core_type = #tpu.core_type<sc_vector_subcore>, window_params = [{transform_indices = #map}, {transform_indices = #map}, {transform_indices = #map}, {transform_indices = #map}]} {
    %mul3A = arith.constant 2 : i32
    %mul3A_0 = arith.muli %arg1, %mul3A : i32
    %add3A = arith.addi %mul3A_0, %arg0 : i32
    %mul3A_1 = arith.constant 5120 : i32
    %mul3A_2 = arith.muli %add3A, %mul3A_1 : i32
    %scan3A = arith.constant 0 : i32
    %scan3A_3 = arith.constant 0 : i32
    %scan3A_4 = arith.constant 5 : i32
    %scan3A_5 = arith.addi %scan3A_3, %scan3A_4 : i32
    %scan3A_6 = arith.constant 1 : i32
    scf.for %scan3A_8 = %scan3A_3 to %scan3A_5 step %scan3A_6  : i32 {
      %mul3A_9 = arith.constant 1024 : i32
      %mul3A_10 = arith.muli %scan3A_8, %mul3A_9 : i32
      %add3A_11 = arith.addi %mul3A_2, %mul3A_10 : i32
      %jit3A = arith.constant 128 : i32
      %div3A = arith.divsi %add3A_11, %jit3A : i32
      %sign3A = arith.constant 0 : i32
      %sign3A_12 = arith.cmpi sgt, %add3A_11, %sign3A : i32
      %sign3A_13 = arith.extui %sign3A_12 : i1 to i32
      %sign3A_14 = arith.constant 0 : i32
      %sign3A_15 = arith.cmpi slt, %add3A_11, %sign3A_14 : i32
      %sign3A_16 = arith.extui %sign3A_15 : i1 to i32
      %sign3A_17 = arith.subi %sign3A_13, %sign3A_16 : i32
      %sign3A_18 = arith.constant 0 : i32
      %sign3A_19 = arith.cmpi sgt, %jit3A, %sign3A_18 : i32
      %sign3A_20 = arith.extui %sign3A_19 : i1 to i32
      %sign3A_21 = arith.constant 0 : i32
      %sign3A_22 = arith.cmpi slt, %jit3A, %sign3A_21 : i32
      %sign3A_23 = arith.extui %sign3A_22 : i1 to i32
      %sign3A_24 = arith.subi %sign3A_20, %sign3A_23 : i32
      %ne3A = arith.cmpi ne, %sign3A_17, %sign3A_24 : i32
      %rem3A = arith.remsi %add3A_11, %jit3A : i32
      %ne3A_25 = arith.constant 0 : i32
      %ne3A_26 = arith.cmpi ne, %rem3A, %ne3A_25 : i32
      %and3A = arith.andi %ne3A, %ne3A_26 : i1
      %sub3A = arith.constant 1 : i32
      %sub3A_27 = arith.subi %div3A, %sub3A : i32
      %select_n3A = arith.select %and3A, %sub3A_27, %div3A : i32
      %multiple_of3A = tpu.assume_multiple %select_n3A, 8 : i32
      "tpu.region"() ({
        %run_scoped3A = tpu.sem_alloc : memref<!tpu.dma_semaphore, #tpu.memory_space<semaphore_mem>>
        %dma_start3A_346 = arith.constant 0 : i32
        %dma_start3A_347 = tpu.memref_slice %arg3[%multiple_of3A, %dma_start3A_346] : memref<1280x128xi32, #tpu.memory_space<hbm>> -> memref<8x128xi32, #tpu.memory_space<hbm>>
        %dma_start3A_348 = arith.constant 0 : i32
        %dma_start3A_349 = tpu.memref_slice %arg3[%multiple_of3A, %dma_start3A_348] : memref<1280x128xi32, #tpu.memory_space<hbm>> -> memref<8x128xi32, #tpu.memory_space<hbm>>
        tpu.enqueue_dma source(%dma_start3A_349 : memref<8x128xi32, #tpu.memory_space<hbm>>) target(%arg6 : memref<8x128xi32, #tpu.memory_space<vmem>>) target_semaphore(%run_scoped3A : memref<!tpu.dma_semaphore, #tpu.memory_space<semaphore_mem>>)
        %dma_wait3A_350 = arith.constant 0 : i32
        %dma_wait3A_351 = tpu.memref_slice %arg3[%multiple_of3A, %dma_wait3A_350] : memref<1280x128xi32, #tpu.memory_space<hbm>> -> memref<8x128xi32, #tpu.memory_space<hbm>>
        %dma_wait3A_352 = arith.constant 0 : i32
        %dma_wait3A_353 = tpu.memref_slice %arg3[%multiple_of3A, %dma_wait3A_352] : memref<1280x128xi32, #tpu.memory_space<hbm>> -> memref<8x128xi32, #tpu.memory_space<hbm>>
        tpu.wait_dma2 semaphore(%run_scoped3A : memref<!tpu.dma_semaphore, #tpu.memory_space<semaphore_mem>>) src(%dma_wait3A_353 : memref<8x128xi32, #tpu.memory_space<hbm>>) dst(%arg6 : memref<8x128xi32, #tpu.memory_space<vmem>>)
        tpu.yield
      }) : () -> ()
      "tpu.region"() ({
        %run_scoped3A = tpu.sem_alloc : memref<!tpu.dma_semaphore, #tpu.memory_space<semaphore_mem>>
        %dma_start3A_346 = arith.constant 0 : i32
        %dma_start3A_347 = tpu.memref_slice %arg4[%multiple_of3A, %dma_start3A_346] : memref<1280x128xi32, #tpu.memory_space<hbm>> -> memref<8x128xi32, #tpu.memory_space<hbm>>
        %dma_start3A_348 = arith.constant 0 : i32
        %dma_start3A_349 = tpu.memref_slice %arg4[%multiple_of3A, %dma_start3A_348] : memref<1280x128xi32, #tpu.memory_space<hbm>> -> memref<8x128xi32, #tpu.memory_space<hbm>>
        tpu.enqueue_dma source(%dma_start3A_349 : memref<8x128xi32, #tpu.memory_space<hbm>>) target(%arg7 : memref<8x128xi32, #tpu.memory_space<vmem>>) target_semaphore(%run_scoped3A : memref<!tpu.dma_semaphore, #tpu.memory_space<semaphore_mem>>)
        %dma_wait3A_350 = arith.constant 0 : i32
        %dma_wait3A_351 = tpu.memref_slice %arg4[%multiple_of3A, %dma_wait3A_350] : memref<1280x128xi32, #tpu.memory_space<hbm>> -> memref<8x128xi32, #tpu.memory_space<hbm>>
        %dma_wait3A_352 = arith.constant 0 : i32
        %dma_wait3A_353 = tpu.memref_slice %arg4[%multiple_of3A, %dma_wait3A_352] : memref<1280x128xi32, #tpu.memory_space<hbm>> -> memref<8x128xi32, #tpu.memory_space<hbm>>
        tpu.wait_dma2 semaphore(%run_scoped3A : memref<!tpu.dma_semaphore, #tpu.memory_space<semaphore_mem>>) src(%dma_wait3A_353 : memref<8x128xi32, #tpu.memory_space<hbm>>) dst(%arg7 : memref<8x128xi32, #tpu.memory_space<vmem>>)
        tpu.yield
      }) : () -> ()
      %dma_start3A = arith.constant 0 : i32
      %dma_start3A_28 = arith.constant 0 : i32
      %dma_start3A_29 = arith.constant 0 : i32
      %dma_start3A_30 = tpu.memref_slice %arg8[%dma_start3A_28, %dma_start3A_29] : memref<256x128xf32, #tpu.memory_space<vmem>> -> memref<128x128xf32, #tpu.memory_space<vmem>>
      %dma_start3A_31 = arith.constant 0 : i32
      %dma_start3A_32 = tpu.memref_slice %arg6[%dma_start3A, %dma_start3A_31] : memref<8x128xi32, #tpu.memory_space<vmem>> -> memref<1x128xi32, #tpu.memory_space<vmem>>
      %dma_start3A_33 = tpu.memref_squeeze %dma_start3A_32 : memref<1x128xi32, #tpu.memory_space<vmem>> -> memref<128xi32, #tpu.memory_space<vmem>>
      %dma_start3A_34 = arith.constant 0 : i32
      %dma_start3A_35 = arith.constant 0 : i32
      %dma_start3A_36 = tpu.memref_slice %arg2[%dma_start3A_34, %dma_start3A_35] : memref<1000000x128xf32, #tpu.memory_space<hbm>> -> memref<1000000x128xf32, #tpu.memory_space<hbm>>
      tpu.enqueue_indirect_dma source(%dma_start3A_36 : memref<1000000x128xf32, #tpu.memory_space<hbm>>) target(%dma_start3A_30 : memref<128x128xf32, #tpu.memory_space<vmem>>) offsets(%dma_start3A_33 : memref<128xi32, #tpu.memory_space<vmem>>) semaphore(%arg10 : memref<!tpu.dma_semaphore, #tpu.memory_space<semaphore_mem>>)
      %dma_start3A_37 = arith.constant 1 : i32
      %dma_start3A_38 = arith.constant 128 : i32
      %dma_start3A_39 = arith.constant 0 : i32
      %dma_start3A_40 = tpu.memref_slice %arg8[%dma_start3A_38, %dma_start3A_39] : memref<256x128xf32, #tpu.memory_space<vmem>> -> memref<128x128xf32, #tpu.memory_space<vmem>>
      %dma_start3A_41 = arith.constant 0 : i32
      %dma_start3A_42 = tpu.memref_slice %arg6[%dma_start3A_37, %dma_start3A_41] : memref<8x128xi32, #tpu.memory_space<vmem>> -> memref<1x128xi32, #tpu.memory_space<vmem>>
      %dma_start3A_43 = tpu.memref_squeeze %dma_start3A_42 : memref<1x128xi32, #tpu.memory_space<vmem>> -> memref<128xi32, #tpu.memory_space<vmem>>
      %dma_start3A_44 = arith.constant 0 : i32
      %dma_start3A_45 = arith.constant 0 : i32
      %dma_start3A_46 = tpu.memref_slice %arg2[%dma_start3A_44, %dma_start3A_45] : memref<1000000x128xf32, #tpu.memory_space<hbm>> -> memref<1000000x128xf32, #tpu.memory_space<hbm>>
      tpu.enqueue_indirect_dma source(%dma_start3A_46 : memref<1000000x128xf32, #tpu.memory_space<hbm>>) target(%dma_start3A_40 : memref<128x128xf32, #tpu.memory_space<vmem>>) offsets(%dma_start3A_43 : memref<128xi32, #tpu.memory_space<vmem>>) semaphore(%arg10 : memref<!tpu.dma_semaphore, #tpu.memory_space<semaphore_mem>>)
      %dma_wait3A = arith.constant 0 : i32
      %dma_wait3A_47 = arith.constant 0 : i32
      %dma_wait3A_48 = arith.constant 0 : i32
      %dma_wait3A_49 = tpu.memref_slice %arg8[%dma_wait3A_47, %dma_wait3A_48] : memref<256x128xf32, #tpu.memory_space<vmem>> -> memref<128x128xf32, #tpu.memory_space<vmem>>
      %dma_wait3A_50 = arith.constant 0 : i32
      %dma_wait3A_51 = tpu.memref_slice %arg6[%dma_wait3A, %dma_wait3A_50] : memref<8x128xi32, #tpu.memory_space<vmem>> -> memref<1x128xi32, #tpu.memory_space<vmem>>
      %dma_wait3A_52 = tpu.memref_squeeze %dma_wait3A_51 : memref<1x128xi32, #tpu.memory_space<vmem>> -> memref<128xi32, #tpu.memory_space<vmem>>
      %dma_wait3A_53 = arith.constant 0 : i32
      %dma_wait3A_54 = arith.constant 0 : i32
      %dma_wait3A_55 = tpu.memref_slice %arg2[%dma_wait3A_53, %dma_wait3A_54] : memref<1000000x128xf32, #tpu.memory_space<hbm>> -> memref<1000000x128xf32, #tpu.memory_space<hbm>>
      tpu.wait_indirect_dma semaphore(%arg10 : memref<!tpu.dma_semaphore, #tpu.memory_space<semaphore_mem>>) src(%dma_wait3A_55 : memref<1000000x128xf32, #tpu.memory_space<hbm>>) dst(%dma_wait3A_49 : memref<128x128xf32, #tpu.memory_space<vmem>>)
      %dma_wait3A_56 = arith.constant 1 : i32
      %dma_wait3A_57 = arith.constant 128 : i32
      %dma_wait3A_58 = arith.constant 0 : i32
      %dma_wait3A_59 = tpu.memref_slice %arg8[%dma_wait3A_57, %dma_wait3A_58] : memref<256x128xf32, #tpu.memory_space<vmem>> -> memref<128x128xf32, #tpu.memory_space<vmem>>
      %dma_wait3A_60 = arith.constant 0 : i32
      %dma_wait3A_61 = tpu.memref_slice %arg6[%dma_wait3A_56, %dma_wait3A_60] : memref<8x128xi32, #tpu.memory_space<vmem>> -> memref<1x128xi32, #tpu.memory_space<vmem>>
      %dma_wait3A_62 = tpu.memref_squeeze %dma_wait3A_61 : memref<1x128xi32, #tpu.memory_space<vmem>> -> memref<128xi32, #tpu.memory_space<vmem>>
      %dma_wait3A_63 = arith.constant 0 : i32
      %dma_wait3A_64 = arith.constant 0 : i32
      %dma_wait3A_65 = tpu.memref_slice %arg2[%dma_wait3A_63, %dma_wait3A_64] : memref<1000000x128xf32, #tpu.memory_space<hbm>> -> memref<1000000x128xf32, #tpu.memory_space<hbm>>
      tpu.wait_indirect_dma semaphore(%arg10 : memref<!tpu.dma_semaphore, #tpu.memory_space<semaphore_mem>>) src(%dma_wait3A_65 : memref<1000000x128xf32, #tpu.memory_space<hbm>>) dst(%dma_wait3A_59 : memref<128x128xf32, #tpu.memory_space<vmem>>)
      %dma_start3A_66 = arith.constant 0 : i32
      %dma_start3A_67 = arith.constant 0 : i32
      %dma_start3A_68 = arith.constant 0 : i32
      %dma_start3A_69 = tpu.memref_slice %arg8[%dma_start3A_67, %dma_start3A_68] : memref<256x128xf32, #tpu.memory_space<vmem>> -> memref<128x128xf32, #tpu.memory_space<vmem>>
      %dma_start3A_70 = arith.constant 0 : i32
      %dma_start3A_71 = tpu.memref_slice %arg7[%dma_start3A_66, %dma_start3A_70] : memref<8x128xi32, #tpu.memory_space<vmem>> -> memref<1x128xi32, #tpu.memory_space<vmem>>
      %dma_start3A_72 = tpu.memref_squeeze %dma_start3A_71 : memref<1x128xi32, #tpu.memory_space<vmem>> -> memref<128xi32, #tpu.memory_space<vmem>>
      %dma_start3A_73 = arith.constant 0 : i32
      %dma_start3A_74 = arith.constant 0 : i32
      %dma_start3A_75 = tpu.memref_slice %arg5[%dma_start3A_73, %dma_start3A_74] : memref<163840x128xf32, #tpu.memory_space<hbm>> -> memref<163840x128xf32, #tpu.memory_space<hbm>>
      tpu.enqueue_indirect_dma source(%dma_start3A_69 : memref<128x128xf32, #tpu.memory_space<vmem>>) target(%dma_start3A_75 : memref<163840x128xf32, #tpu.memory_space<hbm>>) offsets(%dma_start3A_72 : memref<128xi32, #tpu.memory_space<vmem>>) semaphore(%arg12 : memref<!tpu.dma_semaphore, #tpu.memory_space<semaphore_mem>>)
      %dma_start3A_76 = arith.constant 1 : i32
      %dma_start3A_77 = arith.constant 128 : i32
      %dma_start3A_78 = arith.constant 0 : i32
      %dma_start3A_79 = tpu.memref_slice %arg8[%dma_start3A_77, %dma_start3A_78] : memref<256x128xf32, #tpu.memory_space<vmem>> -> memref<128x128xf32, #tpu.memory_space<vmem>>
      %dma_start3A_80 = arith.constant 0 : i32
      %dma_start3A_81 = tpu.memref_slice %arg7[%dma_start3A_76, %dma_start3A_80] : memref<8x128xi32, #tpu.memory_space<vmem>> -> memref<1x128xi32, #tpu.memory_space<vmem>>
      %dma_start3A_82 = tpu.memref_squeeze %dma_start3A_81 : memref<1x128xi32, #tpu.memory_space<vmem>> -> memref<128xi32, #tpu.memory_space<vmem>>
      %dma_start3A_83 = arith.constant 0 : i32
      %dma_start3A_84 = arith.constant 0 : i32
      %dma_start3A_85 = tpu.memref_slice %arg5[%dma_start3A_83, %dma_start3A_84] : memref<163840x128xf32, #tpu.memory_space<hbm>> -> memref<163840x128xf32, #tpu.memory_space<hbm>>
      tpu.enqueue_indirect_dma source(%dma_start3A_79 : memref<128x128xf32, #tpu.memory_space<vmem>>) target(%dma_start3A_85 : memref<163840x128xf32, #tpu.memory_space<hbm>>) offsets(%dma_start3A_82 : memref<128xi32, #tpu.memory_space<vmem>>) semaphore(%arg12 : memref<!tpu.dma_semaphore, #tpu.memory_space<semaphore_mem>>)
      %dma_start3A_86 = arith.constant 2 : i32
      %dma_start3A_87 = arith.constant 0 : i32
      %dma_start3A_88 = arith.constant 0 : i32
      %dma_start3A_89 = tpu.memref_slice %arg9[%dma_start3A_87, %dma_start3A_88] : memref<256x128xf32, #tpu.memory_space<vmem>> -> memref<128x128xf32, #tpu.memory_space<vmem>>
      %dma_start3A_90 = arith.constant 0 : i32
      %dma_start3A_91 = tpu.memref_slice %arg6[%dma_start3A_86, %dma_start3A_90] : memref<8x128xi32, #tpu.memory_space<vmem>> -> memref<1x128xi32, #tpu.memory_space<vmem>>
      %dma_start3A_92 = tpu.memref_squeeze %dma_start3A_91 : memref<1x128xi32, #tpu.memory_space<vmem>> -> memref<128xi32, #tpu.memory_space<vmem>>
      %dma_start3A_93 = arith.constant 0 : i32
      %dma_start3A_94 = arith.constant 0 : i32
      %dma_start3A_95 = tpu.memref_slice %arg2[%dma_start3A_93, %dma_start3A_94] : memref<1000000x128xf32, #tpu.memory_space<hbm>> -> memref<1000000x128xf32, #tpu.memory_space<hbm>>
      tpu.enqueue_indirect_dma source(%dma_start3A_95 : memref<1000000x128xf32, #tpu.memory_space<hbm>>) target(%dma_start3A_89 : memref<128x128xf32, #tpu.memory_space<vmem>>) offsets(%dma_start3A_92 : memref<128xi32, #tpu.memory_space<vmem>>) semaphore(%arg11 : memref<!tpu.dma_semaphore, #tpu.memory_space<semaphore_mem>>)
      %dma_start3A_96 = arith.constant 3 : i32
      %dma_start3A_97 = arith.constant 128 : i32
      %dma_start3A_98 = arith.constant 0 : i32
      %dma_start3A_99 = tpu.memref_slice %arg9[%dma_start3A_97, %dma_start3A_98] : memref<256x128xf32, #tpu.memory_space<vmem>> -> memref<128x128xf32, #tpu.memory_space<vmem>>
      %dma_start3A_100 = arith.constant 0 : i32
      %dma_start3A_101 = tpu.memref_slice %arg6[%dma_start3A_96, %dma_start3A_100] : memref<8x128xi32, #tpu.memory_space<vmem>> -> memref<1x128xi32, #tpu.memory_space<vmem>>
      %dma_start3A_102 = tpu.memref_squeeze %dma_start3A_101 : memref<1x128xi32, #tpu.memory_space<vmem>> -> memref<128xi32, #tpu.memory_space<vmem>>
      %dma_start3A_103 = arith.constant 0 : i32
      %dma_start3A_104 = arith.constant 0 : i32
      %dma_start3A_105 = tpu.memref_slice %arg2[%dma_start3A_103, %dma_start3A_104] : memref<1000000x128xf32, #tpu.memory_space<hbm>> -> memref<1000000x128xf32, #tpu.memory_space<hbm>>
      tpu.enqueue_indirect_dma source(%dma_start3A_105 : memref<1000000x128xf32, #tpu.memory_space<hbm>>) target(%dma_start3A_99 : memref<128x128xf32, #tpu.memory_space<vmem>>) offsets(%dma_start3A_102 : memref<128xi32, #tpu.memory_space<vmem>>) semaphore(%arg11 : memref<!tpu.dma_semaphore, #tpu.memory_space<semaphore_mem>>)
      %dma_wait3A_106 = arith.constant 2 : i32
      %dma_wait3A_107 = arith.constant 0 : i32
      %dma_wait3A_108 = arith.constant 0 : i32
      %dma_wait3A_109 = tpu.memref_slice %arg9[%dma_wait3A_107, %dma_wait3A_108] : memref<256x128xf32, #tpu.memory_space<vmem>> -> memref<128x128xf32, #tpu.memory_space<vmem>>
      %dma_wait3A_110 = arith.constant 0 : i32
      %dma_wait3A_111 = tpu.memref_slice %arg6[%dma_wait3A_106, %dma_wait3A_110] : memref<8x128xi32, #tpu.memory_space<vmem>> -> memref<1x128xi32, #tpu.memory_space<vmem>>
      %dma_wait3A_112 = tpu.memref_squeeze %dma_wait3A_111 : memref<1x128xi32, #tpu.memory_space<vmem>> -> memref<128xi32, #tpu.memory_space<vmem>>
      %dma_wait3A_113 = arith.constant 0 : i32
      %dma_wait3A_114 = arith.constant 0 : i32
      %dma_wait3A_115 = tpu.memref_slice %arg2[%dma_wait3A_113, %dma_wait3A_114] : memref<1000000x128xf32, #tpu.memory_space<hbm>> -> memref<1000000x128xf32, #tpu.memory_space<hbm>>
      tpu.wait_indirect_dma semaphore(%arg11 : memref<!tpu.dma_semaphore, #tpu.memory_space<semaphore_mem>>) src(%dma_wait3A_115 : memref<1000000x128xf32, #tpu.memory_space<hbm>>) dst(%dma_wait3A_109 : memref<128x128xf32, #tpu.memory_space<vmem>>)
      %dma_wait3A_116 = arith.constant 3 : i32
      %dma_wait3A_117 = arith.constant 128 : i32
      %dma_wait3A_118 = arith.constant 0 : i32
      %dma_wait3A_119 = tpu.memref_slice %arg9[%dma_wait3A_117, %dma_wait3A_118] : memref<256x128xf32, #tpu.memory_space<vmem>> -> memref<128x128xf32, #tpu.memory_space<vmem>>
      %dma_wait3A_120 = arith.constant 0 : i32
      %dma_wait3A_121 = tpu.memref_slice %arg6[%dma_wait3A_116, %dma_wait3A_120] : memref<8x128xi32, #tpu.memory_space<vmem>> -> memref<1x128xi32, #tpu.memory_space<vmem>>
      %dma_wait3A_122 = tpu.memref_squeeze %dma_wait3A_121 : memref<1x128xi32, #tpu.memory_space<vmem>> -> memref<128xi32, #tpu.memory_space<vmem>>
      %dma_wait3A_123 = arith.constant 0 : i32
      %dma_wait3A_124 = arith.constant 0 : i32
      %dma_wait3A_125 = tpu.memref_slice %arg2[%dma_wait3A_123, %dma_wait3A_124] : memref<1000000x128xf32, #tpu.memory_space<hbm>> -> memref<1000000x128xf32, #tpu.memory_space<hbm>>
      tpu.wait_indirect_dma semaphore(%arg11 : memref<!tpu.dma_semaphore, #tpu.memory_space<semaphore_mem>>) src(%dma_wait3A_125 : memref<1000000x128xf32, #tpu.memory_space<hbm>>) dst(%dma_wait3A_119 : memref<128x128xf32, #tpu.memory_space<vmem>>)
      %dma_start3A_126 = arith.constant 2 : i32
      %dma_start3A_127 = arith.constant 0 : i32
      %dma_start3A_128 = arith.constant 0 : i32
      %dma_start3A_129 = tpu.memref_slice %arg9[%dma_start3A_127, %dma_start3A_128] : memref<256x128xf32, #tpu.memory_space<vmem>> -> memref<128x128xf32, #tpu.memory_space<vmem>>
      %dma_start3A_130 = arith.constant 0 : i32
      %dma_start3A_131 = tpu.memref_slice %arg7[%dma_start3A_126, %dma_start3A_130] : memref<8x128xi32, #tpu.memory_space<vmem>> -> memref<1x128xi32, #tpu.memory_space<vmem>>
      %dma_start3A_132 = tpu.memref_squeeze %dma_start3A_131 : memref<1x128xi32, #tpu.memory_space<vmem>> -> memref<128xi32, #tpu.memory_space<vmem>>
      %dma_start3A_133 = arith.constant 0 : i32
      %dma_start3A_134 = arith.constant 0 : i32
      %dma_start3A_135 = tpu.memref_slice %arg5[%dma_start3A_133, %dma_start3A_134] : memref<163840x128xf32, #tpu.memory_space<hbm>> -> memref<163840x128xf32, #tpu.memory_space<hbm>>
      tpu.enqueue_indirect_dma source(%dma_start3A_129 : memref<128x128xf32, #tpu.memory_space<vmem>>) target(%dma_start3A_135 : memref<163840x128xf32, #tpu.memory_space<hbm>>) offsets(%dma_start3A_132 : memref<128xi32, #tpu.memory_space<vmem>>) semaphore(%arg13 : memref<!tpu.dma_semaphore, #tpu.memory_space<semaphore_mem>>)
      %dma_start3A_136 = arith.constant 3 : i32
      %dma_start3A_137 = arith.constant 128 : i32
      %dma_start3A_138 = arith.constant 0 : i32
      %dma_start3A_139 = tpu.memref_slice %arg9[%dma_start3A_137, %dma_start3A_138] : memref<256x128xf32, #tpu.memory_space<vmem>> -> memref<128x128xf32, #tpu.memory_space<vmem>>
      %dma_start3A_140 = arith.constant 0 : i32
      %dma_start3A_141 = tpu.memref_slice %arg7[%dma_start3A_136, %dma_start3A_140] : memref<8x128xi32, #tpu.memory_space<vmem>> -> memref<1x128xi32, #tpu.memory_space<vmem>>
      %dma_start3A_142 = tpu.memref_squeeze %dma_start3A_141 : memref<1x128xi32, #tpu.memory_space<vmem>> -> memref<128xi32, #tpu.memory_space<vmem>>
      %dma_start3A_143 = arith.constant 0 : i32
      %dma_start3A_144 = arith.constant 0 : i32
      %dma_start3A_145 = tpu.memref_slice %arg5[%dma_start3A_143, %dma_start3A_144] : memref<163840x128xf32, #tpu.memory_space<hbm>> -> memref<163840x128xf32, #tpu.memory_space<hbm>>
      tpu.enqueue_indirect_dma source(%dma_start3A_139 : memref<128x128xf32, #tpu.memory_space<vmem>>) target(%dma_start3A_145 : memref<163840x128xf32, #tpu.memory_space<hbm>>) offsets(%dma_start3A_142 : memref<128xi32, #tpu.memory_space<vmem>>) semaphore(%arg13 : memref<!tpu.dma_semaphore, #tpu.memory_space<semaphore_mem>>)
      %dma_wait3A_146 = arith.constant 0 : i32
      %dma_wait3A_147 = arith.constant 0 : i32
      %dma_wait3A_148 = arith.constant 0 : i32
      %dma_wait3A_149 = tpu.memref_slice %arg8[%dma_wait3A_147, %dma_wait3A_148] : memref<256x128xf32, #tpu.memory_space<vmem>> -> memref<128x128xf32, #tpu.memory_space<vmem>>
      %dma_wait3A_150 = arith.constant 0 : i32
      %dma_wait3A_151 = tpu.memref_slice %arg7[%dma_wait3A_146, %dma_wait3A_150] : memref<8x128xi32, #tpu.memory_space<vmem>> -> memref<1x128xi32, #tpu.memory_space<vmem>>
      %dma_wait3A_152 = tpu.memref_squeeze %dma_wait3A_151 : memref<1x128xi32, #tpu.memory_space<vmem>> -> memref<128xi32, #tpu.memory_space<vmem>>
      %dma_wait3A_153 = arith.constant 0 : i32
      %dma_wait3A_154 = arith.constant 0 : i32
      %dma_wait3A_155 = tpu.memref_slice %arg5[%dma_wait3A_153, %dma_wait3A_154] : memref<163840x128xf32, #tpu.memory_space<hbm>> -> memref<163840x128xf32, #tpu.memory_space<hbm>>
      tpu.wait_indirect_dma semaphore(%arg12 : memref<!tpu.dma_semaphore, #tpu.memory_space<semaphore_mem>>) src(%dma_wait3A_149 : memref<128x128xf32, #tpu.memory_space<vmem>>) dst(%dma_wait3A_155 : memref<163840x128xf32, #tpu.memory_space<hbm>>)
      %dma_wait3A_156 = arith.constant 1 : i32
      %dma_wait3A_157 = arith.constant 128 : i32
      %dma_wait3A_158 = arith.constant 0 : i32
      %dma_wait3A_159 = tpu.memref_slice %arg8[%dma_wait3A_157, %dma_wait3A_158] : memref<256x128xf32, #tpu.memory_space<vmem>> -> memref<128x128xf32, #tpu.memory_space<vmem>>
      %dma_wait3A_160 = arith.constant 0 : i32
      %dma_wait3A_161 = tpu.memref_slice %arg7[%dma_wait3A_156, %dma_wait3A_160] : memref<8x128xi32, #tpu.memory_space<vmem>> -> memref<1x128xi32, #tpu.memory_space<vmem>>
      %dma_wait3A_162 = tpu.memref_squeeze %dma_wait3A_161 : memref<1x128xi32, #tpu.memory_space<vmem>> -> memref<128xi32, #tpu.memory_space<vmem>>
      %dma_wait3A_163 = arith.constant 0 : i32
      %dma_wait3A_164 = arith.constant 0 : i32
      %dma_wait3A_165 = tpu.memref_slice %arg5[%dma_wait3A_163, %dma_wait3A_164] : memref<163840x128xf32, #tpu.memory_space<hbm>> -> memref<163840x128xf32, #tpu.memory_space<hbm>>
      tpu.wait_indirect_dma semaphore(%arg12 : memref<!tpu.dma_semaphore, #tpu.memory_space<semaphore_mem>>) src(%dma_wait3A_159 : memref<128x128xf32, #tpu.memory_space<vmem>>) dst(%dma_wait3A_165 : memref<163840x128xf32, #tpu.memory_space<hbm>>)
      %dma_start3A_166 = arith.constant 4 : i32
      %dma_start3A_167 = arith.constant 0 : i32
      %dma_start3A_168 = arith.constant 0 : i32
      %dma_start3A_169 = tpu.memref_slice %arg8[%dma_start3A_167, %dma_start3A_168] : memref<256x128xf32, #tpu.memory_space<vmem>> -> memref<128x128xf32, #tpu.memory_space<vmem>>
      %dma_start3A_170 = arith.constant 0 : i32
      %dma_start3A_171 = tpu.memref_slice %arg6[%dma_start3A_166, %dma_start3A_170] : memref<8x128xi32, #tpu.memory_space<vmem>> -> memref<1x128xi32, #tpu.memory_space<vmem>>
      %dma_start3A_172 = tpu.memref_squeeze %dma_start3A_171 : memref<1x128xi32, #tpu.memory_space<vmem>> -> memref<128xi32, #tpu.memory_space<vmem>>
      %dma_start3A_173 = arith.constant 0 : i32
      %dma_start3A_174 = arith.constant 0 : i32
      %dma_start3A_175 = tpu.memref_slice %arg2[%dma_start3A_173, %dma_start3A_174] : memref<1000000x128xf32, #tpu.memory_space<hbm>> -> memref<1000000x128xf32, #tpu.memory_space<hbm>>
      tpu.enqueue_indirect_dma source(%dma_start3A_175 : memref<1000000x128xf32, #tpu.memory_space<hbm>>) target(%dma_start3A_169 : memref<128x128xf32, #tpu.memory_space<vmem>>) offsets(%dma_start3A_172 : memref<128xi32, #tpu.memory_space<vmem>>) semaphore(%arg10 : memref<!tpu.dma_semaphore, #tpu.memory_space<semaphore_mem>>)
      %dma_start3A_176 = arith.constant 5 : i32
      %dma_start3A_177 = arith.constant 128 : i32
      %dma_start3A_178 = arith.constant 0 : i32
      %dma_start3A_179 = tpu.memref_slice %arg8[%dma_start3A_177, %dma_start3A_178] : memref<256x128xf32, #tpu.memory_space<vmem>> -> memref<128x128xf32, #tpu.memory_space<vmem>>
      %dma_start3A_180 = arith.constant 0 : i32
      %dma_start3A_181 = tpu.memref_slice %arg6[%dma_start3A_176, %dma_start3A_180] : memref<8x128xi32, #tpu.memory_space<vmem>> -> memref<1x128xi32, #tpu.memory_space<vmem>>
      %dma_start3A_182 = tpu.memref_squeeze %dma_start3A_181 : memref<1x128xi32, #tpu.memory_space<vmem>> -> memref<128xi32, #tpu.memory_space<vmem>>
      %dma_start3A_183 = arith.constant 0 : i32
      %dma_start3A_184 = arith.constant 0 : i32
      %dma_start3A_185 = tpu.memref_slice %arg2[%dma_start3A_183, %dma_start3A_184] : memref<1000000x128xf32, #tpu.memory_space<hbm>> -> memref<1000000x128xf32, #tpu.memory_space<hbm>>
      tpu.enqueue_indirect_dma source(%dma_start3A_185 : memref<1000000x128xf32, #tpu.memory_space<hbm>>) target(%dma_start3A_179 : memref<128x128xf32, #tpu.memory_space<vmem>>) offsets(%dma_start3A_182 : memref<128xi32, #tpu.memory_space<vmem>>) semaphore(%arg10 : memref<!tpu.dma_semaphore, #tpu.memory_space<semaphore_mem>>)
      %dma_wait3A_186 = arith.constant 4 : i32
      %dma_wait3A_187 = arith.constant 0 : i32
      %dma_wait3A_188 = arith.constant 0 : i32
      %dma_wait3A_189 = tpu.memref_slice %arg8[%dma_wait3A_187, %dma_wait3A_188] : memref<256x128xf32, #tpu.memory_space<vmem>> -> memref<128x128xf32, #tpu.memory_space<vmem>>
      %dma_wait3A_190 = arith.constant 0 : i32
      %dma_wait3A_191 = tpu.memref_slice %arg6[%dma_wait3A_186, %dma_wait3A_190] : memref<8x128xi32, #tpu.memory_space<vmem>> -> memref<1x128xi32, #tpu.memory_space<vmem>>
      %dma_wait3A_192 = tpu.memref_squeeze %dma_wait3A_191 : memref<1x128xi32, #tpu.memory_space<vmem>> -> memref<128xi32, #tpu.memory_space<vmem>>
      %dma_wait3A_193 = arith.constant 0 : i32
      %dma_wait3A_194 = arith.constant 0 : i32
      %dma_wait3A_195 = tpu.memref_slice %arg2[%dma_wait3A_193, %dma_wait3A_194] : memref<1000000x128xf32, #tpu.memory_space<hbm>> -> memref<1000000x128xf32, #tpu.memory_space<hbm>>
      tpu.wait_indirect_dma semaphore(%arg10 : memref<!tpu.dma_semaphore, #tpu.memory_space<semaphore_mem>>) src(%dma_wait3A_195 : memref<1000000x128xf32, #tpu.memory_space<hbm>>) dst(%dma_wait3A_189 : memref<128x128xf32, #tpu.memory_space<vmem>>)
      %dma_wait3A_196 = arith.constant 5 : i32
      %dma_wait3A_197 = arith.constant 128 : i32
      %dma_wait3A_198 = arith.constant 0 : i32
      %dma_wait3A_199 = tpu.memref_slice %arg8[%dma_wait3A_197, %dma_wait3A_198] : memref<256x128xf32, #tpu.memory_space<vmem>> -> memref<128x128xf32, #tpu.memory_space<vmem>>
      %dma_wait3A_200 = arith.constant 0 : i32
      %dma_wait3A_201 = tpu.memref_slice %arg6[%dma_wait3A_196, %dma_wait3A_200] : memref<8x128xi32, #tpu.memory_space<vmem>> -> memref<1x128xi32, #tpu.memory_space<vmem>>
      %dma_wait3A_202 = tpu.memref_squeeze %dma_wait3A_201 : memref<1x128xi32, #tpu.memory_space<vmem>> -> memref<128xi32, #tpu.memory_space<vmem>>
      %dma_wait3A_203 = arith.constant 0 : i32
      %dma_wait3A_204 = arith.constant 0 : i32
      %dma_wait3A_205 = tpu.memref_slice %arg2[%dma_wait3A_203, %dma_wait3A_204] : memref<1000000x128xf32, #tpu.memory_space<hbm>> -> memref<1000000x128xf32, #tpu.memory_space<hbm>>
      tpu.wait_indirect_dma semaphore(%arg10 : memref<!tpu.dma_semaphore, #tpu.memory_space<semaphore_mem>>) src(%dma_wait3A_205 : memref<1000000x128xf32, #tpu.memory_space<hbm>>) dst(%dma_wait3A_199 : memref<128x128xf32, #tpu.memory_space<vmem>>)
      %dma_start3A_206 = arith.constant 4 : i32
      %dma_start3A_207 = arith.constant 0 : i32
      %dma_start3A_208 = arith.constant 0 : i32
      %dma_start3A_209 = tpu.memref_slice %arg8[%dma_start3A_207, %dma_start3A_208] : memref<256x128xf32, #tpu.memory_space<vmem>> -> memref<128x128xf32, #tpu.memory_space<vmem>>
      %dma_start3A_210 = arith.constant 0 : i32
      %dma_start3A_211 = tpu.memref_slice %arg7[%dma_start3A_206, %dma_start3A_210] : memref<8x128xi32, #tpu.memory_space<vmem>> -> memref<1x128xi32, #tpu.memory_space<vmem>>
      %dma_start3A_212 = tpu.memref_squeeze %dma_start3A_211 : memref<1x128xi32, #tpu.memory_space<vmem>> -> memref<128xi32, #tpu.memory_space<vmem>>
      %dma_start3A_213 = arith.constant 0 : i32
      %dma_start3A_214 = arith.constant 0 : i32
      %dma_start3A_215 = tpu.memref_slice %arg5[%dma_start3A_213, %dma_start3A_214] : memref<163840x128xf32, #tpu.memory_space<hbm>> -> memref<163840x128xf32, #tpu.memory_space<hbm>>
      tpu.enqueue_indirect_dma source(%dma_start3A_209 : memref<128x128xf32, #tpu.memory_space<vmem>>) target(%dma_start3A_215 : memref<163840x128xf32, #tpu.memory_space<hbm>>) offsets(%dma_start3A_212 : memref<128xi32, #tpu.memory_space<vmem>>) semaphore(%arg12 : memref<!tpu.dma_semaphore, #tpu.memory_space<semaphore_mem>>)
      %dma_start3A_216 = arith.constant 5 : i32
      %dma_start3A_217 = arith.constant 128 : i32
      %dma_start3A_218 = arith.constant 0 : i32
      %dma_start3A_219 = tpu.memref_slice %arg8[%dma_start3A_217, %dma_start3A_218] : memref<256x128xf32, #tpu.memory_space<vmem>> -> memref<128x128xf32, #tpu.memory_space<vmem>>
      %dma_start3A_220 = arith.constant 0 : i32
      %dma_start3A_221 = tpu.memref_slice %arg7[%dma_start3A_216, %dma_start3A_220] : memref<8x128xi32, #tpu.memory_space<vmem>> -> memref<1x128xi32, #tpu.memory_space<vmem>>
      %dma_start3A_222 = tpu.memref_squeeze %dma_start3A_221 : memref<1x128xi32, #tpu.memory_space<vmem>> -> memref<128xi32, #tpu.memory_space<vmem>>
      %dma_start3A_223 = arith.constant 0 : i32
      %dma_start3A_224 = arith.constant 0 : i32
      %dma_start3A_225 = tpu.memref_slice %arg5[%dma_start3A_223, %dma_start3A_224] : memref<163840x128xf32, #tpu.memory_space<hbm>> -> memref<163840x128xf32, #tpu.memory_space<hbm>>
      tpu.enqueue_indirect_dma source(%dma_start3A_219 : memref<128x128xf32, #tpu.memory_space<vmem>>) target(%dma_start3A_225 : memref<163840x128xf32, #tpu.memory_space<hbm>>) offsets(%dma_start3A_222 : memref<128xi32, #tpu.memory_space<vmem>>) semaphore(%arg12 : memref<!tpu.dma_semaphore, #tpu.memory_space<semaphore_mem>>)
      %dma_wait3A_226 = arith.constant 2 : i32
      %dma_wait3A_227 = arith.constant 0 : i32
      %dma_wait3A_228 = arith.constant 0 : i32
      %dma_wait3A_229 = tpu.memref_slice %arg9[%dma_wait3A_227, %dma_wait3A_228] : memref<256x128xf32, #tpu.memory_space<vmem>> -> memref<128x128xf32, #tpu.memory_space<vmem>>
      %dma_wait3A_230 = arith.constant 0 : i32
      %dma_wait3A_231 = tpu.memref_slice %arg7[%dma_wait3A_226, %dma_wait3A_230] : memref<8x128xi32, #tpu.memory_space<vmem>> -> memref<1x128xi32, #tpu.memory_space<vmem>>
      %dma_wait3A_232 = tpu.memref_squeeze %dma_wait3A_231 : memref<1x128xi32, #tpu.memory_space<vmem>> -> memref<128xi32, #tpu.memory_space<vmem>>
      %dma_wait3A_233 = arith.constant 0 : i32
      %dma_wait3A_234 = arith.constant 0 : i32
      %dma_wait3A_235 = tpu.memref_slice %arg5[%dma_wait3A_233, %dma_wait3A_234] : memref<163840x128xf32, #tpu.memory_space<hbm>> -> memref<163840x128xf32, #tpu.memory_space<hbm>>
      tpu.wait_indirect_dma semaphore(%arg13 : memref<!tpu.dma_semaphore, #tpu.memory_space<semaphore_mem>>) src(%dma_wait3A_229 : memref<128x128xf32, #tpu.memory_space<vmem>>) dst(%dma_wait3A_235 : memref<163840x128xf32, #tpu.memory_space<hbm>>)
      %dma_wait3A_236 = arith.constant 3 : i32
      %dma_wait3A_237 = arith.constant 128 : i32
      %dma_wait3A_238 = arith.constant 0 : i32
      %dma_wait3A_239 = tpu.memref_slice %arg9[%dma_wait3A_237, %dma_wait3A_238] : memref<256x128xf32, #tpu.memory_space<vmem>> -> memref<128x128xf32, #tpu.memory_space<vmem>>
      %dma_wait3A_240 = arith.constant 0 : i32
      %dma_wait3A_241 = tpu.memref_slice %arg7[%dma_wait3A_236, %dma_wait3A_240] : memref<8x128xi32, #tpu.memory_space<vmem>> -> memref<1x128xi32, #tpu.memory_space<vmem>>
      %dma_wait3A_242 = tpu.memref_squeeze %dma_wait3A_241 : memref<1x128xi32, #tpu.memory_space<vmem>> -> memref<128xi32, #tpu.memory_space<vmem>>
      %dma_wait3A_243 = arith.constant 0 : i32
      %dma_wait3A_244 = arith.constant 0 : i32
      %dma_wait3A_245 = tpu.memref_slice %arg5[%dma_wait3A_243, %dma_wait3A_244] : memref<163840x128xf32, #tpu.memory_space<hbm>> -> memref<163840x128xf32, #tpu.memory_space<hbm>>
      tpu.wait_indirect_dma semaphore(%arg13 : memref<!tpu.dma_semaphore, #tpu.memory_space<semaphore_mem>>) src(%dma_wait3A_239 : memref<128x128xf32, #tpu.memory_space<vmem>>) dst(%dma_wait3A_245 : memref<163840x128xf32, #tpu.memory_space<hbm>>)
      %dma_start3A_246 = arith.constant 6 : i32
      %dma_start3A_247 = arith.constant 0 : i32
      %dma_start3A_248 = arith.constant 0 : i32
      %dma_start3A_249 = tpu.memref_slice %arg9[%dma_start3A_247, %dma_start3A_248] : memref<256x128xf32, #tpu.memory_space<vmem>> -> memref<128x128xf32, #tpu.memory_space<vmem>>
      %dma_start3A_250 = arith.constant 0 : i32
      %dma_start3A_251 = tpu.memref_slice %arg6[%dma_start3A_246, %dma_start3A_250] : memref<8x128xi32, #tpu.memory_space<vmem>> -> memref<1x128xi32, #tpu.memory_space<vmem>>
      %dma_start3A_252 = tpu.memref_squeeze %dma_start3A_251 : memref<1x128xi32, #tpu.memory_space<vmem>> -> memref<128xi32, #tpu.memory_space<vmem>>
      %dma_start3A_253 = arith.constant 0 : i32
      %dma_start3A_254 = arith.constant 0 : i32
      %dma_start3A_255 = tpu.memref_slice %arg2[%dma_start3A_253, %dma_start3A_254] : memref<1000000x128xf32, #tpu.memory_space<hbm>> -> memref<1000000x128xf32, #tpu.memory_space<hbm>>
      tpu.enqueue_indirect_dma source(%dma_start3A_255 : memref<1000000x128xf32, #tpu.memory_space<hbm>>) target(%dma_start3A_249 : memref<128x128xf32, #tpu.memory_space<vmem>>) offsets(%dma_start3A_252 : memref<128xi32, #tpu.memory_space<vmem>>) semaphore(%arg11 : memref<!tpu.dma_semaphore, #tpu.memory_space<semaphore_mem>>)
      %dma_start3A_256 = arith.constant 7 : i32
      %dma_start3A_257 = arith.constant 128 : i32
      %dma_start3A_258 = arith.constant 0 : i32
      %dma_start3A_259 = tpu.memref_slice %arg9[%dma_start3A_257, %dma_start3A_258] : memref<256x128xf32, #tpu.memory_space<vmem>> -> memref<128x128xf32, #tpu.memory_space<vmem>>
      %dma_start3A_260 = arith.constant 0 : i32
      %dma_start3A_261 = tpu.memref_slice %arg6[%dma_start3A_256, %dma_start3A_260] : memref<8x128xi32, #tpu.memory_space<vmem>> -> memref<1x128xi32, #tpu.memory_space<vmem>>
      %dma_start3A_262 = tpu.memref_squeeze %dma_start3A_261 : memref<1x128xi32, #tpu.memory_space<vmem>> -> memref<128xi32, #tpu.memory_space<vmem>>
      %dma_start3A_263 = arith.constant 0 : i32
      %dma_start3A_264 = arith.constant 0 : i32
      %dma_start3A_265 = tpu.memref_slice %arg2[%dma_start3A_263, %dma_start3A_264] : memref<1000000x128xf32, #tpu.memory_space<hbm>> -> memref<1000000x128xf32, #tpu.memory_space<hbm>>
      tpu.enqueue_indirect_dma source(%dma_start3A_265 : memref<1000000x128xf32, #tpu.memory_space<hbm>>) target(%dma_start3A_259 : memref<128x128xf32, #tpu.memory_space<vmem>>) offsets(%dma_start3A_262 : memref<128xi32, #tpu.memory_space<vmem>>) semaphore(%arg11 : memref<!tpu.dma_semaphore, #tpu.memory_space<semaphore_mem>>)
      %dma_wait3A_266 = arith.constant 6 : i32
      %dma_wait3A_267 = arith.constant 0 : i32
      %dma_wait3A_268 = arith.constant 0 : i32
      %dma_wait3A_269 = tpu.memref_slice %arg9[%dma_wait3A_267, %dma_wait3A_268] : memref<256x128xf32, #tpu.memory_space<vmem>> -> memref<128x128xf32, #tpu.memory_space<vmem>>
      %dma_wait3A_270 = arith.constant 0 : i32
      %dma_wait3A_271 = tpu.memref_slice %arg6[%dma_wait3A_266, %dma_wait3A_270] : memref<8x128xi32, #tpu.memory_space<vmem>> -> memref<1x128xi32, #tpu.memory_space<vmem>>
      %dma_wait3A_272 = tpu.memref_squeeze %dma_wait3A_271 : memref<1x128xi32, #tpu.memory_space<vmem>> -> memref<128xi32, #tpu.memory_space<vmem>>
      %dma_wait3A_273 = arith.constant 0 : i32
      %dma_wait3A_274 = arith.constant 0 : i32
      %dma_wait3A_275 = tpu.memref_slice %arg2[%dma_wait3A_273, %dma_wait3A_274] : memref<1000000x128xf32, #tpu.memory_space<hbm>> -> memref<1000000x128xf32, #tpu.memory_space<hbm>>
      tpu.wait_indirect_dma semaphore(%arg11 : memref<!tpu.dma_semaphore, #tpu.memory_space<semaphore_mem>>) src(%dma_wait3A_275 : memref<1000000x128xf32, #tpu.memory_space<hbm>>) dst(%dma_wait3A_269 : memref<128x128xf32, #tpu.memory_space<vmem>>)
      %dma_wait3A_276 = arith.constant 7 : i32
      %dma_wait3A_277 = arith.constant 128 : i32
      %dma_wait3A_278 = arith.constant 0 : i32
      %dma_wait3A_279 = tpu.memref_slice %arg9[%dma_wait3A_277, %dma_wait3A_278] : memref<256x128xf32, #tpu.memory_space<vmem>> -> memref<128x128xf32, #tpu.memory_space<vmem>>
      %dma_wait3A_280 = arith.constant 0 : i32
      %dma_wait3A_281 = tpu.memref_slice %arg6[%dma_wait3A_276, %dma_wait3A_280] : memref<8x128xi32, #tpu.memory_space<vmem>> -> memref<1x128xi32, #tpu.memory_space<vmem>>
      %dma_wait3A_282 = tpu.memref_squeeze %dma_wait3A_281 : memref<1x128xi32, #tpu.memory_space<vmem>> -> memref<128xi32, #tpu.memory_space<vmem>>
      %dma_wait3A_283 = arith.constant 0 : i32
      %dma_wait3A_284 = arith.constant 0 : i32
      %dma_wait3A_285 = tpu.memref_slice %arg2[%dma_wait3A_283, %dma_wait3A_284] : memref<1000000x128xf32, #tpu.memory_space<hbm>> -> memref<1000000x128xf32, #tpu.memory_space<hbm>>
      tpu.wait_indirect_dma semaphore(%arg11 : memref<!tpu.dma_semaphore, #tpu.memory_space<semaphore_mem>>) src(%dma_wait3A_285 : memref<1000000x128xf32, #tpu.memory_space<hbm>>) dst(%dma_wait3A_279 : memref<128x128xf32, #tpu.memory_space<vmem>>)
      %dma_start3A_286 = arith.constant 6 : i32
      %dma_start3A_287 = arith.constant 0 : i32
      %dma_start3A_288 = arith.constant 0 : i32
      %dma_start3A_289 = tpu.memref_slice %arg9[%dma_start3A_287, %dma_start3A_288] : memref<256x128xf32, #tpu.memory_space<vmem>> -> memref<128x128xf32, #tpu.memory_space<vmem>>
      %dma_start3A_290 = arith.constant 0 : i32
      %dma_start3A_291 = tpu.memref_slice %arg7[%dma_start3A_286, %dma_start3A_290] : memref<8x128xi32, #tpu.memory_space<vmem>> -> memref<1x128xi32, #tpu.memory_space<vmem>>
      %dma_start3A_292 = tpu.memref_squeeze %dma_start3A_291 : memref<1x128xi32, #tpu.memory_space<vmem>> -> memref<128xi32, #tpu.memory_space<vmem>>
      %dma_start3A_293 = arith.constant 0 : i32
      %dma_start3A_294 = arith.constant 0 : i32
      %dma_start3A_295 = tpu.memref_slice %arg5[%dma_start3A_293, %dma_start3A_294] : memref<163840x128xf32, #tpu.memory_space<hbm>> -> memref<163840x128xf32, #tpu.memory_space<hbm>>
      tpu.enqueue_indirect_dma source(%dma_start3A_289 : memref<128x128xf32, #tpu.memory_space<vmem>>) target(%dma_start3A_295 : memref<163840x128xf32, #tpu.memory_space<hbm>>) offsets(%dma_start3A_292 : memref<128xi32, #tpu.memory_space<vmem>>) semaphore(%arg13 : memref<!tpu.dma_semaphore, #tpu.memory_space<semaphore_mem>>)
      %dma_start3A_296 = arith.constant 7 : i32
      %dma_start3A_297 = arith.constant 128 : i32
      %dma_start3A_298 = arith.constant 0 : i32
      %dma_start3A_299 = tpu.memref_slice %arg9[%dma_start3A_297, %dma_start3A_298] : memref<256x128xf32, #tpu.memory_space<vmem>> -> memref<128x128xf32, #tpu.memory_space<vmem>>
      %dma_start3A_300 = arith.constant 0 : i32
      %dma_start3A_301 = tpu.memref_slice %arg7[%dma_start3A_296, %dma_start3A_300] : memref<8x128xi32, #tpu.memory_space<vmem>> -> memref<1x128xi32, #tpu.memory_space<vmem>>
      %dma_start3A_302 = tpu.memref_squeeze %dma_start3A_301 : memref<1x128xi32, #tpu.memory_space<vmem>> -> memref<128xi32, #tpu.memory_space<vmem>>
      %dma_start3A_303 = arith.constant 0 : i32
      %dma_start3A_304 = arith.constant 0 : i32
      %dma_start3A_305 = tpu.memref_slice %arg5[%dma_start3A_303, %dma_start3A_304] : memref<163840x128xf32, #tpu.memory_space<hbm>> -> memref<163840x128xf32, #tpu.memory_space<hbm>>
      tpu.enqueue_indirect_dma source(%dma_start3A_299 : memref<128x128xf32, #tpu.memory_space<vmem>>) target(%dma_start3A_305 : memref<163840x128xf32, #tpu.memory_space<hbm>>) offsets(%dma_start3A_302 : memref<128xi32, #tpu.memory_space<vmem>>) semaphore(%arg13 : memref<!tpu.dma_semaphore, #tpu.memory_space<semaphore_mem>>)
      %dma_wait3A_306 = arith.constant 4 : i32
      %dma_wait3A_307 = arith.constant 0 : i32
      %dma_wait3A_308 = arith.constant 0 : i32
      %dma_wait3A_309 = tpu.memref_slice %arg8[%dma_wait3A_307, %dma_wait3A_308] : memref<256x128xf32, #tpu.memory_space<vmem>> -> memref<128x128xf32, #tpu.memory_space<vmem>>
      %dma_wait3A_310 = arith.constant 0 : i32
      %dma_wait3A_311 = tpu.memref_slice %arg7[%dma_wait3A_306, %dma_wait3A_310] : memref<8x128xi32, #tpu.memory_space<vmem>> -> memref<1x128xi32, #tpu.memory_space<vmem>>
      %dma_wait3A_312 = tpu.memref_squeeze %dma_wait3A_311 : memref<1x128xi32, #tpu.memory_space<vmem>> -> memref<128xi32, #tpu.memory_space<vmem>>
      %dma_wait3A_313 = arith.constant 0 : i32
      %dma_wait3A_314 = arith.constant 0 : i32
      %dma_wait3A_315 = tpu.memref_slice %arg5[%dma_wait3A_313, %dma_wait3A_314] : memref<163840x128xf32, #tpu.memory_space<hbm>> -> memref<163840x128xf32, #tpu.memory_space<hbm>>
      tpu.wait_indirect_dma semaphore(%arg12 : memref<!tpu.dma_semaphore, #tpu.memory_space<semaphore_mem>>) src(%dma_wait3A_309 : memref<128x128xf32, #tpu.memory_space<vmem>>) dst(%dma_wait3A_315 : memref<163840x128xf32, #tpu.memory_space<hbm>>)
      %dma_wait3A_316 = arith.constant 5 : i32
      %dma_wait3A_317 = arith.constant 128 : i32
      %dma_wait3A_318 = arith.constant 0 : i32
      %dma_wait3A_319 = tpu.memref_slice %arg8[%dma_wait3A_317, %dma_wait3A_318] : memref<256x128xf32, #tpu.memory_space<vmem>> -> memref<128x128xf32, #tpu.memory_space<vmem>>
      %dma_wait3A_320 = arith.constant 0 : i32
      %dma_wait3A_321 = tpu.memref_slice %arg7[%dma_wait3A_316, %dma_wait3A_320] : memref<8x128xi32, #tpu.memory_space<vmem>> -> memref<1x128xi32, #tpu.memory_space<vmem>>
      %dma_wait3A_322 = tpu.memref_squeeze %dma_wait3A_321 : memref<1x128xi32, #tpu.memory_space<vmem>> -> memref<128xi32, #tpu.memory_space<vmem>>
      %dma_wait3A_323 = arith.constant 0 : i32
      %dma_wait3A_324 = arith.constant 0 : i32
      %dma_wait3A_325 = tpu.memref_slice %arg5[%dma_wait3A_323, %dma_wait3A_324] : memref<163840x128xf32, #tpu.memory_space<hbm>> -> memref<163840x128xf32, #tpu.memory_space<hbm>>
      tpu.wait_indirect_dma semaphore(%arg12 : memref<!tpu.dma_semaphore, #tpu.memory_space<semaphore_mem>>) src(%dma_wait3A_319 : memref<128x128xf32, #tpu.memory_space<vmem>>) dst(%dma_wait3A_325 : memref<163840x128xf32, #tpu.memory_space<hbm>>)
      %dma_wait3A_326 = arith.constant 6 : i32
      %dma_wait3A_327 = arith.constant 0 : i32
      %dma_wait3A_328 = arith.constant 0 : i32
      %dma_wait3A_329 = tpu.memref_slice %arg9[%dma_wait3A_327, %dma_wait3A_328] : memref<256x128xf32, #tpu.memory_space<vmem>> -> memref<128x128xf32, #tpu.memory_space<vmem>>
      %dma_wait3A_330 = arith.constant 0 : i32
      %dma_wait3A_331 = tpu.memref_slice %arg7[%dma_wait3A_326, %dma_wait3A_330] : memref<8x128xi32, #tpu.memory_space<vmem>> -> memref<1x128xi32, #tpu.memory_space<vmem>>
      %dma_wait3A_332 = tpu.memref_squeeze %dma_wait3A_331 : memref<1x128xi32, #tpu.memory_space<vmem>> -> memref<128xi32, #tpu.memory_space<vmem>>
      %dma_wait3A_333 = arith.constant 0 : i32
      %dma_wait3A_334 = arith.constant 0 : i32
      %dma_wait3A_335 = tpu.memref_slice %arg5[%dma_wait3A_333, %dma_wait3A_334] : memref<163840x128xf32, #tpu.memory_space<hbm>> -> memref<163840x128xf32, #tpu.memory_space<hbm>>
      tpu.wait_indirect_dma semaphore(%arg13 : memref<!tpu.dma_semaphore, #tpu.memory_space<semaphore_mem>>) src(%dma_wait3A_329 : memref<128x128xf32, #tpu.memory_space<vmem>>) dst(%dma_wait3A_335 : memref<163840x128xf32, #tpu.memory_space<hbm>>)
      %dma_wait3A_336 = arith.constant 7 : i32
      %dma_wait3A_337 = arith.constant 128 : i32
      %dma_wait3A_338 = arith.constant 0 : i32
      %dma_wait3A_339 = tpu.memref_slice %arg9[%dma_wait3A_337, %dma_wait3A_338] : memref<256x128xf32, #tpu.memory_space<vmem>> -> memref<128x128xf32, #tpu.memory_space<vmem>>
      %dma_wait3A_340 = arith.constant 0 : i32
      %dma_wait3A_341 = tpu.memref_slice %arg7[%dma_wait3A_336, %dma_wait3A_340] : memref<8x128xi32, #tpu.memory_space<vmem>> -> memref<1x128xi32, #tpu.memory_space<vmem>>
      %dma_wait3A_342 = tpu.memref_squeeze %dma_wait3A_341 : memref<1x128xi32, #tpu.memory_space<vmem>> -> memref<128xi32, #tpu.memory_space<vmem>>
      %dma_wait3A_343 = arith.constant 0 : i32
      %dma_wait3A_344 = arith.constant 0 : i32
      %dma_wait3A_345 = tpu.memref_slice %arg5[%dma_wait3A_343, %dma_wait3A_344] : memref<163840x128xf32, #tpu.memory_space<hbm>> -> memref<163840x128xf32, #tpu.memory_space<hbm>>
      tpu.wait_indirect_dma semaphore(%arg13 : memref<!tpu.dma_semaphore, #tpu.memory_space<semaphore_mem>>) src(%dma_wait3A_339 : memref<128x128xf32, #tpu.memory_space<vmem>>) dst(%dma_wait3A_345 : memref<163840x128xf32, #tpu.memory_space<hbm>>)
    }
    %scan3A_7 = arith.constant 5 : i32
    return
  }
}

module attributes {stable_mosaic.version = 14 : i64} {
  func.func @body(%arg0: i32, %arg1: i32, %arg2: memref<1x50x16384xf32, #tpu.memory_space<vmem>>, %arg3: memref<1x16384x128xf32, #tpu.memory_space<vmem>>) attributes {dimension_semantics = [#tpu.dimension_semantics<arbitrary>, #tpu.dimension_semantics<arbitrary>], iteration_bounds = array<i64: 16, 7>, scalar_prefetch = 0 : i64, scratch_operands = 0 : i64, tpu.core_type = #tpu.core_type<tc>, window_params = [{transform_indices = @transform_0, window_bounds = array<i64: 1, 50, 16384>}, {transform_indices = @transform_1, window_bounds = array<i64: 1, 16384, 128>}]} {
    %get3A = arith.constant 0 : index
    %get3A_0 = arith.constant 0 : index
    %get3A_1 = arith.constant 0 : index
    %get3A_2 = vector.load %arg2[%get3A, %get3A_0, %get3A_1] : memref<1x50x16384xf32, #tpu.memory_space<vmem>>, vector<1x50x16384xf32>
    %get3A_3 = vector.shape_cast %get3A_2 : vector<1x50x16384xf32> to vector<50x16384xf32>
    %transpose3A = tpu.transpose %get3A_3, [1, 0] : vector<50x16384xf32> -> vector<16384x50xf32>
    %jit3A = arith.constant 0 : i32
    %convert_element_type3A = arith.sitofp %jit3A : i32 to f32
    %pad3A = vector.broadcast %convert_element_type3A : f32 to vector<16384x78xf32>
    %pad3A_4 = tpu.concatenate %transpose3A, %pad3A in 1 : vector<16384x50xf32>, vector<16384x78xf32> -> vector<16384x128xf32>
    %swap3A = arith.constant 0 : index
    %swap3A_5 = arith.constant 0 : index
    %swap3A_6 = arith.constant 0 : index
    %swap3A_7 = vector.load %arg3[%swap3A, %swap3A_5, %swap3A_6] : memref<1x16384x128xf32, #tpu.memory_space<vmem>>, vector<1x16384x128xf32>
    %swap3A_8 = vector.shape_cast %swap3A_7 : vector<1x16384x128xf32> to vector<16384x128xf32>
    %swap3A_9 = vector.shape_cast %pad3A_4 : vector<16384x128xf32> to vector<1x16384x128xf32>
    tpu.vector_store %arg3[%swap3A, %swap3A_5, %swap3A_6], %swap3A_9 {strides = array<i32>} : memref<1x16384x128xf32, #tpu.memory_space<vmem>>, vector<1x16384x128xf32>,
    return
  }
  func.func @transform_0(%arg0: i32, %arg1: i32) -> (i32, i32, i32) {
    %add3A = arith.constant 0 : i32
    %add3A_0 = arith.addi %arg0, %add3A : i32
    %c0_i32 = arith.constant 0 : i32
    %c0_i32_1 = arith.constant 0 : i32
    return %add3A_0, %c0_i32, %arg1 : i32, i32, i32
  }
  func.func @transform_1(%arg0: i32, %arg1: i32) -> (i32, i32, i32) {
    %c0_i32 = arith.constant 0 : i32
    %c0_i32_0 = arith.constant 0 : i32
    return %arg0, %arg1, %c0_i32 : i32, i32, i32
  }
}

module attributes {stable_mosaic.version = 14 : i64} {
  func.func @body(%arg0: i32, %arg1: i32, %arg2: memref<1x50x16384xf32, #tpu.memory_space<vmem>>, %arg3: memref<1x16384x128xf32, #tpu.memory_space<vmem>>) attributes {dimension_semantics = [#tpu.dimension_semantics<arbitrary>, #tpu.dimension_semantics<arbitrary>], iteration_bounds = array<i64: 10, 7>, scalar_prefetch = 0 : i64, scratch_operands = 0 : i64, tpu.core_type = #tpu.core_type<tc>, window_params = [{transform_indices = @transform_0, window_bounds = array<i64: 1, 50, 16384>}, {transform_indices = @transform_1, window_bounds = array<i64: 1, 16384, 128>}]} {
    %get3A = arith.constant 0 : index
    %get3A_0 = arith.constant 0 : index
    %get3A_1 = arith.constant 0 : index
    %get3A_2 = vector.load %arg2[%get3A, %get3A_0, %get3A_1] : memref<1x50x16384xf32, #tpu.memory_space<vmem>>, vector<1x50x16384xf32>
    %get3A_3 = vector.shape_cast %get3A_2 : vector<1x50x16384xf32> to vector<50x16384xf32>
    %transpose3A = tpu.transpose %get3A_3, [1, 0] : vector<50x16384xf32> -> vector<16384x50xf32>
    %jit3A = arith.constant 0 : i32
    %convert_element_type3A = arith.sitofp %jit3A : i32 to f32
    %pad3A = vector.broadcast %convert_element_type3A : f32 to vector<16384x78xf32>
    %pad3A_4 = tpu.concatenate %transpose3A, %pad3A in 1 : vector<16384x50xf32>, vector<16384x78xf32> -> vector<16384x128xf32>
    %swap3A = arith.constant 0 : index
    %swap3A_5 = arith.constant 0 : index
    %swap3A_6 = arith.constant 0 : index
    %swap3A_7 = vector.load %arg3[%swap3A, %swap3A_5, %swap3A_6] : memref<1x16384x128xf32, #tpu.memory_space<vmem>>, vector<1x16384x128xf32>
    %swap3A_8 = vector.shape_cast %swap3A_7 : vector<1x16384x128xf32> to vector<16384x128xf32>
    %swap3A_9 = vector.shape_cast %pad3A_4 : vector<16384x128xf32> to vector<1x16384x128xf32>
    tpu.vector_store %arg3[%swap3A, %swap3A_5, %swap3A_6], %swap3A_9 {strides = array<i32>} : memref<1x16384x128xf32, #tpu.memory_space<vmem>>, vector<1x16384x128xf32>,
    return
  }
  func.func @transform_0(%arg0: i32, %arg1: i32) -> (i32, i32, i32) {
    %add3A = arith.constant 16 : i32
    %add3A_0 = arith.addi %arg0, %add3A : i32
    %c0_i32 = arith.constant 0 : i32
    %c0_i32_1 = arith.constant 0 : i32
    return %add3A_0, %c0_i32, %arg1 : i32, i32, i32
  }
  func.func @transform_1(%arg0: i32, %arg1: i32) -> (i32, i32, i32) {
    %c0_i32 = arith.constant 0 : i32
    %c0_i32_0 = arith.constant 0 : i32
    return %arg0, %arg1, %c0_i32 : i32, i32, i32
  }
}

module attributes {stable_mosaic.version = 14 : i64} {
  func.func @body(%arg0: i32, %arg1: memref<1024x13xf32, #tpu.memory_space<vmem>>, %arg2: memref<128x16x8x128xf32, #tpu.memory_space<vmem>>, %arg3: memref<128x10x8x128xf32, #tpu.memory_space<vmem>>, %arg4: memref<13x128xf32, #tpu.memory_space<vmem>>, %arg5: memref<26x128x128xf32, #tpu.memory_space<vmem>>, %arg6: memref<1x128xf32, #tpu.memory_space<vmem>>, %arg7: memref<128x64xf32, #tpu.memory_space<vmem>>, %arg8: memref<1x64xf32, #tpu.memory_space<vmem>>, %arg9: memref<64x1xf32, #tpu.memory_space<vmem>>, %arg10: memref<1x1xf32, #tpu.memory_space<vmem>>, %arg11: memref<1024x1xf32, #tpu.memory_space<vmem>>) attributes {dimension_semantics = [#tpu.dimension_semantics<arbitrary>], iteration_bounds = array<i64: 16>, scalar_prefetch = 0 : i64, scratch_operands = 0 : i64, tpu.core_type = #tpu.core_type<tc>, window_params = [{transform_indices = @transform_0, window_bounds = array<i64: 1024, 13>}, {transform_indices = @transform_1, window_bounds = array<i64: 128, 16, 8, 128>}, {transform_indices = @transform_2, window_bounds = array<i64: 128, 10, 8, 128>}, {pipeline_mode = #tpu.pipeline_mode<synchronous>, transform_indices = @transform_3, window_bounds = array<i64: 13, 128>}, {pipeline_mode = #tpu.pipeline_mode<synchronous>, transform_indices = @transform_4, window_bounds = array<i64: 26, 128, 128>}, {pipeline_mode = #tpu.pipeline_mode<synchronous>, transform_indices = @transform_5, window_bounds = array<i64: 1, 128>}, {pipeline_mode = #tpu.pipeline_mode<synchronous>, transform_indices = @transform_6, window_bounds = array<i64: 128, 64>}, {pipeline_mode = #tpu.pipeline_mode<synchronous>, transform_indices = @transform_7, window_bounds = array<i64: 1, 64>}, {pipeline_mode = #tpu.pipeline_mode<synchronous>, transform_indices = @transform_8, window_bounds = array<i64: 64, 1>}, {pipeline_mode = #tpu.pipeline_mode<synchronous>, transform_indices = @transform_9, window_bounds = array<i64: 1, 1>}, {transform_indices = @transform_10, window_bounds = array<i64: 1024, 1>}]} {
    %get3A = arith.constant 0 : index
    %get3A_0 = arith.constant 0 : index
    %get3A_1 = vector.load %arg1[%get3A, %get3A_0] : memref<1024x13xf32, #tpu.memory_space<vmem>>, vector<1024x13xf32>
    %get3A_2 = arith.constant 0 : index
    %get3A_3 = arith.constant 0 : index
    %get3A_4 = vector.load %arg4[%get3A_2, %get3A_3] : memref<13x128xf32, #tpu.memory_space<vmem>>, vector<13x128xf32>
    %dot_general3A = arith.constant dense<0.000000e+00> : vector<1024x128xf32>
    %dot_general3A_5 = tpu.matmul %get3A_1, %get3A_4, %dot_general3A {dimension_numbers = #tpu.dot_dimension_numbers<[1], [0], [0], [1], [0, 0, 1, 1], [], []>, transpose_lhs_hint = false} : vector<1024x13xf32>, vector<13x128xf32>, vector<1024x128xf32> -> vector<1024x128xf32>
    %get3A_6 = arith.constant 0 : index
    %get3A_7 = arith.constant 0 : index
    %get3A_8 = arith.constant 0 : index
    %get3A_9 = arith.constant 0 : index
    %get3A_10 = vector.load %arg2[%get3A_6, %get3A_7, %get3A_8, %get3A_9] : memref<128x16x8x128xf32, #tpu.memory_space<vmem>>, vector<128x1x8x128xf32>
    %get3A_11 = vector.shape_cast %get3A_10 : vector<128x1x8x128xf32> to vector<128x8x128xf32>
    %reshape3A = vector.shape_cast %get3A_11 : vector<128x8x128xf32> to vector<1024x128xf32>
    %get3A_12 = arith.constant 0 : index
    %get3A_13 = arith.constant 0 : index
    %get3A_14 = arith.constant 0 : index
    %get3A_15 = vector.load %arg5[%get3A_12, %get3A_13, %get3A_14] : memref<26x128x128xf32, #tpu.memory_space<vmem>>, vector<1x128x128xf32>
    %get3A_16 = vector.shape_cast %get3A_15 : vector<1x128x128xf32> to vector<128x128xf32>
    %dot_general3A_17 = arith.constant dense<0.000000e+00> : vector<1024x128xf32>
    %dot_general3A_18 = tpu.matmul %reshape3A, %get3A_16, %dot_general3A_17 {dimension_numbers = #tpu.dot_dimension_numbers<[1], [0], [0], [1], [0, 0, 1, 1], [], []>, transpose_lhs_hint = false} : vector<1024x128xf32>, vector<128x128xf32>, vector<1024x128xf32> -> vector<1024x128xf32>
    %add3A = arith.addf %dot_general3A_5, %dot_general3A_18 : vector<1024x128xf32>
    %get3A_19 = arith.constant 0 : index
    %get3A_20 = arith.constant 1 : index
    %get3A_21 = arith.constant 0 : index
    %get3A_22 = arith.constant 0 : index
    %get3A_23 = vector.load %arg2[%get3A_19, %get3A_20, %get3A_21, %get3A_22] : memref<128x16x8x128xf32, #tpu.memory_space<vmem>>, vector<128x1x8x128xf32>
    %get3A_24 = vector.shape_cast %get3A_23 : vector<128x1x8x128xf32> to vector<128x8x128xf32>
    %reshape3A_25 = vector.shape_cast %get3A_24 : vector<128x8x128xf32> to vector<1024x128xf32>
    %get3A_26 = arith.constant 1 : index
    %get3A_27 = arith.constant 0 : index
    %get3A_28 = arith.constant 0 : index
    %get3A_29 = vector.load %arg5[%get3A_26, %get3A_27, %get3A_28] : memref<26x128x128xf32, #tpu.memory_space<vmem>>, vector<1x128x128xf32>
    %get3A_30 = vector.shape_cast %get3A_29 : vector<1x128x128xf32> to vector<128x128xf32>
    %dot_general3A_31 = arith.constant dense<0.000000e+00> : vector<1024x128xf32>
    %dot_general3A_32 = tpu.matmul %reshape3A_25, %get3A_30, %dot_general3A_31 {dimension_numbers = #tpu.dot_dimension_numbers<[1], [0], [0], [1], [0, 0, 1, 1], [], []>, transpose_lhs_hint = false} : vector<1024x128xf32>, vector<128x128xf32>, vector<1024x128xf32> -> vector<1024x128xf32>
    %add3A_33 = arith.addf %add3A, %dot_general3A_32 : vector<1024x128xf32>
    %get3A_34 = arith.constant 0 : index
    %get3A_35 = arith.constant 2 : index
    %get3A_36 = arith.constant 0 : index
    %get3A_37 = arith.constant 0 : index
    %get3A_38 = vector.load %arg2[%get3A_34, %get3A_35, %get3A_36, %get3A_37] : memref<128x16x8x128xf32, #tpu.memory_space<vmem>>, vector<128x1x8x128xf32>
    %get3A_39 = vector.shape_cast %get3A_38 : vector<128x1x8x128xf32> to vector<128x8x128xf32>
    %reshape3A_40 = vector.shape_cast %get3A_39 : vector<128x8x128xf32> to vector<1024x128xf32>
    %get3A_41 = arith.constant 2 : index
    %get3A_42 = arith.constant 0 : index
    %get3A_43 = arith.constant 0 : index
    %get3A_44 = vector.load %arg5[%get3A_41, %get3A_42, %get3A_43] : memref<26x128x128xf32, #tpu.memory_space<vmem>>, vector<1x128x128xf32>
    %get3A_45 = vector.shape_cast %get3A_44 : vector<1x128x128xf32> to vector<128x128xf32>
    %dot_general3A_46 = arith.constant dense<0.000000e+00> : vector<1024x128xf32>
    %dot_general3A_47 = tpu.matmul %reshape3A_40, %get3A_45, %dot_general3A_46 {dimension_numbers = #tpu.dot_dimension_numbers<[1], [0], [0], [1], [0, 0, 1, 1], [], []>, transpose_lhs_hint = false} : vector<1024x128xf32>, vector<128x128xf32>, vector<1024x128xf32> -> vector<1024x128xf32>
    %add3A_48 = arith.addf %add3A_33, %dot_general3A_47 : vector<1024x128xf32>
    %get3A_49 = arith.constant 0 : index
    %get3A_50 = arith.constant 3 : index
    %get3A_51 = arith.constant 0 : index
    %get3A_52 = arith.constant 0 : index
    %get3A_53 = vector.load %arg2[%get3A_49, %get3A_50, %get3A_51, %get3A_52] : memref<128x16x8x128xf32, #tpu.memory_space<vmem>>, vector<128x1x8x128xf32>
    %get3A_54 = vector.shape_cast %get3A_53 : vector<128x1x8x128xf32> to vector<128x8x128xf32>
    %reshape3A_55 = vector.shape_cast %get3A_54 : vector<128x8x128xf32> to vector<1024x128xf32>
    %get3A_56 = arith.constant 3 : index
    %get3A_57 = arith.constant 0 : index
    %get3A_58 = arith.constant 0 : index
    %get3A_59 = vector.load %arg5[%get3A_56, %get3A_57, %get3A_58] : memref<26x128x128xf32, #tpu.memory_space<vmem>>, vector<1x128x128xf32>
    %get3A_60 = vector.shape_cast %get3A_59 : vector<1x128x128xf32> to vector<128x128xf32>
    %dot_general3A_61 = arith.constant dense<0.000000e+00> : vector<1024x128xf32>
    %dot_general3A_62 = tpu.matmul %reshape3A_55, %get3A_60, %dot_general3A_61 {dimension_numbers = #tpu.dot_dimension_numbers<[1], [0], [0], [1], [0, 0, 1, 1], [], []>, transpose_lhs_hint = false} : vector<1024x128xf32>, vector<128x128xf32>, vector<1024x128xf32> -> vector<1024x128xf32>
    %add3A_63 = arith.addf %add3A_48, %dot_general3A_62 : vector<1024x128xf32>
    %get3A_64 = arith.constant 0 : index
    %get3A_65 = arith.constant 4 : index
    %get3A_66 = arith.constant 0 : index
    %get3A_67 = arith.constant 0 : index
    %get3A_68 = vector.load %arg2[%get3A_64, %get3A_65, %get3A_66, %get3A_67] : memref<128x16x8x128xf32, #tpu.memory_space<vmem>>, vector<128x1x8x128xf32>
    %get3A_69 = vector.shape_cast %get3A_68 : vector<128x1x8x128xf32> to vector<128x8x128xf32>
    %reshape3A_70 = vector.shape_cast %get3A_69 : vector<128x8x128xf32> to vector<1024x128xf32>
    %get3A_71 = arith.constant 4 : index
    %get3A_72 = arith.constant 0 : index
    %get3A_73 = arith.constant 0 : index
    %get3A_74 = vector.load %arg5[%get3A_71, %get3A_72, %get3A_73] : memref<26x128x128xf32, #tpu.memory_space<vmem>>, vector<1x128x128xf32>
    %get3A_75 = vector.shape_cast %get3A_74 : vector<1x128x128xf32> to vector<128x128xf32>
    %dot_general3A_76 = arith.constant dense<0.000000e+00> : vector<1024x128xf32>
    %dot_general3A_77 = tpu.matmul %reshape3A_70, %get3A_75, %dot_general3A_76 {dimension_numbers = #tpu.dot_dimension_numbers<[1], [0], [0], [1], [0, 0, 1, 1], [], []>, transpose_lhs_hint = false} : vector<1024x128xf32>, vector<128x128xf32>, vector<1024x128xf32> -> vector<1024x128xf32>
    %add3A_78 = arith.addf %add3A_63, %dot_general3A_77 : vector<1024x128xf32>
    %get3A_79 = arith.constant 0 : index
    %get3A_80 = arith.constant 5 : index
    %get3A_81 = arith.constant 0 : index
    %get3A_82 = arith.constant 0 : index
    %get3A_83 = vector.load %arg2[%get3A_79, %get3A_80, %get3A_81, %get3A_82] : memref<128x16x8x128xf32, #tpu.memory_space<vmem>>, vector<128x1x8x128xf32>
    %get3A_84 = vector.shape_cast %get3A_83 : vector<128x1x8x128xf32> to vector<128x8x128xf32>
    %reshape3A_85 = vector.shape_cast %get3A_84 : vector<128x8x128xf32> to vector<1024x128xf32>
    %get3A_86 = arith.constant 5 : index
    %get3A_87 = arith.constant 0 : index
    %get3A_88 = arith.constant 0 : index
    %get3A_89 = vector.load %arg5[%get3A_86, %get3A_87, %get3A_88] : memref<26x128x128xf32, #tpu.memory_space<vmem>>, vector<1x128x128xf32>
    %get3A_90 = vector.shape_cast %get3A_89 : vector<1x128x128xf32> to vector<128x128xf32>
    %dot_general3A_91 = arith.constant dense<0.000000e+00> : vector<1024x128xf32>
    %dot_general3A_92 = tpu.matmul %reshape3A_85, %get3A_90, %dot_general3A_91 {dimension_numbers = #tpu.dot_dimension_numbers<[1], [0], [0], [1], [0, 0, 1, 1], [], []>, transpose_lhs_hint = false} : vector<1024x128xf32>, vector<128x128xf32>, vector<1024x128xf32> -> vector<1024x128xf32>
    %add3A_93 = arith.addf %add3A_78, %dot_general3A_92 : vector<1024x128xf32>
    %get3A_94 = arith.constant 0 : index
    %get3A_95 = arith.constant 6 : index
    %get3A_96 = arith.constant 0 : index
    %get3A_97 = arith.constant 0 : index
    %get3A_98 = vector.load %arg2[%get3A_94, %get3A_95, %get3A_96, %get3A_97] : memref<128x16x8x128xf32, #tpu.memory_space<vmem>>, vector<128x1x8x128xf32>
    %get3A_99 = vector.shape_cast %get3A_98 : vector<128x1x8x128xf32> to vector<128x8x128xf32>
    %reshape3A_100 = vector.shape_cast %get3A_99 : vector<128x8x128xf32> to vector<1024x128xf32>
    %get3A_101 = arith.constant 6 : index
    %get3A_102 = arith.constant 0 : index
    %get3A_103 = arith.constant 0 : index
    %get3A_104 = vector.load %arg5[%get3A_101, %get3A_102, %get3A_103] : memref<26x128x128xf32, #tpu.memory_space<vmem>>, vector<1x128x128xf32>
    %get3A_105 = vector.shape_cast %get3A_104 : vector<1x128x128xf32> to vector<128x128xf32>
    %dot_general3A_106 = arith.constant dense<0.000000e+00> : vector<1024x128xf32>
    %dot_general3A_107 = tpu.matmul %reshape3A_100, %get3A_105, %dot_general3A_106 {dimension_numbers = #tpu.dot_dimension_numbers<[1], [0], [0], [1], [0, 0, 1, 1], [], []>, transpose_lhs_hint = false} : vector<1024x128xf32>, vector<128x128xf32>, vector<1024x128xf32> -> vector<1024x128xf32>
    %add3A_108 = arith.addf %add3A_93, %dot_general3A_107 : vector<1024x128xf32>
    %get3A_109 = arith.constant 0 : index
    %get3A_110 = arith.constant 7 : index
    %get3A_111 = arith.constant 0 : index
    %get3A_112 = arith.constant 0 : index
    %get3A_113 = vector.load %arg2[%get3A_109, %get3A_110, %get3A_111, %get3A_112] : memref<128x16x8x128xf32, #tpu.memory_space<vmem>>, vector<128x1x8x128xf32>
    %get3A_114 = vector.shape_cast %get3A_113 : vector<128x1x8x128xf32> to vector<128x8x128xf32>
    %reshape3A_115 = vector.shape_cast %get3A_114 : vector<128x8x128xf32> to vector<1024x128xf32>
    %get3A_116 = arith.constant 7 : index
    %get3A_117 = arith.constant 0 : index
    %get3A_118 = arith.constant 0 : index
    %get3A_119 = vector.load %arg5[%get3A_116, %get3A_117, %get3A_118] : memref<26x128x128xf32, #tpu.memory_space<vmem>>, vector<1x128x128xf32>
    %get3A_120 = vector.shape_cast %get3A_119 : vector<1x128x128xf32> to vector<128x128xf32>
    %dot_general3A_121 = arith.constant dense<0.000000e+00> : vector<1024x128xf32>
    %dot_general3A_122 = tpu.matmul %reshape3A_115, %get3A_120, %dot_general3A_121 {dimension_numbers = #tpu.dot_dimension_numbers<[1], [0], [0], [1], [0, 0, 1, 1], [], []>, transpose_lhs_hint = false} : vector<1024x128xf32>, vector<128x128xf32>, vector<1024x128xf32> -> vector<1024x128xf32>
    %add3A_123 = arith.addf %add3A_108, %dot_general3A_122 : vector<1024x128xf32>
    %get3A_124 = arith.constant 0 : index
    %get3A_125 = arith.constant 8 : index
    %get3A_126 = arith.constant 0 : index
    %get3A_127 = arith.constant 0 : index
    %get3A_128 = vector.load %arg2[%get3A_124, %get3A_125, %get3A_126, %get3A_127] : memref<128x16x8x128xf32, #tpu.memory_space<vmem>>, vector<128x1x8x128xf32>
    %get3A_129 = vector.shape_cast %get3A_128 : vector<128x1x8x128xf32> to vector<128x8x128xf32>
    %reshape3A_130 = vector.shape_cast %get3A_129 : vector<128x8x128xf32> to vector<1024x128xf32>
    %get3A_131 = arith.constant 8 : index
    %get3A_132 = arith.constant 0 : index
    %get3A_133 = arith.constant 0 : index
    %get3A_134 = vector.load %arg5[%get3A_131, %get3A_132, %get3A_133] : memref<26x128x128xf32, #tpu.memory_space<vmem>>, vector<1x128x128xf32>
    %get3A_135 = vector.shape_cast %get3A_134 : vector<1x128x128xf32> to vector<128x128xf32>
    %dot_general3A_136 = arith.constant dense<0.000000e+00> : vector<1024x128xf32>
    %dot_general3A_137 = tpu.matmul %reshape3A_130, %get3A_135, %dot_general3A_136 {dimension_numbers = #tpu.dot_dimension_numbers<[1], [0], [0], [1], [0, 0, 1, 1], [], []>, transpose_lhs_hint = false} : vector<1024x128xf32>, vector<128x128xf32>, vector<1024x128xf32> -> vector<1024x128xf32>
    %add3A_138 = arith.addf %add3A_123, %dot_general3A_137 : vector<1024x128xf32>
    %get3A_139 = arith.constant 0 : index
    %get3A_140 = arith.constant 9 : index
    %get3A_141 = arith.constant 0 : index
    %get3A_142 = arith.constant 0 : index
    %get3A_143 = vector.load %arg2[%get3A_139, %get3A_140, %get3A_141, %get3A_142] : memref<128x16x8x128xf32, #tpu.memory_space<vmem>>, vector<128x1x8x128xf32>
    %get3A_144 = vector.shape_cast %get3A_143 : vector<128x1x8x128xf32> to vector<128x8x128xf32>
    %reshape3A_145 = vector.shape_cast %get3A_144 : vector<128x8x128xf32> to vector<1024x128xf32>
    %get3A_146 = arith.constant 9 : index
    %get3A_147 = arith.constant 0 : index
    %get3A_148 = arith.constant 0 : index
    %get3A_149 = vector.load %arg5[%get3A_146, %get3A_147, %get3A_148] : memref<26x128x128xf32, #tpu.memory_space<vmem>>, vector<1x128x128xf32>
    %get3A_150 = vector.shape_cast %get3A_149 : vector<1x128x128xf32> to vector<128x128xf32>
    %dot_general3A_151 = arith.constant dense<0.000000e+00> : vector<1024x128xf32>
    %dot_general3A_152 = tpu.matmul %reshape3A_145, %get3A_150, %dot_general3A_151 {dimension_numbers = #tpu.dot_dimension_numbers<[1], [0], [0], [1], [0, 0, 1, 1], [], []>, transpose_lhs_hint = false} : vector<1024x128xf32>, vector<128x128xf32>, vector<1024x128xf32> -> vector<1024x128xf32>
    %add3A_153 = arith.addf %add3A_138, %dot_general3A_152 : vector<1024x128xf32>
    %get3A_154 = arith.constant 0 : index
    %get3A_155 = arith.constant 10 : index
    %get3A_156 = arith.constant 0 : index
    %get3A_157 = arith.constant 0 : index
    %get3A_158 = vector.load %arg2[%get3A_154, %get3A_155, %get3A_156, %get3A_157] : memref<128x16x8x128xf32, #tpu.memory_space<vmem>>, vector<128x1x8x128xf32>
    %get3A_159 = vector.shape_cast %get3A_158 : vector<128x1x8x128xf32> to vector<128x8x128xf32>
    %reshape3A_160 = vector.shape_cast %get3A_159 : vector<128x8x128xf32> to vector<1024x128xf32>
    %get3A_161 = arith.constant 10 : index
    %get3A_162 = arith.constant 0 : index
    %get3A_163 = arith.constant 0 : index
    %get3A_164 = vector.load %arg5[%get3A_161, %get3A_162, %get3A_163] : memref<26x128x128xf32, #tpu.memory_space<vmem>>, vector<1x128x128xf32>
    %get3A_165 = vector.shape_cast %get3A_164 : vector<1x128x128xf32> to vector<128x128xf32>
    %dot_general3A_166 = arith.constant dense<0.000000e+00> : vector<1024x128xf32>
    %dot_general3A_167 = tpu.matmul %reshape3A_160, %get3A_165, %dot_general3A_166 {dimension_numbers = #tpu.dot_dimension_numbers<[1], [0], [0], [1], [0, 0, 1, 1], [], []>, transpose_lhs_hint = false} : vector<1024x128xf32>, vector<128x128xf32>, vector<1024x128xf32> -> vector<1024x128xf32>
    %add3A_168 = arith.addf %add3A_153, %dot_general3A_167 : vector<1024x128xf32>
    %get3A_169 = arith.constant 0 : index
    %get3A_170 = arith.constant 11 : index
    %get3A_171 = arith.constant 0 : index
    %get3A_172 = arith.constant 0 : index
    %get3A_173 = vector.load %arg2[%get3A_169, %get3A_170, %get3A_171, %get3A_172] : memref<128x16x8x128xf32, #tpu.memory_space<vmem>>, vector<128x1x8x128xf32>
    %get3A_174 = vector.shape_cast %get3A_173 : vector<128x1x8x128xf32> to vector<128x8x128xf32>
    %reshape3A_175 = vector.shape_cast %get3A_174 : vector<128x8x128xf32> to vector<1024x128xf32>
    %get3A_176 = arith.constant 11 : index
    %get3A_177 = arith.constant 0 : index
    %get3A_178 = arith.constant 0 : index
    %get3A_179 = vector.load %arg5[%get3A_176, %get3A_177, %get3A_178] : memref<26x128x128xf32, #tpu.memory_space<vmem>>, vector<1x128x128xf32>
    %get3A_180 = vector.shape_cast %get3A_179 : vector<1x128x128xf32> to vector<128x128xf32>
    %dot_general3A_181 = arith.constant dense<0.000000e+00> : vector<1024x128xf32>
    %dot_general3A_182 = tpu.matmul %reshape3A_175, %get3A_180, %dot_general3A_181 {dimension_numbers = #tpu.dot_dimension_numbers<[1], [0], [0], [1], [0, 0, 1, 1], [], []>, transpose_lhs_hint = false} : vector<1024x128xf32>, vector<128x128xf32>, vector<1024x128xf32> -> vector<1024x128xf32>
    %add3A_183 = arith.addf %add3A_168, %dot_general3A_182 : vector<1024x128xf32>
    %get3A_184 = arith.constant 0 : index
    %get3A_185 = arith.constant 12 : index
    %get3A_186 = arith.constant 0 : index
    %get3A_187 = arith.constant 0 : index
    %get3A_188 = vector.load %arg2[%get3A_184, %get3A_185, %get3A_186, %get3A_187] : memref<128x16x8x128xf32, #tpu.memory_space<vmem>>, vector<128x1x8x128xf32>
    %get3A_189 = vector.shape_cast %get3A_188 : vector<128x1x8x128xf32> to vector<128x8x128xf32>
    %reshape3A_190 = vector.shape_cast %get3A_189 : vector<128x8x128xf32> to vector<1024x128xf32>
    %get3A_191 = arith.constant 12 : index
    %get3A_192 = arith.constant 0 : index
    %get3A_193 = arith.constant 0 : index
    %get3A_194 = vector.load %arg5[%get3A_191, %get3A_192, %get3A_193] : memref<26x128x128xf32, #tpu.memory_space<vmem>>, vector<1x128x128xf32>
    %get3A_195 = vector.shape_cast %get3A_194 : vector<1x128x128xf32> to vector<128x128xf32>
    %dot_general3A_196 = arith.constant dense<0.000000e+00> : vector<1024x128xf32>
    %dot_general3A_197 = tpu.matmul %reshape3A_190, %get3A_195, %dot_general3A_196 {dimension_numbers = #tpu.dot_dimension_numbers<[1], [0], [0], [1], [0, 0, 1, 1], [], []>, transpose_lhs_hint = false} : vector<1024x128xf32>, vector<128x128xf32>, vector<1024x128xf32> -> vector<1024x128xf32>
    %add3A_198 = arith.addf %add3A_183, %dot_general3A_197 : vector<1024x128xf32>
    %get3A_199 = arith.constant 0 : index
    %get3A_200 = arith.constant 13 : index
    %get3A_201 = arith.constant 0 : index
    %get3A_202 = arith.constant 0 : index
    %get3A_203 = vector.load %arg2[%get3A_199, %get3A_200, %get3A_201, %get3A_202] : memref<128x16x8x128xf32, #tpu.memory_space<vmem>>, vector<128x1x8x128xf32>
    %get3A_204 = vector.shape_cast %get3A_203 : vector<128x1x8x128xf32> to vector<128x8x128xf32>
    %reshape3A_205 = vector.shape_cast %get3A_204 : vector<128x8x128xf32> to vector<1024x128xf32>
    %get3A_206 = arith.constant 13 : index
    %get3A_207 = arith.constant 0 : index
    %get3A_208 = arith.constant 0 : index
    %get3A_209 = vector.load %arg5[%get3A_206, %get3A_207, %get3A_208] : memref<26x128x128xf32, #tpu.memory_space<vmem>>, vector<1x128x128xf32>
    %get3A_210 = vector.shape_cast %get3A_209 : vector<1x128x128xf32> to vector<128x128xf32>
    %dot_general3A_211 = arith.constant dense<0.000000e+00> : vector<1024x128xf32>
    %dot_general3A_212 = tpu.matmul %reshape3A_205, %get3A_210, %dot_general3A_211 {dimension_numbers = #tpu.dot_dimension_numbers<[1], [0], [0], [1], [0, 0, 1, 1], [], []>, transpose_lhs_hint = false} : vector<1024x128xf32>, vector<128x128xf32>, vector<1024x128xf32> -> vector<1024x128xf32>
    %add3A_213 = arith.addf %add3A_198, %dot_general3A_212 : vector<1024x128xf32>
    %get3A_214 = arith.constant 0 : index
    %get3A_215 = arith.constant 14 : index
    %get3A_216 = arith.constant 0 : index
    %get3A_217 = arith.constant 0 : index
    %get3A_218 = vector.load %arg2[%get3A_214, %get3A_215, %get3A_216, %get3A_217] : memref<128x16x8x128xf32, #tpu.memory_space<vmem>>, vector<128x1x8x128xf32>
    %get3A_219 = vector.shape_cast %get3A_218 : vector<128x1x8x128xf32> to vector<128x8x128xf32>
    %reshape3A_220 = vector.shape_cast %get3A_219 : vector<128x8x128xf32> to vector<1024x128xf32>
    %get3A_221 = arith.constant 14 : index
    %get3A_222 = arith.constant 0 : index
    %get3A_223 = arith.constant 0 : index
    %get3A_224 = vector.load %arg5[%get3A_221, %get3A_222, %get3A_223] : memref<26x128x128xf32, #tpu.memory_space<vmem>>, vector<1x128x128xf32>
    %get3A_225 = vector.shape_cast %get3A_224 : vector<1x128x128xf32> to vector<128x128xf32>
    %dot_general3A_226 = arith.constant dense<0.000000e+00> : vector<1024x128xf32>
    %dot_general3A_227 = tpu.matmul %reshape3A_220, %get3A_225, %dot_general3A_226 {dimension_numbers = #tpu.dot_dimension_numbers<[1], [0], [0], [1], [0, 0, 1, 1], [], []>, transpose_lhs_hint = false} : vector<1024x128xf32>, vector<128x128xf32>, vector<1024x128xf32> -> vector<1024x128xf32>
    %add3A_228 = arith.addf %add3A_213, %dot_general3A_227 : vector<1024x128xf32>
    %get3A_229 = arith.constant 0 : index
    %get3A_230 = arith.constant 15 : index
    %get3A_231 = arith.constant 0 : index
    %get3A_232 = arith.constant 0 : index
    %get3A_233 = vector.load %arg2[%get3A_229, %get3A_230, %get3A_231, %get3A_232] : memref<128x16x8x128xf32, #tpu.memory_space<vmem>>, vector<128x1x8x128xf32>
    %get3A_234 = vector.shape_cast %get3A_233 : vector<128x1x8x128xf32> to vector<128x8x128xf32>
    %reshape3A_235 = vector.shape_cast %get3A_234 : vector<128x8x128xf32> to vector<1024x128xf32>
    %get3A_236 = arith.constant 15 : index
    %get3A_237 = arith.constant 0 : index
    %get3A_238 = arith.constant 0 : index
    %get3A_239 = vector.load %arg5[%get3A_236, %get3A_237, %get3A_238] : memref<26x128x128xf32, #tpu.memory_space<vmem>>, vector<1x128x128xf32>
    %get3A_240 = vector.shape_cast %get3A_239 : vector<1x128x128xf32> to vector<128x128xf32>
    %dot_general3A_241 = arith.constant dense<0.000000e+00> : vector<1024x128xf32>
    %dot_general3A_242 = tpu.matmul %reshape3A_235, %get3A_240, %dot_general3A_241 {dimension_numbers = #tpu.dot_dimension_numbers<[1], [0], [0], [1], [0, 0, 1, 1], [], []>, transpose_lhs_hint = false} : vector<1024x128xf32>, vector<128x128xf32>, vector<1024x128xf32> -> vector<1024x128xf32>
    %add3A_243 = arith.addf %add3A_228, %dot_general3A_242 : vector<1024x128xf32>
    %get3A_244 = arith.constant 0 : index
    %get3A_245 = arith.constant 0 : index
    %get3A_246 = arith.constant 0 : index
    %get3A_247 = arith.constant 0 : index
    %get3A_248 = vector.load %arg3[%get3A_244, %get3A_245, %get3A_246, %get3A_247] : memref<128x10x8x128xf32, #tpu.memory_space<vmem>>, vector<128x1x8x128xf32>
    %get3A_249 = vector.shape_cast %get3A_248 : vector<128x1x8x128xf32> to vector<128x8x128xf32>
    %reshape3A_250 = vector.shape_cast %get3A_249 : vector<128x8x128xf32> to vector<1024x128xf32>
    %get3A_251 = arith.constant 16 : index
    %get3A_252 = arith.constant 0 : index
    %get3A_253 = arith.constant 0 : index
    %get3A_254 = vector.load %arg5[%get3A_251, %get3A_252, %get3A_253] : memref<26x128x128xf32, #tpu.memory_space<vmem>>, vector<1x128x128xf32>
    %get3A_255 = vector.shape_cast %get3A_254 : vector<1x128x128xf32> to vector<128x128xf32>
    %dot_general3A_256 = arith.constant dense<0.000000e+00> : vector<1024x128xf32>
    %dot_general3A_257 = tpu.matmul %reshape3A_250, %get3A_255, %dot_general3A_256 {dimension_numbers = #tpu.dot_dimension_numbers<[1], [0], [0], [1], [0, 0, 1, 1], [], []>, transpose_lhs_hint = false} : vector<1024x128xf32>, vector<128x128xf32>, vector<1024x128xf32> -> vector<1024x128xf32>
    %add3A_258 = arith.addf %add3A_243, %dot_general3A_257 : vector<1024x128xf32>
    %get3A_259 = arith.constant 0 : index
    %get3A_260 = arith.constant 1 : index
    %get3A_261 = arith.constant 0 : index
    %get3A_262 = arith.constant 0 : index
    %get3A_263 = vector.load %arg3[%get3A_259, %get3A_260, %get3A_261, %get3A_262] : memref<128x10x8x128xf32, #tpu.memory_space<vmem>>, vector<128x1x8x128xf32>
    %get3A_264 = vector.shape_cast %get3A_263 : vector<128x1x8x128xf32> to vector<128x8x128xf32>
    %reshape3A_265 = vector.shape_cast %get3A_264 : vector<128x8x128xf32> to vector<1024x128xf32>
    %get3A_266 = arith.constant 17 : index
    %get3A_267 = arith.constant 0 : index
    %get3A_268 = arith.constant 0 : index
    %get3A_269 = vector.load %arg5[%get3A_266, %get3A_267, %get3A_268] : memref<26x128x128xf32, #tpu.memory_space<vmem>>, vector<1x128x128xf32>
    %get3A_270 = vector.shape_cast %get3A_269 : vector<1x128x128xf32> to vector<128x128xf32>
    %dot_general3A_271 = arith.constant dense<0.000000e+00> : vector<1024x128xf32>
    %dot_general3A_272 = tpu.matmul %reshape3A_265, %get3A_270, %dot_general3A_271 {dimension_numbers = #tpu.dot_dimension_numbers<[1], [0], [0], [1], [0, 0, 1, 1], [], []>, transpose_lhs_hint = false} : vector<1024x128xf32>, vector<128x128xf32>, vector<1024x128xf32> -> vector<1024x128xf32>
    %add3A_273 = arith.addf %add3A_258, %dot_general3A_272 : vector<1024x128xf32>
    %get3A_274 = arith.constant 0 : index
    %get3A_275 = arith.constant 2 : index
    %get3A_276 = arith.constant 0 : index
    %get3A_277 = arith.constant 0 : index
    %get3A_278 = vector.load %arg3[%get3A_274, %get3A_275, %get3A_276, %get3A_277] : memref<128x10x8x128xf32, #tpu.memory_space<vmem>>, vector<128x1x8x128xf32>
    %get3A_279 = vector.shape_cast %get3A_278 : vector<128x1x8x128xf32> to vector<128x8x128xf32>
    %reshape3A_280 = vector.shape_cast %get3A_279 : vector<128x8x128xf32> to vector<1024x128xf32>
    %get3A_281 = arith.constant 18 : index
    %get3A_282 = arith.constant 0 : index
    %get3A_283 = arith.constant 0 : index
    %get3A_284 = vector.load %arg5[%get3A_281, %get3A_282, %get3A_283] : memref<26x128x128xf32, #tpu.memory_space<vmem>>, vector<1x128x128xf32>
    %get3A_285 = vector.shape_cast %get3A_284 : vector<1x128x128xf32> to vector<128x128xf32>
    %dot_general3A_286 = arith.constant dense<0.000000e+00> : vector<1024x128xf32>
    %dot_general3A_287 = tpu.matmul %reshape3A_280, %get3A_285, %dot_general3A_286 {dimension_numbers = #tpu.dot_dimension_numbers<[1], [0], [0], [1], [0, 0, 1, 1], [], []>, transpose_lhs_hint = false} : vector<1024x128xf32>, vector<128x128xf32>, vector<1024x128xf32> -> vector<1024x128xf32>
    %add3A_288 = arith.addf %add3A_273, %dot_general3A_287 : vector<1024x128xf32>
    %get3A_289 = arith.constant 0 : index
    %get3A_290 = arith.constant 3 : index
    %get3A_291 = arith.constant 0 : index
    %get3A_292 = arith.constant 0 : index
    %get3A_293 = vector.load %arg3[%get3A_289, %get3A_290, %get3A_291, %get3A_292] : memref<128x10x8x128xf32, #tpu.memory_space<vmem>>, vector<128x1x8x128xf32>
    %get3A_294 = vector.shape_cast %get3A_293 : vector<128x1x8x128xf32> to vector<128x8x128xf32>
    %reshape3A_295 = vector.shape_cast %get3A_294 : vector<128x8x128xf32> to vector<1024x128xf32>
    %get3A_296 = arith.constant 19 : index
    %get3A_297 = arith.constant 0 : index
    %get3A_298 = arith.constant 0 : index
    %get3A_299 = vector.load %arg5[%get3A_296, %get3A_297, %get3A_298] : memref<26x128x128xf32, #tpu.memory_space<vmem>>, vector<1x128x128xf32>
    %get3A_300 = vector.shape_cast %get3A_299 : vector<1x128x128xf32> to vector<128x128xf32>
    %dot_general3A_301 = arith.constant dense<0.000000e+00> : vector<1024x128xf32>
    %dot_general3A_302 = tpu.matmul %reshape3A_295, %get3A_300, %dot_general3A_301 {dimension_numbers = #tpu.dot_dimension_numbers<[1], [0], [0], [1], [0, 0, 1, 1], [], []>, transpose_lhs_hint = false} : vector<1024x128xf32>, vector<128x128xf32>, vector<1024x128xf32> -> vector<1024x128xf32>
    %add3A_303 = arith.addf %add3A_288, %dot_general3A_302 : vector<1024x128xf32>
    %get3A_304 = arith.constant 0 : index
    %get3A_305 = arith.constant 4 : index
    %get3A_306 = arith.constant 0 : index
    %get3A_307 = arith.constant 0 : index
    %get3A_308 = vector.load %arg3[%get3A_304, %get3A_305, %get3A_306, %get3A_307] : memref<128x10x8x128xf32, #tpu.memory_space<vmem>>, vector<128x1x8x128xf32>
    %get3A_309 = vector.shape_cast %get3A_308 : vector<128x1x8x128xf32> to vector<128x8x128xf32>
    %reshape3A_310 = vector.shape_cast %get3A_309 : vector<128x8x128xf32> to vector<1024x128xf32>
    %get3A_311 = arith.constant 20 : index
    %get3A_312 = arith.constant 0 : index
    %get3A_313 = arith.constant 0 : index
    %get3A_314 = vector.load %arg5[%get3A_311, %get3A_312, %get3A_313] : memref<26x128x128xf32, #tpu.memory_space<vmem>>, vector<1x128x128xf32>
    %get3A_315 = vector.shape_cast %get3A_314 : vector<1x128x128xf32> to vector<128x128xf32>
    %dot_general3A_316 = arith.constant dense<0.000000e+00> : vector<1024x128xf32>
    %dot_general3A_317 = tpu.matmul %reshape3A_310, %get3A_315, %dot_general3A_316 {dimension_numbers = #tpu.dot_dimension_numbers<[1], [0], [0], [1], [0, 0, 1, 1], [], []>, transpose_lhs_hint = false} : vector<1024x128xf32>, vector<128x128xf32>, vector<1024x128xf32> -> vector<1024x128xf32>
    %add3A_318 = arith.addf %add3A_303, %dot_general3A_317 : vector<1024x128xf32>
    %get3A_319 = arith.constant 0 : index
    %get3A_320 = arith.constant 5 : index
    %get3A_321 = arith.constant 0 : index
    %get3A_322 = arith.constant 0 : index
    %get3A_323 = vector.load %arg3[%get3A_319, %get3A_320, %get3A_321, %get3A_322] : memref<128x10x8x128xf32, #tpu.memory_space<vmem>>, vector<128x1x8x128xf32>
    %get3A_324 = vector.shape_cast %get3A_323 : vector<128x1x8x128xf32> to vector<128x8x128xf32>
    %reshape3A_325 = vector.shape_cast %get3A_324 : vector<128x8x128xf32> to vector<1024x128xf32>
    %get3A_326 = arith.constant 21 : index
    %get3A_327 = arith.constant 0 : index
    %get3A_328 = arith.constant 0 : index
    %get3A_329 = vector.load %arg5[%get3A_326, %get3A_327, %get3A_328] : memref<26x128x128xf32, #tpu.memory_space<vmem>>, vector<1x128x128xf32>
    %get3A_330 = vector.shape_cast %get3A_329 : vector<1x128x128xf32> to vector<128x128xf32>
    %dot_general3A_331 = arith.constant dense<0.000000e+00> : vector<1024x128xf32>
    %dot_general3A_332 = tpu.matmul %reshape3A_325, %get3A_330, %dot_general3A_331 {dimension_numbers = #tpu.dot_dimension_numbers<[1], [0], [0], [1], [0, 0, 1, 1], [], []>, transpose_lhs_hint = false} : vector<1024x128xf32>, vector<128x128xf32>, vector<1024x128xf32> -> vector<1024x128xf32>
    %add3A_333 = arith.addf %add3A_318, %dot_general3A_332 : vector<1024x128xf32>
    %get3A_334 = arith.constant 0 : index
    %get3A_335 = arith.constant 6 : index
    %get3A_336 = arith.constant 0 : index
    %get3A_337 = arith.constant 0 : index
    %get3A_338 = vector.load %arg3[%get3A_334, %get3A_335, %get3A_336, %get3A_337] : memref<128x10x8x128xf32, #tpu.memory_space<vmem>>, vector<128x1x8x128xf32>
    %get3A_339 = vector.shape_cast %get3A_338 : vector<128x1x8x128xf32> to vector<128x8x128xf32>
    %reshape3A_340 = vector.shape_cast %get3A_339 : vector<128x8x128xf32> to vector<1024x128xf32>
    %get3A_341 = arith.constant 22 : index
    %get3A_342 = arith.constant 0 : index
    %get3A_343 = arith.constant 0 : index
    %get3A_344 = vector.load %arg5[%get3A_341, %get3A_342, %get3A_343] : memref<26x128x128xf32, #tpu.memory_space<vmem>>, vector<1x128x128xf32>
    %get3A_345 = vector.shape_cast %get3A_344 : vector<1x128x128xf32> to vector<128x128xf32>
    %dot_general3A_346 = arith.constant dense<0.000000e+00> : vector<1024x128xf32>
    %dot_general3A_347 = tpu.matmul %reshape3A_340, %get3A_345, %dot_general3A_346 {dimension_numbers = #tpu.dot_dimension_numbers<[1], [0], [0], [1], [0, 0, 1, 1], [], []>, transpose_lhs_hint = false} : vector<1024x128xf32>, vector<128x128xf32>, vector<1024x128xf32> -> vector<1024x128xf32>
    %add3A_348 = arith.addf %add3A_333, %dot_general3A_347 : vector<1024x128xf32>
    %get3A_349 = arith.constant 0 : index
    %get3A_350 = arith.constant 7 : index
    %get3A_351 = arith.constant 0 : index
    %get3A_352 = arith.constant 0 : index
    %get3A_353 = vector.load %arg3[%get3A_349, %get3A_350, %get3A_351, %get3A_352] : memref<128x10x8x128xf32, #tpu.memory_space<vmem>>, vector<128x1x8x128xf32>
    %get3A_354 = vector.shape_cast %get3A_353 : vector<128x1x8x128xf32> to vector<128x8x128xf32>
    %reshape3A_355 = vector.shape_cast %get3A_354 : vector<128x8x128xf32> to vector<1024x128xf32>
    %get3A_356 = arith.constant 23 : index
    %get3A_357 = arith.constant 0 : index
    %get3A_358 = arith.constant 0 : index
    %get3A_359 = vector.load %arg5[%get3A_356, %get3A_357, %get3A_358] : memref<26x128x128xf32, #tpu.memory_space<vmem>>, vector<1x128x128xf32>
    %get3A_360 = vector.shape_cast %get3A_359 : vector<1x128x128xf32> to vector<128x128xf32>
    %dot_general3A_361 = arith.constant dense<0.000000e+00> : vector<1024x128xf32>
    %dot_general3A_362 = tpu.matmul %reshape3A_355, %get3A_360, %dot_general3A_361 {dimension_numbers = #tpu.dot_dimension_numbers<[1], [0], [0], [1], [0, 0, 1, 1], [], []>, transpose_lhs_hint = false} : vector<1024x128xf32>, vector<128x128xf32>, vector<1024x128xf32> -> vector<1024x128xf32>
    %add3A_363 = arith.addf %add3A_348, %dot_general3A_362 : vector<1024x128xf32>
    %get3A_364 = arith.constant 0 : index
    %get3A_365 = arith.constant 8 : index
    %get3A_366 = arith.constant 0 : index
    %get3A_367 = arith.constant 0 : index
    %get3A_368 = vector.load %arg3[%get3A_364, %get3A_365, %get3A_366, %get3A_367] : memref<128x10x8x128xf32, #tpu.memory_space<vmem>>, vector<128x1x8x128xf32>
    %get3A_369 = vector.shape_cast %get3A_368 : vector<128x1x8x128xf32> to vector<128x8x128xf32>
    %reshape3A_370 = vector.shape_cast %get3A_369 : vector<128x8x128xf32> to vector<1024x128xf32>
    %get3A_371 = arith.constant 24 : index
    %get3A_372 = arith.constant 0 : index
    %get3A_373 = arith.constant 0 : index
    %get3A_374 = vector.load %arg5[%get3A_371, %get3A_372, %get3A_373] : memref<26x128x128xf32, #tpu.memory_space<vmem>>, vector<1x128x128xf32>
    %get3A_375 = vector.shape_cast %get3A_374 : vector<1x128x128xf32> to vector<128x128xf32>
    %dot_general3A_376 = arith.constant dense<0.000000e+00> : vector<1024x128xf32>
    %dot_general3A_377 = tpu.matmul %reshape3A_370, %get3A_375, %dot_general3A_376 {dimension_numbers = #tpu.dot_dimension_numbers<[1], [0], [0], [1], [0, 0, 1, 1], [], []>, transpose_lhs_hint = false} : vector<1024x128xf32>, vector<128x128xf32>, vector<1024x128xf32> -> vector<1024x128xf32>
    %add3A_378 = arith.addf %add3A_363, %dot_general3A_377 : vector<1024x128xf32>
    %get3A_379 = arith.constant 0 : index
    %get3A_380 = arith.constant 9 : index
    %get3A_381 = arith.constant 0 : index
    %get3A_382 = arith.constant 0 : index
    %get3A_383 = vector.load %arg3[%get3A_379, %get3A_380, %get3A_381, %get3A_382] : memref<128x10x8x128xf32, #tpu.memory_space<vmem>>, vector<128x1x8x128xf32>
    %get3A_384 = vector.shape_cast %get3A_383 : vector<128x1x8x128xf32> to vector<128x8x128xf32>
    %reshape3A_385 = vector.shape_cast %get3A_384 : vector<128x8x128xf32> to vector<1024x128xf32>
    %get3A_386 = arith.constant 25 : index
    %get3A_387 = arith.constant 0 : index
    %get3A_388 = arith.constant 0 : index
    %get3A_389 = vector.load %arg5[%get3A_386, %get3A_387, %get3A_388] : memref<26x128x128xf32, #tpu.memory_space<vmem>>, vector<1x128x128xf32>
    %get3A_390 = vector.shape_cast %get3A_389 : vector<1x128x128xf32> to vector<128x128xf32>
    %dot_general3A_391 = arith.constant dense<0.000000e+00> : vector<1024x128xf32>
    %dot_general3A_392 = tpu.matmul %reshape3A_385, %get3A_390, %dot_general3A_391 {dimension_numbers = #tpu.dot_dimension_numbers<[1], [0], [0], [1], [0, 0, 1, 1], [], []>, transpose_lhs_hint = false} : vector<1024x128xf32>, vector<128x128xf32>, vector<1024x128xf32> -> vector<1024x128xf32>
    %add3A_393 = arith.addf %add3A_378, %dot_general3A_392 : vector<1024x128xf32>
    %get3A_394 = arith.constant 0 : index
    %get3A_395 = arith.constant 0 : index
    %get3A_396 = vector.load %arg6[%get3A_394, %get3A_395] : memref<1x128xf32, #tpu.memory_space<vmem>>, vector<1x128xf32>
    %add3A_397 = vector.broadcast %get3A_396 : vector<1x128xf32> to vector<1024x128xf32>
    %add3A_398 = arith.addf %add3A_393, %add3A_397 : vector<1024x128xf32>
    %max3A = arith.constant 0.000000e+00 : f32
    %max3A_399 = vector.broadcast %max3A : f32 to vector<1024x128xf32>
    %max3A_400 = arith.maximumf %add3A_398, %max3A_399 : vector<1024x128xf32>
    %get3A_401 = arith.constant 0 : index
    %get3A_402 = arith.constant 0 : index
    %get3A_403 = vector.load %arg7[%get3A_401, %get3A_402] : memref<128x64xf32, #tpu.memory_space<vmem>>, vector<128x64xf32>
    %dot_general3A_404 = arith.constant dense<0.000000e+00> : vector<1024x64xf32>
    %dot_general3A_405 = tpu.matmul %max3A_400, %get3A_403, %dot_general3A_404 {dimension_numbers = #tpu.dot_dimension_numbers<[1], [0], [0], [1], [0, 0, 1, 1], [], []>, transpose_lhs_hint = false} : vector<1024x128xf32>, vector<128x64xf32>, vector<1024x64xf32> -> vector<1024x64xf32>
    %get3A_406 = arith.constant 0 : index
    %get3A_407 = arith.constant 0 : index
    %get3A_408 = vector.load %arg8[%get3A_406, %get3A_407] : memref<1x64xf32, #tpu.memory_space<vmem>>, vector<1x64xf32>
    %add3A_409 = vector.broadcast %get3A_408 : vector<1x64xf32> to vector<1024x64xf32>
    %add3A_410 = arith.addf %dot_general3A_405, %add3A_409 : vector<1024x64xf32>
    %max3A_411 = arith.constant 0.000000e+00 : f32
    %max3A_412 = vector.broadcast %max3A_411 : f32 to vector<1024x64xf32>
    %max3A_413 = arith.maximumf %add3A_410, %max3A_412 : vector<1024x64xf32>
    %get3A_414 = arith.constant 0 : index
    %get3A_415 = arith.constant 0 : index
    %get3A_416 = vector.load %arg9[%get3A_414, %get3A_415] : memref<64x1xf32, #tpu.memory_space<vmem>>, vector<64x1xf32>
    %dot_general3A_417 = arith.constant dense<0.000000e+00> : vector<1024x1xf32>
    %dot_general3A_418 = tpu.matmul %max3A_413, %get3A_416, %dot_general3A_417 {dimension_numbers = #tpu.dot_dimension_numbers<[1], [0], [0], [1], [0, 0, 1, 1], [], []>, transpose_lhs_hint = false} : vector<1024x64xf32>, vector<64x1xf32>, vector<1024x1xf32> -> vector<1024x1xf32>
    %get3A_419 = arith.constant 0 : index
    %get3A_420 = arith.constant 0 : index
    %get3A_421 = vector.load %arg10[%get3A_419, %get3A_420] : memref<1x1xf32, #tpu.memory_space<vmem>>, vector<1x1xf32>
    %add3A_422 = vector.broadcast %get3A_421 : vector<1x1xf32> to vector<1024x1xf32>
    %add3A_423 = arith.addf %dot_general3A_418, %add3A_422 : vector<1024x1xf32>
    %swap3A = arith.constant 0 : index
    %swap3A_424 = arith.constant 0 : index
    %swap3A_425 = vector.load %arg11[%swap3A, %swap3A_424] : memref<1024x1xf32, #tpu.memory_space<vmem>>, vector<1024x1xf32>
    tpu.vector_store %arg11[%swap3A, %swap3A_424], %add3A_423 {strides = array<i32>} : memref<1024x1xf32, #tpu.memory_space<vmem>>, vector<1024x1xf32>,
    return
  }
  func.func @transform_0(%arg0: i32) -> (i32, i32) {
    %c0_i32 = arith.constant 0 : i32
    %c0_i32_0 = arith.constant 0 : i32
    return %arg0, %c0_i32 : i32, i32
  }
  func.func @transform_1(%arg0: i32) -> (i32, i32, i32, i32) {
    %c0_i32 = arith.constant 0 : i32
    %c0_i32_0 = arith.constant 0 : i32
    %c0_i32_1 = arith.constant 0 : i32
    %c0_i32_2 = arith.constant 0 : i32
    return %arg0, %c0_i32, %c0_i32_0, %c0_i32_1 : i32, i32, i32, i32
  }
  func.func @transform_2(%arg0: i32) -> (i32, i32, i32, i32) {
    %c0_i32 = arith.constant 0 : i32
    %c0_i32_0 = arith.constant 0 : i32
    %c0_i32_1 = arith.constant 0 : i32
    %c0_i32_2 = arith.constant 0 : i32
    return %arg0, %c0_i32, %c0_i32_0, %c0_i32_1 : i32, i32, i32, i32
  }
  func.func @transform_3(%arg0: i32) -> (i32, i32) {
    %c0_i32 = arith.constant 0 : i32
    %c0_i32_0 = arith.constant 0 : i32
    %c0_i32_1 = arith.constant 0 : i32
    return %c0_i32, %c0_i32_0 : i32, i32
  }
  func.func @transform_4(%arg0: i32) -> (i32, i32, i32) {
    %c0_i32 = arith.constant 0 : i32
    %c0_i32_0 = arith.constant 0 : i32
    %c0_i32_1 = arith.constant 0 : i32
    %c0_i32_2 = arith.constant 0 : i32
    return %c0_i32, %c0_i32_0, %c0_i32_1 : i32, i32, i32
  }
  func.func @transform_5(%arg0: i32) -> (i32, i32) {
    %c0_i32 = arith.constant 0 : i32
    %c0_i32_0 = arith.constant 0 : i32
    %c0_i32_1 = arith.constant 0 : i32
    return %c0_i32, %c0_i32_0 : i32, i32
  }
  func.func @transform_6(%arg0: i32) -> (i32, i32) {
    %c0_i32 = arith.constant 0 : i32
    %c0_i32_0 = arith.constant 0 : i32
    %c0_i32_1 = arith.constant 0 : i32
    return %c0_i32, %c0_i32_0 : i32, i32
  }
  func.func @transform_7(%arg0: i32) -> (i32, i32) {
    %c0_i32 = arith.constant 0 : i32
    %c0_i32_0 = arith.constant 0 : i32
    %c0_i32_1 = arith.constant 0 : i32
    return %c0_i32, %c0_i32_0 : i32, i32
  }
  func.func @transform_8(%arg0: i32) -> (i32, i32) {
    %c0_i32 = arith.constant 0 : i32
    %c0_i32_0 = arith.constant 0 : i32
    %c0_i32_1 = arith.constant 0 : i32
    return %c0_i32, %c0_i32_0 : i32, i32
  }
  func.func @transform_9(%arg0: i32) -> (i32, i32) {
    %c0_i32 = arith.constant 0 : i32
    %c0_i32_0 = arith.constant 0 : i32
    %c0_i32_1 = arith.constant 0 : i32
    return %c0_i32, %c0_i32_0 : i32, i32
  }
  func.func @transform_10(%arg0: i32) -> (i32, i32) {
    %c0_i32 = arith.constant 0 : i32
    %c0_i32_0 = arith.constant 0 : i32
    return %arg0, %c0_i32 : i32, i32
  }
}

</mosaic_0001>

<sc_bundles>
// kernel: kernel.10.cloned.1.call-start
scs
__scs_entry_jumppad:
0x0: {  	(pc) =	sbr.rel $0x88, $3  }
0x1: {  	(tag) =	ssettag $0x0;
	lr =	simm.s32 $0x1  }
0x2: {  	[smem:$0x3F98] =	sst lr;
	_ =	strace $0xD0000000  }
0x3: {  	_ = 	snop  }
0x4: {  	_ = 	snop  }
0x5: {  	_ = 	snop  }
0x6: {  	_ = 	snop  }
0x7: {  	_ = 	snop  }
__scs_overlays_trampoline_lowered:
0x8: {  	[smem:$0x3FA7] =	sst s0  }
0x9: {  	[smem:$0x3FA8] =	sst s1  }
0xa: {  	[smem:$0x3FA9] =	sst s2  }
0xb: {  	[smem:$0x3FAA] =	sst s3  }
0xc: {  	[smem:$0x3FAB] =	sst s4  }
0xd: {  	[smem:$0x3FAC] =	sst s5  }
0xe: {  	[smem:$0x3FAD] =	sst s6  }
0xf: {  	[smem:$0x3FAE] =	sst s7  }
0x10: {  	[smem:$0x3FAF] =	sst s8  }
0x11: {  	[smem:$0x3FB0] =	sst s9;
	s0 =	simm.s32 @!p0 $0x0  }
0x12: {  	s1 =	sld [smem:$0x3F96];
	s0 =	simm.s32 @p0 $0x1  }
0x13: {  	[smem:$0x3FB1] =	sst s0;
	s0 =	simm.s32 @!p1 $0x0  }
0x14: {  	s2 =	sld [smem:$0x3F95];
	s0 =	simm.s32 @p1 $0x1  }
0x15: {  	[smem:$0x3FB2] =	sst s0;
	s0 =	simm.s32 @!p2 $0x0  }
0x16: {  	s3 =	sld [smem:$0x3FDB];
	s0 =	simm.s32 @p2 $0x1  }
0x17: {  	s4 =	simm.s32 $0x1BF5;
	[smem:$0x3FB4] =	sst s0  }
0x18: {  	s0 =	sld [smem:$0x3F97];
	_ =	swait.ge [sflag:s4], $0x0  }
0x19: {  	s7 =	sld [smem:$0x3F98]  }
0x1a: {  	s8 =	sadd.s32 $0xFFFFE003, lr  }
0x1b: {  	s9 =	sadd.s32 $0xFFFFFEF7, lr;
	s5 =	simm.s32 $0xFFFFFFFF;
	p2 =	slt.u32 s8, $0xFFFFF086  }
0x1c: {  	p1 =	slt.u32 s9, $0xF7A;
	s5 =	simm.s32 @!p2 $0x0  }
0x1d: {  	s5 =	simm.s32 @p1 $0x1;
	p0 =	seq.s32 s7, s2  }
0x1e: {  	s7 =	smul.u32 @!p0 $0xF7A, s2;
	p2 =	seq.s32 @!p0 s5, $0x0  }
0x1f: {  	s9 =	smul.u32 $0xF7A, s1;
	s8 =	simm.s32 @!p0 $0x1BF5;
	p2 =	por !p2, p0  }
0x20: {  	[sflag:s8] =	ssyncset.s32 @!p0 $0xFFFFF086;
	s6 =	sadd.s32 @!p0 s3, s7;
	s7 =	simm.s32 @!p0 $0x108  }
0x21: {  	s3 =	sadd.s32 s3, s9;
	s6 =	sadd.s32 @!p0 $0x88, s6;
	s7 =	simm.s32 @p2 $0x1082  }
0x22: {  	[simem:s7], [sflag:s8] =	dma.local @!p0 [hbm:s6], $0xF7A  }
0x23: {  	s9 =	sor.u32 $0xD0000000, s2;
	s6 =	simm.s32 $0x108;
	_ =	swait.ge @!p0 [sflag:s8], $0x0  }
0x24: {  	s3 =	sadd.s32 $0x88, s3;
	s6 =	simm.s32 @!p1 $0x1082;
	[sflag:s4] =	ssyncset.s32 $0xFFFFF086  }
0x25: {  	[simem:s6], [sflag:s4] =	dma.local [hbm:s3], $0xF7A  }
0x26: {  	[smem:$0x3F98] =	sst s1;
	(tag) =	ssettag s2;
	_ =	strace s9  }
0x27: {  	s1 =	sld [smem:$0x3FA8]  }
0x28: {  	s2 =	sld [smem:$0x3FA9]  }
0x29: {  	s4 =	sld [smem:$0x3FAB]  }
0x2a: {  	p0 =	seq.s32 s5, $0x0;
	s5 =	sld [smem:$0x3FAC]  }
0x2b: {  	s6 =	sld [smem:$0x3FAD]  }
0x2c: {  	s7 =	sld [smem:$0x3FAE]  }
0x2d: {  	s3 =	simm.s32 $0x108;
	s8 =	sld [smem:$0x3FAF]  }
0x2e: {  	s3 =	simm.s32 @!p0 $0x1082;
	s9 =	sld [smem:$0x3FB0]  }
0x2f: {  	lr =	sadd.s32 s0, s3;
	s0 =	sld [smem:$0x3FA7]  }
0x30: {  	s3 =	sld [smem:$0x3FAA]  }
0x31: {  	[smem:$0x3FB3] =	sst s10  }
0x32: {  	s10 =	sld [smem:$0x3FB1];
	_ =	sdelay $0x3  }
0x33: {  	p0 =	seq.s32 s10, $0x1;
	s10 =	sld [smem:$0x3FB3];
	_ =	sdelay $0x3  }
0x34: {  	[smem:$0x3FB3] =	sst s10  }
0x35: {  	s10 =	sld [smem:$0x3FB2];
	_ =	sdelay $0x3  }
0x36: {  	p1 =	seq.s32 s10, $0x1;
	s10 =	sld [smem:$0x3FB3];
	_ =	sdelay $0x3  }
0x37: {  	[smem:$0x3FB3] =	sst s10  }
0x38: {  	s10 =	sld [smem:$0x3FB4]  }
0x39: {  	_ = 	snop;
	(pc) =	sbr.ind lr, $3  }
0x3a: {  	_ = 	snop  }
0x3b: {  	_ = 	snop  }
0x3c: {  	p2 =	seq.s32 s10, $0x1;
	s10 =	sld [smem:$0x3FB3]  }
0x3d: {  	_ =	shalt  }
0x3e: {  	_ =	shalt  }
0x3f: {  	_ =	shalt  }
0x40: {  	_ =	shalt  }
0x41: {  	_ =	shalt  }
0x42: {  	_ =	shalt  }
0x43: {  	_ =	shalt  }
0x44: {  	_ =	shalt  }
0x45: {  	_ =	shalt  }
0x46: {  	_ =	shalt  }
0x47: {  	_ =	shalt  }
0x48: {  	_ =	shalt  }
0x49: {  	_ =	shalt  }
0x4a: {  	_ =	shalt  }
0x4b: {  	_ =	shalt  }
0x4c: {  	_ =	shalt  }
0x4d: {  	_ =	shalt  }
0x4e: {  	_ =	shalt  }
0x4f: {  	_ =	shalt  }
0x50: {  	_ =	shalt  }
0x51: {  	_ =	shalt  }
0x52: {  	_ =	shalt  }
0x53: {  	_ =	shalt  }
0x54: {  	_ =	shalt  }
0x55: {  	_ =	shalt  }
0x56: {  	_ =	shalt  }
0x57: {  	_ =	shalt  }
0x58: {  	_ =	shalt  }
0x59: {  	_ =	shalt  }
0x5a: {  	_ =	shalt  }
0x5b: {  	_ =	shalt  }
0x5c: {  	_ =	shalt  }
0x5d: {  	_ =	shalt  }
0x5e: {  	_ =	shalt  }
0x5f: {  	_ =	shalt  }
0x60: {  	_ =	shalt  }
0x61: {  	_ =	shalt  }
0x62: {  	_ =	shalt  }
0x63: {  	_ =	shalt  }
0x64: {  	_ =	shalt  }
0x65: {  	_ =	shalt  }
0x66: {  	_ =	shalt  }
0x67: {  	_ =	shalt  }
0x68: {  	_ =	shalt  }
0x69: {  	_ =	shalt  }
0x6a: {  	_ =	shalt  }
0x6b: {  	_ =	shalt  }
0x6c: {  	_ =	shalt  }
0x6d: {  	_ =	shalt  }
0x6e: {  	_ =	shalt  }
0x6f: {  	_ =	shalt  }
0x70: {  	_ =	shalt  }
0x71: {  	_ =	shalt  }
0x72: {  	_ =	shalt  }
0x73: {  	_ =	shalt  }
0x74: {  	_ =	shalt  }
0x75: {  	_ =	shalt  }
0x76: {  	_ =	shalt  }
0x77: {  	_ =	shalt  }
0x78: {  	_ =	shalt  }
0x79: {  	_ =	shalt  }
0x7a: {  	_ =	shalt  }
0x7b: {  	_ =	shalt  }
0x7c: {  	_ =	shalt  }
0x7d: {  	_ =	shalt  }
0x7e: {  	_ =	shalt  }
0x7f: {  	_ =	shalt  }
0x80: {  	_ =	shalt  }
0x81: {  	_ =	shalt  }
0x82: {  	_ =	shalt  }
0x83: {  	_ =	shalt  }
0x84: {  	_ =	shalt  }
0x85: {  	_ =	shalt  }
0x86: {  	_ =	shalt  }
0x87: {  	_ =	shalt  }
.Lfunc_end0:
.L_simem_size_0:
called_computation.1_lowered:
.L_overlay_start_0:
0x88: {  	s2 =	sld [smem:$0x3FD9]  }
0x89: {  	s3 =	sld [smem:$0x3FFE];
	_ =	sdelay $0x1  }
0x8a: {  	s1 =	srdreg.scid  }
0x8b: {  	s0 =	sand.u32 $0x1, s1  }
0x8c: {  	s17 =	sshll.u32 s0, $0xA;
	s2 =	sadd.s32 s3, s2  }
0x8d: {  	s2 =	sadd.s32 s2, s17  }
0x8e: {  	[smem:$0x3FBF] =	sst s2  }
0x8f: {  	_ = 	snop  }
0x90: {  	(tm) =	ssettm $0x1  }
0x91: {  	s18 =	sld [smem:$0x3FFB];
	_ =	sdelay $0x3  }
0x92: {  	_ =	strace s18  }
0x93: {  	s2 =	sld [smem:$0x3FFC];
	_ =	sdelay $0x3  }
0x94: {  	_ =	strace s2  }
0x95: {  	s2 =	sld [smem:$0x3FFD];
	_ =	sdelay $0x3  }
0x96: {  	_ =	strace s2  }
0x97: {  	_ =	strace $0x8FFFFFFF  }
0x98: {  	s19 =	sld [smem:$0x3FDB];
	_ =	sdelay $0x1  }
0x99: {  	s20 =	simm.s32 $_scs_section_size  }
0x9a: {  	s4 =	simm.s32 $_size__tile_overlayer_lowered;
	s5 =	simm.s32 $_tile_overlayer_lowered  }
0x9b: {  	s6 =	simm.s32 $0x1BFF;
	s21 =	sshll.u32 s5, $0x1;
	s3 =	sadd.s32 s20, s19  }
0x9c: {  	s22 =	simm.s32 $0x0;
	s4 =	sshll.u32 s4, $0x1;
	s5 =	sadd.s32 s21, s3  }
0x9d: {  	[timem:s22], [sflag:s6] =	dma.local [hbm:s5], s4  }
0x9e: {  	_ =	swait.ge [sflag:s6], s4  }
0x9f: {  	s4 =	ssub.s32 $0x0, s4;
	[sflag:s6] =	ssyncset.done $0x0  }
0xa0: {  	[sflag:s6] =	ssyncadd.s32 s4;
	_ =	sdelay $0x1  }
0xa1: {  	s23 =	simm.s32 $0x1B8B  }
0xa2: {  	_ =	swait.ge [sflag:s23], $0x1  }
0xa3: {  	[sflag:s23] =	ssyncset.done $0x0  }
0xa4: {  	[sflag:s23] =	ssyncadd.s32 $0xFFFFFFFF  }
0xa5: {  	s4 =	sld [smem:$0x0]  }
0xa6: {  	s5 =	sand.u32 $0xFFFFFFFE, s1  }
0xa7: {  	p0 =	sne.s32 s1, s5  }
0xa8: {  	s5 =	sshll.u32 @p0 s5, $0xE  }
0xa9: {  	s5 =	sadd.s32 @p0 $0x11B8D, s5;
	s6 =	sshll.u32 @p0 s4, $0x11  }
0xaa: {  	s5 =	sor.u32 @p0 s6, s5  }
0xab: {  	[sflag:s5] =	ssyncadd.remote.s32 @p0 $0x1;
	_ =	sdelay $0x1  }
0xac: {  	s5 =	simm.s32 @p0 $0x1B8D  }
0xad: {  	_ =	swait.eq @p0 [sflag:s5], $0x1  }
0xae: {  	[sflag:s5] =	ssyncadd.s32 @p0 $0xFFFFFFFF  }
0xaf: {  	s6 =	sshll.u32 @!p0 s1, $0xE  }
0xb0: {  	s6 =	sor.u32 @!p0 $0x4000, s6;
	s5 =	simm.s32 @!p0 $0x1B8D  }
0xb1: {  	s4 =	sshll.u32 @!p0 s4, $0x11;
	s6 =	sadd.s32 @!p0 $0x11B8D, s6;
	_ =	swait.eq @!p0 [sflag:s5], $0x1  }
0xb2: {  	s4 =	sor.u32 @!p0 s4, s6;
	[sflag:s5] =	ssyncadd.s32 @!p0 $0xFFFFFFFF  }
0xb3: {  	s25 =	simm.s32 $0x1B8E;
	s24 =	sld [smem:$0x3FFE];
	[sflag:s4] =	ssyncadd.remote.s32 @!p0 $0x1  }
0xb4: {  	s26 =	simm.s32 $execute0_lowered;
	[smem:$0x3FD2] =	sst s25  }
0xb5: {  	s5 =	sshll.u32 s26, $0x1;
	_ =	strace $0x80000049;
	[dreg:$0x1] =	wrdreg $0xFFFFFFFF  }
0xb6: {  	s28 =	simm.s32 $_size_execute0_lowered;
	s3 =	sadd.s32 s3, s5;
	[dreg:$0x0] =	wrdreg $0x0  }
0xb7: {  	s5 =	sshll.u32 s28, $0x1;
	[dreg:$0x2] =	wrdreg s3  }
0xb8: {  	[dreg:$0x3] =	wrdreg s5  }
0xb9: {  	[dreg:$0x4] =	wrdreg $0xC0  }
0xba: {  	_ =	task [dreg:s22], $0x5FFFF  }
0xbb: {  	[dreg:$0x1] =	wrdreg $0xFFFFFFFF  }
0xbc: {  	[dreg:$0x0] =	wrdreg $0x60  }
0xbd: {  	[dreg:$0x2] =	wrdreg s24  }
0xbe: {  	[dreg:$0x3] =	wrdreg $0xA  }
0xbf: {  	_ =	task.clear_ibuf [dreg:s22], $0x4FFFF;
	_ =	strace $0x90000049  }
0xc0: {  	s29 =	simm.s32 $0xA;
	_ =	strace $0x8000004B  }
0xc1: {  	_ =	swait.ge [sflag:s29], $0x1  }
0xc2: {  	[sflag:s29] =	ssyncadd.s32 $0xFFFFFFFF  }
0xc3: {  	_ =	strace $0x9000004B  }
0xc4: {  	_ =	sfence  }
0xc5: {  	s30 =	sld [smem:$0x0];
	_ =	sdelay $0x2  }
0xc6: {  	s31 =	sshll.u32 s1, $0xD;
	s1 =	sshrl.u32 s1, $0x2  }
0xc7: {  	s4 =	sand.u32 $0x4000, s31;
	s1 =	sadd.s32 s1, s30  }
0xc8: {  	s0 =	sor.u32 s4, s0;
	s1 =	sshll.u32 s1, $0x11  }
0xc9: {  	s0 =	sor.u32 s1, s0  }
0xca: {  	s0 =	sadd.s32 $0x8F2B, s0  }
0xcb: {  	[sflag:s0] =	ssyncadd.remote.s32 $0x1  }
0xcc: {  	_ =	sfence.sel $0xFFFF  }
0xcd: {  	[dreg:$0x0] =	wrdreg $0xFFFFFFFF;
	(pc) =	sbr.abs _section_cstart, $3  }
0xce: {  	[dreg:$0x1] =	wrdreg $0xFFFFFFFF  }
0xcf: {  	_ =	task.clear_ibuf [dreg:s22], $0x2FFFF;
	_ =	strace $0x9FFFFFFF  }
0xd0: {  	(tm) =	ssettm $0x7FFFFFFF  }
0xd1: {  	_ =	shalt  }
tec
execute0_lowered:
.L_overlay_start_1:
0x0: {  	(tag) =	ssettag $0x1  }
0x1: {  	s0 =	srdreg.scid  }
0x2: {  	s1 =	stileid.u32;
	s4 =	rddreg [dreg:$0x0]  }
0x3: {  	s2 =	simm.s32 $0x0;
	s7 =	simm.s32 $0x400;
	s8 =	simm.s32 $0x80  }
0x4: {  	s9 =	simm.s32 $0x800;
	s10 =	simm.s32 $0x4800;
	s11 =	simm.s32 $0x1  }
0x5: {  	s12 =	simm.s32 $0x480;
	s13 =	simm.s32 $0x100;
	s14 =	simm.s32 $0x8800  }
0x6: {  	s15 =	simm.s32 $0x180;
	s16 =	simm.s32 $0xC800;
	s17 =	simm.s32 $0x2  }
0x7: {  	s18 =	simm.s32 $0x500;
	s19 =	simm.s32 $0x580;
	s20 =	simm.s32 $0x3  }
0x8: {  	s21 =	simm.s32 $0x200;
	s22 =	simm.s32 $0x280;
	s23 =	simm.s32 $0x600  }
0x9: {  	s24 =	simm.s32 $0x680;
	s0 =	sand.u32 $0x1, s0;
	s1 =	smul.u32 $0x2800, s1  }
0xa: {  	s25 =	simm.s32 $0x4;
	s26 =	simm.s32 $0x300;
	s3 =	smul.u32 $0x1400, s0  }
0xb: {  	s28 =	simm.s32 $0x380;
	s29 =	simm.s32 $0x700;
	s0 =	ssub.s32 $0x2, s0  }
0xc: {  	s30 =	simm.s32 $0x780;
	s5 =	sshrl.u32 s0, $0x1;
	s1 =	sadd.s32 s3, s1  }
0xd: {  	[smem:$0x7FF] =	sst s2;
	s0 =	ssub.s32 s0, s5;
	s1 =	sshrl.u32 s1, $0x3  }
0xe: {  	_ =	strace $0x8000004A;
	s0 =	smax.u32 s0, $0x1;
	s1 =	sadd.s32 s1, s4  }
0xf: {  	s3 =	sadd.s32 $0x1C7C600, s4;
	[dreg:$0x4] =	wrdreg s0;
	s6 =	sadd.s32 $0x2BC3A00, s1  }
0x10: {  	s4 =	sadd.s32 $0x2BC8A00, s4;
	s1 =	sadd.s32 $0x2BBEA00, s1;
	[dreg:$0x2] =	wrdreg s6  }
0x11: {  	[dreg:$0x3] =	wrdreg s1;
	s6 =	simm.s32 $0x5;
	s1 =	simm.s32 $0x0  }
.LBB2_1:
0x12: {  	s0 =	rddreg [dreg:$0x3]  }
0x13: {  	[dreg:$0x5] =	wrdreg s1;
	s0 =	sadd.s32 $0x0, s0  }
0x14: {  	[tilespmem:s2], [sflag:$0x5] =	stream.linear.gather [hbm4b:s0+s2], $0x400, $0x38;
	[tilespmem:$0x10800] =	vst v63  }
0x15: {  	_ =	swait.ge [sflag:s6], $0x400  }
0x16: {  	s31 =	rddreg [dreg:$0x2];
	[sflag:s6] =	ssyncset.done $0x0  }
0x17: {  	[sflag:s6] =	ssyncadd.s32 $0xFFFFFC00;
	s0 =	sadd.s32 $0x0, s31  }
0x18: {  	[tilespmem:s7], [sflag:$0x5] =	stream.linear.gather [hbm4b:s0+s2], $0x400, $0x38;
	[tilespmem:$0x10800] =	vst v63  }
0x19: {  	_ =	swait.ge [sflag:s6], $0x400  }
0x1a: {  	[sflag:s6] =	ssyncset.done $0x0  }
0x1b: {  	[sflag:s6] =	ssyncadd.s32 $0xFFFFFC00  }
0x1c: {  	[tilespmem:s9], [sflag:$0x1] =	stream.indirect.gather [hbm4b:s3+s8], $0x80, s2, s8, $0xb8;
	[tilespmem:$0x10800] =	vst v63  }
0x1d: {  	_ = 	snop  }
0x1e: {  	[tilespmem:s10], [sflag:$0x1] =	stream.indirect.gather [hbm4b:s3+s8], $0x80, s8, s8, $0xb8;
	[tilespmem:$0x10800] =	vst v63  }
0x1f: {  	_ =	swait.ge [sflag:s11], $0x4000  }
0x20: {  	[sflag:s11] =	ssyncset.done $0x0  }
0x21: {  	[sflag:s11] =	ssyncadd.s32 $0xFFFFC000  }
0x22: {  	_ =	swait.ge [sflag:s11], $0x4000  }
0x23: {  	[sflag:s11] =	ssyncset.done $0x0  }
0x24: {  	[sflag:s11] =	ssyncadd.s32 $0xFFFFC000  }
0x25: {  	[hbm4b:s4+s8] =	stream.indirect.scatter [tilespmem:s9], [sflag:$0x3], $0x80, s7, s8, $0xb8;
	[tilespmem:$0x10800] =	vst v63  }
0x26: {  	_ = 	snop  }
0x27: {  	[hbm4b:s4+s8] =	stream.indirect.scatter [tilespmem:s10], [sflag:$0x3], $0x80, s12, s8, $0xb8;
	[tilespmem:$0x10800] =	vst v63  }
0x28: {  	_ = 	snop  }
0x29: {  	[tilespmem:s14], [sflag:$0x2] =	stream.indirect.gather [hbm4b:s3+s8], $0x80, s13, s8, $0xb8;
	[tilespmem:$0x10800] =	vst v63  }
0x2a: {  	_ = 	snop  }
0x2b: {  	[tilespmem:s16], [sflag:$0x2] =	stream.indirect.gather [hbm4b:s3+s8], $0x80, s15, s8, $0xb8;
	[tilespmem:$0x10800] =	vst v63  }
0x2c: {  	_ =	swait.ge [sflag:s17], $0x4000  }
0x2d: {  	[sflag:s17] =	ssyncset.done $0x0  }
0x2e: {  	[sflag:s17] =	ssyncadd.s32 $0xFFFFC000  }
0x2f: {  	_ =	swait.ge [sflag:s17], $0x4000  }
0x30: {  	[sflag:s17] =	ssyncset.done $0x0  }
0x31: {  	[sflag:s17] =	ssyncadd.s32 $0xFFFFC000  }
0x32: {  	[hbm4b:s4+s8] =	stream.indirect.scatter [tilespmem:s14], [sflag:$0x4], $0x80, s18, s8, $0xb8;
	[tilespmem:$0x10800] =	vst v63  }
0x33: {  	_ = 	snop  }
0x34: {  	[hbm4b:s4+s8] =	stream.indirect.scatter [tilespmem:s16], [sflag:$0x4], $0x80, s19, s8, $0xb8;
	[tilespmem:$0x10800] =	vst v63  }
0x35: {  	_ =	swait.ge [sflag:s20], $0x4000  }
0x36: {  	[sflag:s20] =	ssyncset.done $0x0  }
0x37: {  	[sflag:s20] =	ssyncadd.s32 $0xFFFFC000  }
0x38: {  	_ =	swait.ge [sflag:s20], $0x4000  }
0x39: {  	[sflag:s20] =	ssyncset.done $0x0  }
0x3a: {  	[sflag:s20] =	ssyncadd.s32 $0xFFFFC000  }
0x3b: {  	[tilespmem:s9], [sflag:$0x1] =	stream.indirect.gather [hbm4b:s3+s8], $0x80, s21, s8, $0xb8;
	[tilespmem:$0x10800] =	vst v63  }
0x3c: {  	_ = 	snop  }
0x3d: {  	[tilespmem:s10], [sflag:$0x1] =	stream.indirect.gather [hbm4b:s3+s8], $0x80, s22, s8, $0xb8;
	[tilespmem:$0x10800] =	vst v63  }
0x3e: {  	_ =	swait.ge [sflag:s11], $0x4000  }
0x3f: {  	[sflag:s11] =	ssyncset.done $0x0  }
0x40: {  	[sflag:s11] =	ssyncadd.s32 $0xFFFFC000  }
0x41: {  	_ =	swait.ge [sflag:s11], $0x4000  }
0x42: {  	[sflag:s11] =	ssyncset.done $0x0  }
0x43: {  	[sflag:s11] =	ssyncadd.s32 $0xFFFFC000  }
0x44: {  	[hbm4b:s4+s8] =	stream.indirect.scatter [tilespmem:s9], [sflag:$0x3], $0x80, s23, s8, $0xb8;
	[tilespmem:$0x10800] =	vst v63  }
0x45: {  	_ = 	snop  }
0x46: {  	[hbm4b:s4+s8] =	stream.indirect.scatter [tilespmem:s10], [sflag:$0x3], $0x80, s24, s8, $0xb8;
	[tilespmem:$0x10800] =	vst v63  }
0x47: {  	_ =	swait.ge [sflag:s25], $0x4000  }
0x48: {  	[sflag:s25] =	ssyncset.done $0x0  }
0x49: {  	[sflag:s25] =	ssyncadd.s32 $0xFFFFC000  }
0x4a: {  	_ =	swait.ge [sflag:s25], $0x4000  }
0x4b: {  	[sflag:s25] =	ssyncset.done $0x0  }
0x4c: {  	[sflag:s25] =	ssyncadd.s32 $0xFFFFC000  }
0x4d: {  	[tilespmem:s14], [sflag:$0x2] =	stream.indirect.gather [hbm4b:s3+s8], $0x80, s26, s8, $0xb8;
	[tilespmem:$0x10800] =	vst v63  }
0x4e: {  	_ = 	snop  }
0x4f: {  	[tilespmem:s16], [sflag:$0x2] =	stream.indirect.gather [hbm4b:s3+s8], $0x80, s28, s8, $0xb8;
	[tilespmem:$0x10800] =	vst v63  }
0x50: {  	_ =	swait.ge [sflag:s17], $0x4000  }
0x51: {  	[sflag:s17] =	ssyncset.done $0x0  }
0x52: {  	[sflag:s17] =	ssyncadd.s32 $0xFFFFC000  }
0x53: {  	_ =	swait.ge [sflag:s17], $0x4000  }
0x54: {  	[sflag:s17] =	ssyncset.done $0x0  }
0x55: {  	[sflag:s17] =	ssyncadd.s32 $0xFFFFC000  }
0x56: {  	[hbm4b:s4+s8] =	stream.indirect.scatter [tilespmem:s14], [sflag:$0x4], $0x80, s29, s8, $0xb8;
	[tilespmem:$0x10800] =	vst v63  }
0x57: {  	_ = 	snop  }
0x58: {  	[hbm4b:s4+s8] =	stream.indirect.scatter [tilespmem:s16], [sflag:$0x4], $0x80, s30, s8, $0xb8;
	[tilespmem:$0x10800] =	vst v63  }
0x59: {  	_ =	swait.ge [sflag:s20], $0x4000  }
0x5a: {  	[sflag:s20] =	ssyncset.done $0x0  }
0x5b: {  	[sflag:s20] =	ssyncadd.s32 $0xFFFFC000  }
0x5c: {  	_ =	swait.ge [sflag:s20], $0x4000  }
0x5d: {  	[sflag:s20] =	ssyncset.done $0x0  }
0x5e: {  	[sflag:s20] =	ssyncadd.s32 $0xFFFFC000  }
0x5f: {  	_ =	swait.ge [sflag:s25], $0x4000  }
0x60: {  	[sflag:s25] =	ssyncset.done $0x0  }
0x61: {  	[sflag:s25] =	ssyncadd.s32 $0xFFFFC000  }
0x62: {  	s1 =	simm.s32 $0x80;
	_ =	swait.ge [sflag:s25], $0x4000  }
0x63: {  	s0 =	simm.s32 $0x100;
	s5 =	rddreg [dreg:$0x3];
	[sflag:s25] =	ssyncset.done $0x0  }
.LBB2_2:
0x64: {  	[sflag:s25] =	ssyncadd.s32 $0xFFFFC000;
	s5 =	sadd.s32 s1, s5  }
0x65: {  	[tilespmem:s2], [sflag:$0x5] =	stream.linear.gather [hbm4b:s5+s2], $0x400, $0x38;
	[tilespmem:$0x10800] =	vst v63  }
0x66: {  	_ =	swait.ge [sflag:s6], $0x400  }
0x67: {  	s5 =	rddreg [dreg:$0x2];
	[sflag:s6] =	ssyncset.done $0x0  }
0x68: {  	[sflag:s6] =	ssyncadd.s32 $0xFFFFFC00;
	s5 =	sadd.s32 s1, s5  }
0x69: {  	[tilespmem:s7], [sflag:$0x5] =	stream.linear.gather [hbm4b:s5+s2], $0x400, $0x38;
	[tilespmem:$0x10800] =	vst v63  }
0x6a: {  	_ =	swait.ge [sflag:s6], $0x400  }
0x6b: {  	[sflag:s6] =	ssyncset.done $0x0  }
0x6c: {  	[sflag:s6] =	ssyncadd.s32 $0xFFFFFC00  }
0x6d: {  	[tilespmem:s9], [sflag:$0x1] =	stream.indirect.gather [hbm4b:s3+s8], $0x80, s2, s8, $0xb8;
	[tilespmem:$0x10800] =	vst v63  }
0x6e: {  	_ = 	snop  }
0x6f: {  	[tilespmem:s10], [sflag:$0x1] =	stream.indirect.gather [hbm4b:s3+s8], $0x80, s8, s8, $0xb8;
	[tilespmem:$0x10800] =	vst v63  }
0x70: {  	_ =	swait.ge [sflag:s11], $0x4000  }
0x71: {  	[sflag:s11] =	ssyncset.done $0x0  }
0x72: {  	[sflag:s11] =	ssyncadd.s32 $0xFFFFC000  }
0x73: {  	_ =	swait.ge [sflag:s11], $0x4000  }
0x74: {  	[sflag:s11] =	ssyncset.done $0x0  }
0x75: {  	[sflag:s11] =	ssyncadd.s32 $0xFFFFC000  }
0x76: {  	[hbm4b:s4+s8] =	stream.indirect.scatter [tilespmem:s9], [sflag:$0x3], $0x80, s7, s8, $0xb8;
	[tilespmem:$0x10800] =	vst v63  }
0x77: {  	_ = 	snop  }
0x78: {  	[hbm4b:s4+s8] =	stream.indirect.scatter [tilespmem:s10], [sflag:$0x3], $0x80, s12, s8, $0xb8;
	[tilespmem:$0x10800] =	vst v63  }
0x79: {  	_ = 	snop  }
0x7a: {  	[tilespmem:s14], [sflag:$0x2] =	stream.indirect.gather [hbm4b:s3+s8], $0x80, s13, s8, $0xb8;
	[tilespmem:$0x10800] =	vst v63  }
0x7b: {  	_ = 	snop  }
0x7c: {  	[tilespmem:s16], [sflag:$0x2] =	stream.indirect.gather [hbm4b:s3+s8], $0x80, s15, s8, $0xb8;
	[tilespmem:$0x10800] =	vst v63  }
0x7d: {  	_ =	swait.ge [sflag:s17], $0x4000  }
0x7e: {  	[sflag:s17] =	ssyncset.done $0x0  }
0x7f: {  	[sflag:s17] =	ssyncadd.s32 $0xFFFFC000  }
0x80: {  	_ =	swait.ge [sflag:s17], $0x4000  }
0x81: {  	[sflag:s17] =	ssyncset.done $0x0  }
0x82: {  	[sflag:s17] =	ssyncadd.s32 $0xFFFFC000  }
0x83: {  	[hbm4b:s4+s8] =	stream.indirect.scatter [tilespmem:s14], [sflag:$0x4], $0x80, s18, s8, $0xb8;
	[tilespmem:$0x10800] =	vst v63  }
0x84: {  	_ = 	snop  }
0x85: {  	[hbm4b:s4+s8] =	stream.indirect.scatter [tilespmem:s16], [sflag:$0x4], $0x80, s19, s8, $0xb8;
	[tilespmem:$0x10800] =	vst v63  }
0x86: {  	_ =	swait.ge [sflag:s20], $0x4000  }
0x87: {  	[sflag:s20] =	ssyncset.done $0x0  }
0x88: {  	[sflag:s20] =	ssyncadd.s32 $0xFFFFC000  }
0x89: {  	_ =	swait.ge [sflag:s20], $0x4000  }
0x8a: {  	[sflag:s20] =	ssyncset.done $0x0  }
0x8b: {  	[sflag:s20] =	ssyncadd.s32 $0xFFFFC000  }
0x8c: {  	[tilespmem:s9], [sflag:$0x1] =	stream.indirect.gather [hbm4b:s3+s8], $0x80, s21, s8, $0xb8;
	[tilespmem:$0x10800] =	vst v63  }
0x8d: {  	_ = 	snop  }
0x8e: {  	[tilespmem:s10], [sflag:$0x1] =	stream.indirect.gather [hbm4b:s3+s8], $0x80, s22, s8, $0xb8;
	[tilespmem:$0x10800] =	vst v63  }
0x8f: {  	_ =	swait.ge [sflag:s11], $0x4000  }
0x90: {  	[sflag:s11] =	ssyncset.done $0x0  }
0x91: {  	[sflag:s11] =	ssyncadd.s32 $0xFFFFC000  }
0x92: {  	_ =	swait.ge [sflag:s11], $0x4000  }
0x93: {  	[sflag:s11] =	ssyncset.done $0x0  }
0x94: {  	[sflag:s11] =	ssyncadd.s32 $0xFFFFC000  }
0x95: {  	[hbm4b:s4+s8] =	stream.indirect.scatter [tilespmem:s9], [sflag:$0x3], $0x80, s23, s8, $0xb8;
	[tilespmem:$0x10800] =	vst v63  }
0x96: {  	_ = 	snop  }
0x97: {  	[hbm4b:s4+s8] =	stream.indirect.scatter [tilespmem:s10], [sflag:$0x3], $0x80, s24, s8, $0xb8;
	[tilespmem:$0x10800] =	vst v63  }
0x98: {  	_ =	swait.ge [sflag:s25], $0x4000  }
0x99: {  	[sflag:s25] =	ssyncset.done $0x0  }
0x9a: {  	[sflag:s25] =	ssyncadd.s32 $0xFFFFC000  }
0x9b: {  	_ =	swait.ge [sflag:s25], $0x4000  }
0x9c: {  	[sflag:s25] =	ssyncset.done $0x0  }
0x9d: {  	[sflag:s25] =	ssyncadd.s32 $0xFFFFC000  }
0x9e: {  	[tilespmem:s14], [sflag:$0x2] =	stream.indirect.gather [hbm4b:s3+s8], $0x80, s26, s8, $0xb8;
	[tilespmem:$0x10800] =	vst v63  }
0x9f: {  	_ = 	snop  }
0xa0: {  	[tilespmem:s16], [sflag:$0x2] =	stream.indirect.gather [hbm4b:s3+s8], $0x80, s28, s8, $0xb8;
	[tilespmem:$0x10800] =	vst v63  }
0xa1: {  	_ =	swait.ge [sflag:s17], $0x4000  }
0xa2: {  	[sflag:s17] =	ssyncset.done $0x0  }
0xa3: {  	[sflag:s17] =	ssyncadd.s32 $0xFFFFC000  }
0xa4: {  	_ =	swait.ge [sflag:s17], $0x4000  }
0xa5: {  	[sflag:s17] =	ssyncset.done $0x0  }
0xa6: {  	[sflag:s17] =	ssyncadd.s32 $0xFFFFC000  }
0xa7: {  	[hbm4b:s4+s8] =	stream.indirect.scatter [tilespmem:s14], [sflag:$0x4], $0x80, s29, s8, $0xb8;
	[tilespmem:$0x10800] =	vst v63  }
0xa8: {  	_ = 	snop  }
0xa9: {  	[hbm4b:s4+s8] =	stream.indirect.scatter [tilespmem:s16], [sflag:$0x4], $0x80, s30, s8, $0xb8;
	[tilespmem:$0x10800] =	vst v63  }
0xaa: {  	_ =	swait.ge [sflag:s20], $0x4000  }
0xab: {  	[sflag:s20] =	ssyncset.done $0x0  }
0xac: {  	[sflag:s20] =	ssyncadd.s32 $0xFFFFC000  }
0xad: {  	_ =	swait.ge [sflag:s20], $0x4000  }
0xae: {  	[sflag:s20] =	ssyncset.done $0x0  }
0xaf: {  	p0 =	sne.s32 s0, $0x200;
	[sflag:s20] =	ssyncadd.s32 $0xFFFFC000  }
.Ltmp0:
0xb0: {  	_ =	swait.ge [sflag:s25], $0x4000;
	(pc) =	sbr.rel @p0 .LBB2_2-.Ltmp0, $4  }
0xb1: {  	[sflag:s25] =	ssyncset.done $0x0  }
0xb2: {  	[sflag:s25] =	ssyncadd.s32 $0xFFFFC000  }
0xb3: {  	s31 =	smov.u32 s0;
	s0 =	sadd.s32 $0x80, s0;
	_ =	swait.ge [sflag:s25], $0x4000  }
0xb4: {  	s1 =	smov.u32 s31;
	s5 =	rddreg [dreg:$0x3];
	[sflag:s25] =	ssyncset.done $0x0  }
0xb5: {  	[sflag:s25] =	ssyncadd.s32 $0xFFFFC000;
	s0 =	sadd.s32 s1, s5  }
0xb6: {  	[tilespmem:s2], [sflag:$0x5] =	stream.linear.gather [hbm4b:s0+s2], $0x400, $0x38;
	[tilespmem:$0x10800] =	vst v63  }
0xb7: {  	_ =	swait.ge [sflag:s6], $0x400  }
0xb8: {  	s31 =	rddreg [dreg:$0x2];
	[sflag:s6] =	ssyncset.done $0x0  }
0xb9: {  	s0 =	sadd.s32 s1, s31;
	[sflag:s6] =	ssyncadd.s32 $0xFFFFFC00  }
0xba: {  	[tilespmem:s7], [sflag:$0x5] =	stream.linear.gather [hbm4b:s0+s2], $0x400, $0x38;
	[tilespmem:$0x10800] =	vst v63  }
0xbb: {  	_ =	swait.ge [sflag:s6], $0x400  }
0xbc: {  	[sflag:s6] =	ssyncset.done $0x0  }
0xbd: {  	[sflag:s6] =	ssyncadd.s32 $0xFFFFFC00  }
0xbe: {  	[tilespmem:s9], [sflag:$0x1] =	stream.indirect.gather [hbm4b:s3+s8], $0x80, s2, s8, $0xb8;
	[tilespmem:$0x10800] =	vst v63  }
0xbf: {  	_ = 	snop  }
0xc0: {  	[tilespmem:s10], [sflag:$0x1] =	stream.indirect.gather [hbm4b:s3+s8], $0x80, s8, s8, $0xb8;
	[tilespmem:$0x10800] =	vst v63  }
0xc1: {  	_ =	swait.ge [sflag:s11], $0x4000  }
0xc2: {  	[sflag:s11] =	ssyncset.done $0x0  }
0xc3: {  	[sflag:s11] =	ssyncadd.s32 $0xFFFFC000  }
0xc4: {  	_ =	swait.ge [sflag:s11], $0x4000  }
0xc5: {  	[sflag:s11] =	ssyncset.done $0x0  }
0xc6: {  	[sflag:s11] =	ssyncadd.s32 $0xFFFFC000  }
0xc7: {  	[hbm4b:s4+s8] =	stream.indirect.scatter [tilespmem:s9], [sflag:$0x3], $0x80, s7, s8, $0xb8;
	[tilespmem:$0x10800] =	vst v63  }
0xc8: {  	_ = 	snop  }
0xc9: {  	[hbm4b:s4+s8] =	stream.indirect.scatter [tilespmem:s10], [sflag:$0x3], $0x80, s12, s8, $0xb8;
	[tilespmem:$0x10800] =	vst v63  }
0xca: {  	_ = 	snop  }
0xcb: {  	[tilespmem:s14], [sflag:$0x2] =	stream.indirect.gather [hbm4b:s3+s8], $0x80, s13, s8, $0xb8;
	[tilespmem:$0x10800] =	vst v63  }
0xcc: {  	_ = 	snop  }
0xcd: {  	[tilespmem:s16], [sflag:$0x2] =	stream.indirect.gather [hbm4b:s3+s8], $0x80, s15, s8, $0xb8;
	[tilespmem:$0x10800] =	vst v63  }
0xce: {  	_ =	swait.ge [sflag:s17], $0x4000  }
0xcf: {  	[sflag:s17] =	ssyncset.done $0x0  }
0xd0: {  	[sflag:s17] =	ssyncadd.s32 $0xFFFFC000  }
0xd1: {  	_ =	swait.ge [sflag:s17], $0x4000  }
0xd2: {  	[sflag:s17] =	ssyncset.done $0x0  }
0xd3: {  	[sflag:s17] =	ssyncadd.s32 $0xFFFFC000  }
0xd4: {  	[hbm4b:s4+s8] =	stream.indirect.scatter [tilespmem:s14], [sflag:$0x4], $0x80, s18, s8, $0xb8;
	[tilespmem:$0x10800] =	vst v63  }
0xd5: {  	_ = 	snop  }
0xd6: {  	[hbm4b:s4+s8] =	stream.indirect.scatter [tilespmem:s16], [sflag:$0x4], $0x80, s19, s8, $0xb8;
	[tilespmem:$0x10800] =	vst v63  }
0xd7: {  	_ =	swait.ge [sflag:s20], $0x4000  }
0xd8: {  	[sflag:s20] =	ssyncset.done $0x0  }
0xd9: {  	[sflag:s20] =	ssyncadd.s32 $0xFFFFC000  }
0xda: {  	_ =	swait.ge [sflag:s20], $0x4000  }
0xdb: {  	[sflag:s20] =	ssyncset.done $0x0  }
0xdc: {  	[sflag:s20] =	ssyncadd.s32 $0xFFFFC000  }
0xdd: {  	[tilespmem:s9], [sflag:$0x1] =	stream.indirect.gather [hbm4b:s3+s8], $0x80, s21, s8, $0xb8;
	[tilespmem:$0x10800] =	vst v63  }
0xde: {  	_ = 	snop  }
0xdf: {  	[tilespmem:s10], [sflag:$0x1] =	stream.indirect.gather [hbm4b:s3+s8], $0x80, s22, s8, $0xb8;
	[tilespmem:$0x10800] =	vst v63  }
0xe0: {  	_ =	swait.ge [sflag:s11], $0x4000  }
0xe1: {  	[sflag:s11] =	ssyncset.done $0x0  }
0xe2: {  	[sflag:s11] =	ssyncadd.s32 $0xFFFFC000  }
0xe3: {  	_ =	swait.ge [sflag:s11], $0x4000  }
0xe4: {  	[sflag:s11] =	ssyncset.done $0x0  }
0xe5: {  	[sflag:s11] =	ssyncadd.s32 $0xFFFFC000  }
0xe6: {  	[hbm4b:s4+s8] =	stream.indirect.scatter [tilespmem:s9], [sflag:$0x3], $0x80, s23, s8, $0xb8;
	[tilespmem:$0x10800] =	vst v63  }
0xe7: {  	_ = 	snop  }
0xe8: {  	[hbm4b:s4+s8] =	stream.indirect.scatter [tilespmem:s10], [sflag:$0x3], $0x80, s24, s8, $0xb8;
	[tilespmem:$0x10800] =	vst v63  }
0xe9: {  	_ =	swait.ge [sflag:s25], $0x4000  }
0xea: {  	[sflag:s25] =	ssyncset.done $0x0  }
0xeb: {  	[sflag:s25] =	ssyncadd.s32 $0xFFFFC000  }
0xec: {  	_ =	swait.ge [sflag:s25], $0x4000  }
0xed: {  	[sflag:s25] =	ssyncset.done $0x0  }
0xee: {  	[sflag:s25] =	ssyncadd.s32 $0xFFFFC000  }
0xef: {  	[tilespmem:s14], [sflag:$0x2] =	stream.indirect.gather [hbm4b:s3+s8], $0x80, s26, s8, $0xb8;
	[tilespmem:$0x10800] =	vst v63  }
0xf0: {  	_ = 	snop  }
0xf1: {  	[tilespmem:s16], [sflag:$0x2] =	stream.indirect.gather [hbm4b:s3+s8], $0x80, s28, s8, $0xb8;
	[tilespmem:$0x10800] =	vst v63  }
0xf2: {  	_ =	swait.ge [sflag:s17], $0x4000  }
0xf3: {  	[sflag:s17] =	ssyncset.done $0x0  }
0xf4: {  	[sflag:s17] =	ssyncadd.s32 $0xFFFFC000  }
0xf5: {  	_ =	swait.ge [sflag:s17], $0x4000  }
0xf6: {  	[sflag:s17] =	ssyncset.done $0x0  }
0xf7: {  	[sflag:s17] =	ssyncadd.s32 $0xFFFFC000  }
0xf8: {  	[hbm4b:s4+s8] =	stream.indirect.scatter [tilespmem:s14], [sflag:$0x4], $0x80, s29, s8, $0xb8;
	[tilespmem:$0x10800] =	vst v63  }
0xf9: {  	_ = 	snop  }
0xfa: {  	[hbm4b:s4+s8] =	stream.indirect.scatter [tilespmem:s16], [sflag:$0x4], $0x80, s30, s8, $0xb8;
	[tilespmem:$0x10800] =	vst v63  }
0xfb: {  	_ =	swait.ge [sflag:s20], $0x4000  }
0xfc: {  	[sflag:s20] =	ssyncset.done $0x0  }
0xfd: {  	[sflag:s20] =	ssyncadd.s32 $0xFFFFC000  }
0xfe: {  	_ =	swait.ge [sflag:s20], $0x4000  }
0xff: {  	[sflag:s20] =	ssyncset.done $0x0  }
0x100: {  	[sflag:s20] =	ssyncadd.s32 $0xFFFFC000  }
0x101: {  	_ =	swait.ge [sflag:s25], $0x4000  }
0x102: {  	[sflag:s25] =	ssyncset.done $0x0  }
0x103: {  	[sflag:s25] =	ssyncadd.s32 $0xFFFFC000  }
0x104: {  	_ =	swait.ge [sflag:s25], $0x4000  }
0x105: {  	s5 =	rddreg [dreg:$0x5]  }
0x106: {  	s31 =	rddreg [dreg:$0x4];
	s1 =	sadd.s32 $0x1, s5  }
0x107: {  	p0 =	sne.s32 s1, s31  }
.Ltmp1:
0x108: {  	_ = 	snop;
	(pc) =	sbr.rel @p0 .LBB2_1-.Ltmp1, $3  }
0x109: {  	_ =	sdelay $0x1  }
0x10a: {  	[sflag:s25] =	ssyncset.done $0x0  }
0x10b: {  	[sflag:s25] =	ssyncadd.s32 $0xFFFFC000  }
0x10c: {  	_ =	sfence.sel $0x180000  }
0x10d: {  	[bflag:$0x0] =	sbarrier.arrive $0xFFFF  }
0x10e: {  	_ =	strace $0x9000004A  }
0x10f: {  	s0 =	stileid.u32;
	[bflag:$0x2] =	sbarrier.arrive $0xFFFF  }
0x110: {  	p0 =	sne.s32 s0, $0x0;
	s0 =	rddreg [dreg:$0x1]  }
0x111: {  	s0 =	sadd.s32 @!p0 $0x100000, s0  }
0x112: {  	[sflag:s0] =	ssyncadd.tile.s32 @!p0 $0x1;
	_ =	shalt  }
.Lfunc_end2:
_tile_overlayer_lowered:
.L_overlay_start_2:
0x113: {  	(tag) =	ssettag $0x2  }
0x114: {  	s0 =	rddreg [dreg:$0x0];
	s2 =	stileid.u32  }
0x115: {  	s1 =	rddreg [dreg:$0x1];
	p0 =	sne.s32 s2, $0x0  }
0x116: {  	s3 =	rddreg [dreg:$0x2];
	[bflag:$0x3] =	sbarrier.arrive $0xFFFF;
	s2 =	simm.s32 @!p0 $0x1C05  }
0x117: {  	[timem:s3], [sflag:s2] =	dma.local @!p0 [hbm:s0], s1  }
0x118: {  	s0 =	simm.s32 @!p0 $0x5  }
0x119: {  	_ =	swait.ge @!p0 [sflag:s0], s1  }
0x11a: {  	s1 =	ssub.s32 @!p0 $0x0, s1;
	[sflag:s0] =	ssyncset.done @!p0 $0x0  }
0x11b: {  	[sflag:s0] =	ssyncadd.s32 @!p0 s1  }
0x11c: {  	[bflag:$0x3] =	sbarrier.arrive $0xFFFF  }
0x11d: {  	_ =	shalt  }

// kernel: kernel.7.cloned.1.call-start
scs
__scs_entry_jumppad:
0x0: {  	(pc) =	sbr.rel $0x88, $3  }
0x1: {  	(tag) =	ssettag $0x0;
	lr =	simm.s32 $0x1  }
0x2: {  	[smem:$0x3F98] =	sst lr;
	_ =	strace $0xD0000000  }
0x3: {  	_ = 	snop  }
0x4: {  	_ = 	snop  }
0x5: {  	_ = 	snop  }
0x6: {  	_ = 	snop  }
0x7: {  	_ = 	snop  }
__scs_overlays_trampoline_lowered:
0x8: {  	[smem:$0x3FA7] =	sst s0  }
0x9: {  	[smem:$0x3FA8] =	sst s1  }
0xa: {  	[smem:$0x3FA9] =	sst s2  }
0xb: {  	[smem:$0x3FAA] =	sst s3  }
0xc: {  	[smem:$0x3FAB] =	sst s4  }
0xd: {  	[smem:$0x3FAC] =	sst s5  }
0xe: {  	[smem:$0x3FAD] =	sst s6  }
0xf: {  	[smem:$0x3FAE] =	sst s7  }
0x10: {  	[smem:$0x3FAF] =	sst s8  }
0x11: {  	[smem:$0x3FB0] =	sst s9;
	s0 =	simm.s32 @!p0 $0x0  }
0x12: {  	s1 =	sld [smem:$0x3F96];
	s0 =	simm.s32 @p0 $0x1  }
0x13: {  	[smem:$0x3FB1] =	sst s0;
	s0 =	simm.s32 @!p1 $0x0  }
0x14: {  	s2 =	sld [smem:$0x3F95];
	s0 =	simm.s32 @p1 $0x1  }
0x15: {  	[smem:$0x3FB2] =	sst s0;
	s0 =	simm.s32 @!p2 $0x0  }
0x16: {  	s3 =	sld [smem:$0x3FDB];
	s0 =	simm.s32 @p2 $0x1  }
0x17: {  	s4 =	simm.s32 $0x1BF5;
	[smem:$0x3FB4] =	sst s0  }
0x18: {  	s0 =	sld [smem:$0x3F97];
	_ =	swait.ge [sflag:s4], $0x0  }
0x19: {  	s7 =	sld [smem:$0x3F98]  }
0x1a: {  	s8 =	sadd.s32 $0xFFFFE003, lr  }
0x1b: {  	s9 =	sadd.s32 $0xFFFFFEF7, lr;
	s5 =	simm.s32 $0xFFFFFFFF;
	p2 =	slt.u32 s8, $0xFFFFF086  }
0x1c: {  	p1 =	slt.u32 s9, $0xF7A;
	s5 =	simm.s32 @!p2 $0x0  }
0x1d: {  	s5 =	simm.s32 @p1 $0x1;
	p0 =	seq.s32 s7, s2  }
0x1e: {  	s7 =	smul.u32 @!p0 $0xF7A, s2;
	p2 =	seq.s32 @!p0 s5, $0x0  }
0x1f: {  	s9 =	smul.u32 $0xF7A, s1;
	s8 =	simm.s32 @!p0 $0x1BF5;
	p2 =	por !p2, p0  }
0x20: {  	[sflag:s8] =	ssyncset.s32 @!p0 $0xFFFFF086;
	s6 =	sadd.s32 @!p0 s3, s7;
	s7 =	simm.s32 @!p0 $0x108  }
0x21: {  	s3 =	sadd.s32 s3, s9;
	s6 =	sadd.s32 @!p0 $0x88, s6;
	s7 =	simm.s32 @p2 $0x1082  }
0x22: {  	[simem:s7], [sflag:s8] =	dma.local @!p0 [hbm:s6], $0xF7A  }
0x23: {  	s9 =	sor.u32 $0xD0000000, s2;
	s6 =	simm.s32 $0x108;
	_ =	swait.ge @!p0 [sflag:s8], $0x0  }
0x24: {  	s3 =	sadd.s32 $0x88, s3;
	s6 =	simm.s32 @!p1 $0x1082;
	[sflag:s4] =	ssyncset.s32 $0xFFFFF086  }
0x25: {  	[simem:s6], [sflag:s4] =	dma.local [hbm:s3], $0xF7A  }
0x26: {  	[smem:$0x3F98] =	sst s1;
	(tag) =	ssettag s2;
	_ =	strace s9  }
0x27: {  	s1 =	sld [smem:$0x3FA8]  }
0x28: {  	s2 =	sld [smem:$0x3FA9]  }
0x29: {  	s4 =	sld [smem:$0x3FAB]  }
0x2a: {  	p0 =	seq.s32 s5, $0x0;
	s5 =	sld [smem:$0x3FAC]  }
0x2b: {  	s6 =	sld [smem:$0x3FAD]  }
0x2c: {  	s7 =	sld [smem:$0x3FAE]  }
0x2d: {  	s3 =	simm.s32 $0x108;
	s8 =	sld [smem:$0x3FAF]  }
0x2e: {  	s3 =	simm.s32 @!p0 $0x1082;
	s9 =	sld [smem:$0x3FB0]  }
0x2f: {  	lr =	sadd.s32 s0, s3;
	s0 =	sld [smem:$0x3FA7]  }
0x30: {  	s3 =	sld [smem:$0x3FAA]  }
0x31: {  	[smem:$0x3FB3] =	sst s10  }
0x32: {  	s10 =	sld [smem:$0x3FB1];
	_ =	sdelay $0x3  }
0x33: {  	p0 =	seq.s32 s10, $0x1;
	s10 =	sld [smem:$0x3FB3];
	_ =	sdelay $0x3  }
0x34: {  	[smem:$0x3FB3] =	sst s10  }
0x35: {  	s10 =	sld [smem:$0x3FB2];
	_ =	sdelay $0x3  }
0x36: {  	p1 =	seq.s32 s10, $0x1;
	s10 =	sld [smem:$0x3FB3];
	_ =	sdelay $0x3  }
0x37: {  	[smem:$0x3FB3] =	sst s10  }
0x38: {  	s10 =	sld [smem:$0x3FB4]  }
0x39: {  	_ = 	snop;
	(pc) =	sbr.ind lr, $3  }
0x3a: {  	_ = 	snop  }
0x3b: {  	_ = 	snop  }
0x3c: {  	p2 =	seq.s32 s10, $0x1;
	s10 =	sld [smem:$0x3FB3]  }
0x3d: {  	_ =	shalt  }
0x3e: {  	_ =	shalt  }
0x3f: {  	_ =	shalt  }
0x40: {  	_ =	shalt  }
0x41: {  	_ =	shalt  }
0x42: {  	_ =	shalt  }
0x43: {  	_ =	shalt  }
0x44: {  	_ =	shalt  }
0x45: {  	_ =	shalt  }
0x46: {  	_ =	shalt  }
0x47: {  	_ =	shalt  }
0x48: {  	_ =	shalt  }
0x49: {  	_ =	shalt  }
0x4a: {  	_ =	shalt  }
0x4b: {  	_ =	shalt  }
0x4c: {  	_ =	shalt  }
0x4d: {  	_ =	shalt  }
0x4e: {  	_ =	shalt  }
0x4f: {  	_ =	shalt  }
0x50: {  	_ =	shalt  }
0x51: {  	_ =	shalt  }
0x52: {  	_ =	shalt  }
0x53: {  	_ =	shalt  }
0x54: {  	_ =	shalt  }
0x55: {  	_ =	shalt  }
0x56: {  	_ =	shalt  }
0x57: {  	_ =	shalt  }
0x58: {  	_ =	shalt  }
0x59: {  	_ =	shalt  }
0x5a: {  	_ =	shalt  }
0x5b: {  	_ =	shalt  }
0x5c: {  	_ =	shalt  }
0x5d: {  	_ =	shalt  }
0x5e: {  	_ =	shalt  }
0x5f: {  	_ =	shalt  }
0x60: {  	_ =	shalt  }
0x61: {  	_ =	shalt  }
0x62: {  	_ =	shalt  }
0x63: {  	_ =	shalt  }
0x64: {  	_ =	shalt  }
0x65: {  	_ =	shalt  }
0x66: {  	_ =	shalt  }
0x67: {  	_ =	shalt  }
0x68: {  	_ =	shalt  }
0x69: {  	_ =	shalt  }
0x6a: {  	_ =	shalt  }
0x6b: {  	_ =	shalt  }
0x6c: {  	_ =	shalt  }
0x6d: {  	_ =	shalt  }
0x6e: {  	_ =	shalt  }
0x6f: {  	_ =	shalt  }
0x70: {  	_ =	shalt  }
0x71: {  	_ =	shalt  }
0x72: {  	_ =	shalt  }
0x73: {  	_ =	shalt  }
0x74: {  	_ =	shalt  }
0x75: {  	_ =	shalt  }
0x76: {  	_ =	shalt  }
0x77: {  	_ =	shalt  }
0x78: {  	_ =	shalt  }
0x79: {  	_ =	shalt  }
0x7a: {  	_ =	shalt  }
0x7b: {  	_ =	shalt  }
0x7c: {  	_ =	shalt  }
0x7d: {  	_ =	shalt  }
0x7e: {  	_ =	shalt  }
0x7f: {  	_ =	shalt  }
0x80: {  	_ =	shalt  }
0x81: {  	_ =	shalt  }
0x82: {  	_ =	shalt  }
0x83: {  	_ =	shalt  }
0x84: {  	_ =	shalt  }
0x85: {  	_ =	shalt  }
0x86: {  	_ =	shalt  }
0x87: {  	_ =	shalt  }
.Lfunc_end0:
.L_simem_size_0:
called_computation_lowered:
.L_overlay_start_0:
0x88: {  	s2 =	sld [smem:$0x3FD9]  }
0x89: {  	s3 =	sld [smem:$0x3FFE];
	_ =	sdelay $0x1  }
0x8a: {  	s1 =	srdreg.scid  }
0x8b: {  	s0 =	sand.u32 $0x1, s1  }
0x8c: {  	s16 =	sshll.u32 s0, $0xA;
	s2 =	sadd.s32 s3, s2  }
0x8d: {  	s2 =	sadd.s32 s2, s16  }
0x8e: {  	[smem:$0x3FBF] =	sst s2  }
0x8f: {  	_ = 	snop  }
0x90: {  	(tm) =	ssettm $0x1  }
0x91: {  	s17 =	sld [smem:$0x3FFB];
	_ =	sdelay $0x3  }
0x92: {  	_ =	strace s17  }
0x93: {  	s2 =	sld [smem:$0x3FFC];
	_ =	sdelay $0x3  }
0x94: {  	_ =	strace s2  }
0x95: {  	s2 =	sld [smem:$0x3FFD];
	_ =	sdelay $0x3  }
0x96: {  	_ =	strace s2  }
0x97: {  	_ =	strace $0x8FFFFFFF  }
0x98: {  	s18 =	sld [smem:$0x3FDB];
	_ =	sdelay $0x1  }
0x99: {  	s19 =	simm.s32 $_scs_section_size  }
0x9a: {  	s4 =	simm.s32 $_size__tile_overlayer_lowered;
	s5 =	simm.s32 $_tile_overlayer_lowered  }
0x9b: {  	s22 =	simm.s32 $0x1BFF;
	s21 =	sshll.u32 s5, $0x1;
	s2 =	sadd.s32 s19, s18  }
0x9c: {  	s6 =	simm.s32 $0x0;
	s20 =	sshll.u32 s4, $0x1;
	s4 =	sadd.s32 s21, s2  }
0x9d: {  	[timem:s6], [sflag:s22] =	dma.local [hbm:s4], s20  }
0x9e: {  	_ =	swait.ge [sflag:s22], s20  }
0x9f: {  	s3 =	ssub.s32 $0x0, s20;
	[sflag:s22] =	ssyncset.done $0x0  }
0xa0: {  	[sflag:s22] =	ssyncadd.s32 s3;
	_ =	sdelay $0x1  }
0xa1: {  	s23 =	simm.s32 $0x1B8B  }
0xa2: {  	_ =	swait.ge [sflag:s23], $0x1  }
0xa3: {  	[sflag:s23] =	ssyncset.done $0x0  }
0xa4: {  	s25 =	simm.s32 $0x1B8E;
	s24 =	sld [smem:$0x3FFE];
	[sflag:s23] =	ssyncadd.s32 $0xFFFFFFFF  }
0xa5: {  	s26 =	simm.s32 $execute0_lowered;
	[smem:$0x3FD2] =	sst s25  }
0xa6: {  	s4 =	sshll.u32 s26, $0x1;
	_ =	strace $0x80000046;
	[dreg:$0x1] =	wrdreg $0xFFFFFFFF  }
0xa7: {  	s28 =	simm.s32 $_size_execute0_lowered;
	s2 =	sadd.s32 s2, s4;
	[dreg:$0x0] =	wrdreg $0x0  }
0xa8: {  	s4 =	sshll.u32 s28, $0x1;
	[dreg:$0x2] =	wrdreg s2  }
0xa9: {  	[dreg:$0x3] =	wrdreg s4  }
0xaa: {  	[dreg:$0x4] =	wrdreg $0xC0  }
0xab: {  	_ =	task [dreg:s6], $0x5FFFF  }
0xac: {  	[dreg:$0x1] =	wrdreg $0xFFFFFFFF  }
0xad: {  	[dreg:$0x0] =	wrdreg $0x60  }
0xae: {  	[dreg:$0x2] =	wrdreg s24  }
0xaf: {  	[dreg:$0x3] =	wrdreg $0x9  }
0xb0: {  	_ =	task.clear_ibuf [dreg:s6], $0x4FFFF;
	_ =	strace $0x90000046  }
0xb1: {  	s29 =	simm.s32 $0x9;
	_ =	strace $0x80000048  }
0xb2: {  	_ =	swait.ge [sflag:s29], $0x1  }
0xb3: {  	[sflag:s29] =	ssyncadd.s32 $0xFFFFFFFF  }
0xb4: {  	_ =	strace $0x90000048  }
0xb5: {  	_ =	sfence  }
0xb6: {  	s30 =	sld [smem:$0x0];
	_ =	sdelay $0x2  }
0xb7: {  	s31 =	sshll.u32 s1, $0xD;
	s1 =	sshrl.u32 s1, $0x2  }
0xb8: {  	s3 =	sand.u32 $0x4000, s31;
	s1 =	sadd.s32 s1, s30  }
0xb9: {  	s0 =	sor.u32 s3, s0;
	s1 =	sshll.u32 s1, $0x11  }
0xba: {  	s0 =	sor.u32 s1, s0  }
0xbb: {  	s0 =	sadd.s32 $0x8F2B, s0  }
0xbc: {  	[sflag:s0] =	ssyncadd.remote.s32 $0x1  }
0xbd: {  	_ =	sfence.sel $0xFFFF  }
0xbe: {  	[dreg:$0x0] =	wrdreg $0xFFFFFFFF;
	(pc) =	sbr.abs _section_cstart, $3  }
0xbf: {  	[dreg:$0x1] =	wrdreg $0xFFFFFFFF  }
0xc0: {  	_ =	task.clear_ibuf [dreg:s6], $0x2FFFF;
	_ =	strace $0x9FFFFFFF  }
0xc1: {  	(tm) =	ssettm $0x7FFFFFFF  }
tec
execute0_lowered:
.L_overlay_start_1:
0x0: {  	(tag) =	ssettag $0x1  }
0x1: {  	s0 =	rddreg [dreg:$0x0];
	s2 =	simm.s32 $0x0  }
0x2: {  	s3 =	stileid.u32;
	s1 =	srdreg.scid;
	s7 =	simm.s32 $0x400  }
0x3: {  	s8 =	simm.s32 $0x80;
	s9 =	simm.s32 $0x800;
	s10 =	simm.s32 $0x4800  }
0x4: {  	s11 =	simm.s32 $0x1;
	s12 =	simm.s32 $0x480;
	s13 =	simm.s32 $0x100  }
0x5: {  	s14 =	simm.s32 $0x8800;
	s15 =	simm.s32 $0x180;
	s16 =	simm.s32 $0xC800  }
0x6: {  	s17 =	simm.s32 $0x2;
	s18 =	simm.s32 $0x500;
	s19 =	simm.s32 $0x580  }
0x7: {  	s20 =	simm.s32 $0x3;
	s21 =	simm.s32 $0x200;
	s22 =	simm.s32 $0x280  }
0x8: {  	s23 =	simm.s32 $0x600;
	s24 =	simm.s32 $0x680;
	s25 =	simm.s32 $0x4  }
0x9: {  	s28 =	simm.s32 $0x380;
	s29 =	simm.s32 $0x700;
	s30 =	simm.s32 $0x780  }
0xa: {  	[smem:$0x7FF] =	sst s2;
	s3 =	sshll.u32 s3, $0xB;
	s1 =	sand.u32 $0x1, s1  }
0xb: {  	_ =	strace $0x80000047;
	s4 =	sadd.s32 s3, s0;
	s5 =	sshll.u32 s1, $0xA  }
0xc: {  	s3 =	sadd.s32 $0x2600, s0;
	s1 =	ssub.s32 $0x2, s1;
	s5 =	sadd.s32 s5, s4  }
0xd: {  	s4 =	sadd.s32 $0x187C600, s0;
	s26 =	sshrl.u32 s1, $0x1;
	s6 =	sadd.s32 $0x1874600, s5  }
0xe: {  	s0 =	ssub.s32 s1, s26;
	s31 =	sadd.s32 $0x186C600, s5;
	[dreg:$0x2] =	wrdreg s6  }
0xf: {  	s26 =	simm.s32 $0x300;
	s0 =	smax.u32 s0, $0x1;
	[dreg:$0x3] =	wrdreg s31  }
0x10: {  	s1 =	simm.s32 $0x0;
	s6 =	simm.s32 $0x5;
	[dreg:$0x4] =	wrdreg s0  }
.LBB2_1:
0x11: {  	s0 =	rddreg [dreg:$0x3]  }
0x12: {  	[dreg:$0x5] =	wrdreg s1;
	s0 =	sadd.s32 $0x0, s0  }
0x13: {  	[tilespmem:s2], [sflag:$0x5] =	stream.linear.gather [hbm4b:s0+s2], $0x400, $0x38;
	[tilespmem:$0x10800] =	vst v63  }
0x14: {  	_ =	swait.ge [sflag:s6], $0x400  }
0x15: {  	s31 =	rddreg [dreg:$0x2];
	[sflag:s6] =	ssyncset.done $0x0  }
0x16: {  	[sflag:s6] =	ssyncadd.s32 $0xFFFFFC00;
	s0 =	sadd.s32 $0x0, s31  }
0x17: {  	[tilespmem:s7], [sflag:$0x5] =	stream.linear.gather [hbm4b:s0+s2], $0x400, $0x38;
	[tilespmem:$0x10800] =	vst v63  }
0x18: {  	_ =	swait.ge [sflag:s6], $0x400  }
0x19: {  	[sflag:s6] =	ssyncset.done $0x0  }
0x1a: {  	[sflag:s6] =	ssyncadd.s32 $0xFFFFFC00  }
0x1b: {  	[tilespmem:s9], [sflag:$0x1] =	stream.indirect.gather [hbm4b:s3+s8], $0x80, s2, s8, $0xb8;
	[tilespmem:$0x10800] =	vst v63  }
0x1c: {  	_ = 	snop  }
0x1d: {  	[tilespmem:s10], [sflag:$0x1] =	stream.indirect.gather [hbm4b:s3+s8], $0x80, s8, s8, $0xb8;
	[tilespmem:$0x10800] =	vst v63  }
0x1e: {  	_ =	swait.ge [sflag:s11], $0x4000  }
0x1f: {  	[sflag:s11] =	ssyncset.done $0x0  }
0x20: {  	[sflag:s11] =	ssyncadd.s32 $0xFFFFC000  }
0x21: {  	_ =	swait.ge [sflag:s11], $0x4000  }
0x22: {  	[sflag:s11] =	ssyncset.done $0x0  }
0x23: {  	[sflag:s11] =	ssyncadd.s32 $0xFFFFC000  }
0x24: {  	[hbm4b:s4+s8] =	stream.indirect.scatter [tilespmem:s9], [sflag:$0x3], $0x80, s7, s8, $0xb8;
	[tilespmem:$0x10800] =	vst v63  }
0x25: {  	_ = 	snop  }
0x26: {  	[hbm4b:s4+s8] =	stream.indirect.scatter [tilespmem:s10], [sflag:$0x3], $0x80, s12, s8, $0xb8;
	[tilespmem:$0x10800] =	vst v63  }
0x27: {  	_ = 	snop  }
0x28: {  	[tilespmem:s14], [sflag:$0x2] =	stream.indirect.gather [hbm4b:s3+s8], $0x80, s13, s8, $0xb8;
	[tilespmem:$0x10800] =	vst v63  }
0x29: {  	_ = 	snop  }
0x2a: {  	[tilespmem:s16], [sflag:$0x2] =	stream.indirect.gather [hbm4b:s3+s8], $0x80, s15, s8, $0xb8;
	[tilespmem:$0x10800] =	vst v63  }
0x2b: {  	_ =	swait.ge [sflag:s17], $0x4000  }
0x2c: {  	[sflag:s17] =	ssyncset.done $0x0  }
0x2d: {  	[sflag:s17] =	ssyncadd.s32 $0xFFFFC000  }
0x2e: {  	_ =	swait.ge [sflag:s17], $0x4000  }
0x2f: {  	[sflag:s17] =	ssyncset.done $0x0  }
0x30: {  	[sflag:s17] =	ssyncadd.s32 $0xFFFFC000  }
0x31: {  	[hbm4b:s4+s8] =	stream.indirect.scatter [tilespmem:s14], [sflag:$0x4], $0x80, s18, s8, $0xb8;
	[tilespmem:$0x10800] =	vst v63  }
0x32: {  	_ = 	snop  }
0x33: {  	[hbm4b:s4+s8] =	stream.indirect.scatter [tilespmem:s16], [sflag:$0x4], $0x80, s19, s8, $0xb8;
	[tilespmem:$0x10800] =	vst v63  }
0x34: {  	_ =	swait.ge [sflag:s20], $0x4000  }
0x35: {  	[sflag:s20] =	ssyncset.done $0x0  }
0x36: {  	[sflag:s20] =	ssyncadd.s32 $0xFFFFC000  }
0x37: {  	_ =	swait.ge [sflag:s20], $0x4000  }
0x38: {  	[sflag:s20] =	ssyncset.done $0x0  }
0x39: {  	[sflag:s20] =	ssyncadd.s32 $0xFFFFC000  }
0x3a: {  	[tilespmem:s9], [sflag:$0x1] =	stream.indirect.gather [hbm4b:s3+s8], $0x80, s21, s8, $0xb8;
	[tilespmem:$0x10800] =	vst v63  }
0x3b: {  	_ = 	snop  }
0x3c: {  	[tilespmem:s10], [sflag:$0x1] =	stream.indirect.gather [hbm4b:s3+s8], $0x80, s22, s8, $0xb8;
	[tilespmem:$0x10800] =	vst v63  }
0x3d: {  	_ =	swait.ge [sflag:s11], $0x4000  }
0x3e: {  	[sflag:s11] =	ssyncset.done $0x0  }
0x3f: {  	[sflag:s11] =	ssyncadd.s32 $0xFFFFC000  }
0x40: {  	_ =	swait.ge [sflag:s11], $0x4000  }
0x41: {  	[sflag:s11] =	ssyncset.done $0x0  }
0x42: {  	[sflag:s11] =	ssyncadd.s32 $0xFFFFC000  }
0x43: {  	[hbm4b:s4+s8] =	stream.indirect.scatter [tilespmem:s9], [sflag:$0x3], $0x80, s23, s8, $0xb8;
	[tilespmem:$0x10800] =	vst v63  }
0x44: {  	_ = 	snop  }
0x45: {  	[hbm4b:s4+s8] =	stream.indirect.scatter [tilespmem:s10], [sflag:$0x3], $0x80, s24, s8, $0xb8;
	[tilespmem:$0x10800] =	vst v63  }
0x46: {  	_ =	swait.ge [sflag:s25], $0x4000  }
0x47: {  	[sflag:s25] =	ssyncset.done $0x0  }
0x48: {  	[sflag:s25] =	ssyncadd.s32 $0xFFFFC000  }
0x49: {  	_ =	swait.ge [sflag:s25], $0x4000  }
0x4a: {  	[sflag:s25] =	ssyncset.done $0x0  }
0x4b: {  	[sflag:s25] =	ssyncadd.s32 $0xFFFFC000  }
0x4c: {  	[tilespmem:s14], [sflag:$0x2] =	stream.indirect.gather [hbm4b:s3+s8], $0x80, s26, s8, $0xb8;
	[tilespmem:$0x10800] =	vst v63  }
0x4d: {  	_ = 	snop  }
0x4e: {  	[tilespmem:s16], [sflag:$0x2] =	stream.indirect.gather [hbm4b:s3+s8], $0x80, s28, s8, $0xb8;
	[tilespmem:$0x10800] =	vst v63  }
0x4f: {  	_ =	swait.ge [sflag:s17], $0x4000  }
0x50: {  	[sflag:s17] =	ssyncset.done $0x0  }
0x51: {  	[sflag:s17] =	ssyncadd.s32 $0xFFFFC000  }
0x52: {  	_ =	swait.ge [sflag:s17], $0x4000  }
0x53: {  	[sflag:s17] =	ssyncset.done $0x0  }
0x54: {  	[sflag:s17] =	ssyncadd.s32 $0xFFFFC000  }
0x55: {  	[hbm4b:s4+s8] =	stream.indirect.scatter [tilespmem:s14], [sflag:$0x4], $0x80, s29, s8, $0xb8;
	[tilespmem:$0x10800] =	vst v63  }
0x56: {  	_ = 	snop  }
0x57: {  	[hbm4b:s4+s8] =	stream.indirect.scatter [tilespmem:s16], [sflag:$0x4], $0x80, s30, s8, $0xb8;
	[tilespmem:$0x10800] =	vst v63  }
0x58: {  	_ =	swait.ge [sflag:s20], $0x4000  }
0x59: {  	[sflag:s20] =	ssyncset.done $0x0  }
0x5a: {  	[sflag:s20] =	ssyncadd.s32 $0xFFFFC000  }
0x5b: {  	_ =	swait.ge [sflag:s20], $0x4000  }
0x5c: {  	[sflag:s20] =	ssyncset.done $0x0  }
0x5d: {  	[sflag:s20] =	ssyncadd.s32 $0xFFFFC000  }
0x5e: {  	_ =	swait.ge [sflag:s25], $0x4000  }
0x5f: {  	[sflag:s25] =	ssyncset.done $0x0  }
0x60: {  	[sflag:s25] =	ssyncadd.s32 $0xFFFFC000  }
0x61: {  	s1 =	simm.s32 $0x100;
	_ =	swait.ge [sflag:s25], $0x4000  }
0x62: {  	s0 =	simm.s32 $0x80;
	s5 =	rddreg [dreg:$0x3];
	[sflag:s25] =	ssyncset.done $0x0  }
.LBB2_2:
0x63: {  	[sflag:s25] =	ssyncadd.s32 $0xFFFFC000;
	s5 =	sadd.s32 s0, s5  }
0x64: {  	[tilespmem:s2], [sflag:$0x5] =	stream.linear.gather [hbm4b:s5+s2], $0x400, $0x38;
	[tilespmem:$0x10800] =	vst v63  }
0x65: {  	_ =	swait.ge [sflag:s6], $0x400  }
0x66: {  	s5 =	rddreg [dreg:$0x2];
	[sflag:s6] =	ssyncset.done $0x0  }
0x67: {  	[sflag:s6] =	ssyncadd.s32 $0xFFFFFC00;
	s5 =	sadd.s32 s0, s5  }
0x68: {  	[tilespmem:s7], [sflag:$0x5] =	stream.linear.gather [hbm4b:s5+s2], $0x400, $0x38;
	[tilespmem:$0x10800] =	vst v63  }
0x69: {  	_ =	swait.ge [sflag:s6], $0x400  }
0x6a: {  	[sflag:s6] =	ssyncset.done $0x0  }
0x6b: {  	[sflag:s6] =	ssyncadd.s32 $0xFFFFFC00  }
0x6c: {  	[tilespmem:s9], [sflag:$0x1] =	stream.indirect.gather [hbm4b:s3+s8], $0x80, s2, s8, $0xb8;
	[tilespmem:$0x10800] =	vst v63  }
0x6d: {  	_ = 	snop  }
0x6e: {  	[tilespmem:s10], [sflag:$0x1] =	stream.indirect.gather [hbm4b:s3+s8], $0x80, s8, s8, $0xb8;
	[tilespmem:$0x10800] =	vst v63  }
0x6f: {  	_ =	swait.ge [sflag:s11], $0x4000  }
0x70: {  	[sflag:s11] =	ssyncset.done $0x0  }
0x71: {  	[sflag:s11] =	ssyncadd.s32 $0xFFFFC000  }
0x72: {  	_ =	swait.ge [sflag:s11], $0x4000  }
0x73: {  	[sflag:s11] =	ssyncset.done $0x0  }
0x74: {  	[sflag:s11] =	ssyncadd.s32 $0xFFFFC000  }
0x75: {  	[hbm4b:s4+s8] =	stream.indirect.scatter [tilespmem:s9], [sflag:$0x3], $0x80, s7, s8, $0xb8;
	[tilespmem:$0x10800] =	vst v63  }
0x76: {  	_ = 	snop  }
0x77: {  	[hbm4b:s4+s8] =	stream.indirect.scatter [tilespmem:s10], [sflag:$0x3], $0x80, s12, s8, $0xb8;
	[tilespmem:$0x10800] =	vst v63  }
0x78: {  	_ = 	snop  }
0x79: {  	[tilespmem:s14], [sflag:$0x2] =	stream.indirect.gather [hbm4b:s3+s8], $0x80, s13, s8, $0xb8;
	[tilespmem:$0x10800] =	vst v63  }
0x7a: {  	_ = 	snop  }
0x7b: {  	[tilespmem:s16], [sflag:$0x2] =	stream.indirect.gather [hbm4b:s3+s8], $0x80, s15, s8, $0xb8;
	[tilespmem:$0x10800] =	vst v63  }
0x7c: {  	_ =	swait.ge [sflag:s17], $0x4000  }
0x7d: {  	[sflag:s17] =	ssyncset.done $0x0  }
0x7e: {  	[sflag:s17] =	ssyncadd.s32 $0xFFFFC000  }
0x7f: {  	_ =	swait.ge [sflag:s17], $0x4000  }
0x80: {  	[sflag:s17] =	ssyncset.done $0x0  }
0x81: {  	[sflag:s17] =	ssyncadd.s32 $0xFFFFC000  }
0x82: {  	[hbm4b:s4+s8] =	stream.indirect.scatter [tilespmem:s14], [sflag:$0x4], $0x80, s18, s8, $0xb8;
	[tilespmem:$0x10800] =	vst v63  }
0x83: {  	_ = 	snop  }
0x84: {  	[hbm4b:s4+s8] =	stream.indirect.scatter [tilespmem:s16], [sflag:$0x4], $0x80, s19, s8, $0xb8;
	[tilespmem:$0x10800] =	vst v63  }
0x85: {  	_ =	swait.ge [sflag:s20], $0x4000  }
0x86: {  	[sflag:s20] =	ssyncset.done $0x0  }
0x87: {  	[sflag:s20] =	ssyncadd.s32 $0xFFFFC000  }
0x88: {  	_ =	swait.ge [sflag:s20], $0x4000  }
0x89: {  	[sflag:s20] =	ssyncset.done $0x0  }
0x8a: {  	[sflag:s20] =	ssyncadd.s32 $0xFFFFC000  }
0x8b: {  	[tilespmem:s9], [sflag:$0x1] =	stream.indirect.gather [hbm4b:s3+s8], $0x80, s21, s8, $0xb8;
	[tilespmem:$0x10800] =	vst v63  }
0x8c: {  	_ = 	snop  }
0x8d: {  	[tilespmem:s10], [sflag:$0x1] =	stream.indirect.gather [hbm4b:s3+s8], $0x80, s22, s8, $0xb8;
	[tilespmem:$0x10800] =	vst v63  }
0x8e: {  	_ =	swait.ge [sflag:s11], $0x4000  }
0x8f: {  	[sflag:s11] =	ssyncset.done $0x0  }
0x90: {  	[sflag:s11] =	ssyncadd.s32 $0xFFFFC000  }
0x91: {  	_ =	swait.ge [sflag:s11], $0x4000  }
0x92: {  	[sflag:s11] =	ssyncset.done $0x0  }
0x93: {  	[sflag:s11] =	ssyncadd.s32 $0xFFFFC000  }
0x94: {  	[hbm4b:s4+s8] =	stream.indirect.scatter [tilespmem:s9], [sflag:$0x3], $0x80, s23, s8, $0xb8;
	[tilespmem:$0x10800] =	vst v63  }
0x95: {  	_ = 	snop  }
0x96: {  	[hbm4b:s4+s8] =	stream.indirect.scatter [tilespmem:s10], [sflag:$0x3], $0x80, s24, s8, $0xb8;
	[tilespmem:$0x10800] =	vst v63  }
0x97: {  	_ =	swait.ge [sflag:s25], $0x4000  }
0x98: {  	[sflag:s25] =	ssyncset.done $0x0  }
0x99: {  	[sflag:s25] =	ssyncadd.s32 $0xFFFFC000  }
0x9a: {  	_ =	swait.ge [sflag:s25], $0x4000  }
0x9b: {  	[sflag:s25] =	ssyncset.done $0x0  }
0x9c: {  	[sflag:s25] =	ssyncadd.s32 $0xFFFFC000  }
0x9d: {  	[tilespmem:s14], [sflag:$0x2] =	stream.indirect.gather [hbm4b:s3+s8], $0x80, s26, s8, $0xb8;
	[tilespmem:$0x10800] =	vst v63  }
0x9e: {  	_ = 	snop  }
0x9f: {  	[tilespmem:s16], [sflag:$0x2] =	stream.indirect.gather [hbm4b:s3+s8], $0x80, s28, s8, $0xb8;
	[tilespmem:$0x10800] =	vst v63  }
0xa0: {  	_ =	swait.ge [sflag:s17], $0x4000  }
0xa1: {  	[sflag:s17] =	ssyncset.done $0x0  }
0xa2: {  	[sflag:s17] =	ssyncadd.s32 $0xFFFFC000  }
0xa3: {  	_ =	swait.ge [sflag:s17], $0x4000  }
0xa4: {  	[sflag:s17] =	ssyncset.done $0x0  }
0xa5: {  	[sflag:s17] =	ssyncadd.s32 $0xFFFFC000  }
0xa6: {  	[hbm4b:s4+s8] =	stream.indirect.scatter [tilespmem:s14], [sflag:$0x4], $0x80, s29, s8, $0xb8;
	[tilespmem:$0x10800] =	vst v63  }
0xa7: {  	_ = 	snop  }
0xa8: {  	[hbm4b:s4+s8] =	stream.indirect.scatter [tilespmem:s16], [sflag:$0x4], $0x80, s30, s8, $0xb8;
	[tilespmem:$0x10800] =	vst v63  }
0xa9: {  	_ =	swait.ge [sflag:s20], $0x4000  }
0xaa: {  	[sflag:s20] =	ssyncset.done $0x0  }
0xab: {  	[sflag:s20] =	ssyncadd.s32 $0xFFFFC000  }
0xac: {  	_ =	swait.ge [sflag:s20], $0x4000  }
0xad: {  	[sflag:s20] =	ssyncset.done $0x0  }
0xae: {  	p0 =	sne.s32 s1, $0x380;
	[sflag:s20] =	ssyncadd.s32 $0xFFFFC000  }
.Ltmp0:
0xaf: {  	_ =	swait.ge [sflag:s25], $0x4000;
	(pc) =	sbr.rel @p0 .LBB2_2-.Ltmp0, $4  }
0xb0: {  	[sflag:s25] =	ssyncset.done $0x0  }
0xb1: {  	[sflag:s25] =	ssyncadd.s32 $0xFFFFC000  }
0xb2: {  	s31 =	smov.u32 s1;
	s1 =	sadd.s32 $0x80, s1;
	_ =	swait.ge [sflag:s25], $0x4000  }
0xb3: {  	s0 =	smov.u32 s31;
	s5 =	rddreg [dreg:$0x3];
	[sflag:s25] =	ssyncset.done $0x0  }
0xb4: {  	[sflag:s25] =	ssyncadd.s32 $0xFFFFC000;
	s1 =	sadd.s32 s0, s5  }
0xb5: {  	[tilespmem:s2], [sflag:$0x5] =	stream.linear.gather [hbm4b:s1+s2], $0x400, $0x38;
	[tilespmem:$0x10800] =	vst v63  }
0xb6: {  	_ =	swait.ge [sflag:s6], $0x400  }
0xb7: {  	s31 =	rddreg [dreg:$0x2];
	[sflag:s6] =	ssyncset.done $0x0  }
0xb8: {  	s1 =	sadd.s32 s0, s31;
	[sflag:s6] =	ssyncadd.s32 $0xFFFFFC00  }
0xb9: {  	[tilespmem:s7], [sflag:$0x5] =	stream.linear.gather [hbm4b:s1+s2], $0x400, $0x38;
	[tilespmem:$0x10800] =	vst v63  }
0xba: {  	_ =	swait.ge [sflag:s6], $0x400  }
0xbb: {  	[sflag:s6] =	ssyncset.done $0x0  }
0xbc: {  	[sflag:s6] =	ssyncadd.s32 $0xFFFFFC00  }
0xbd: {  	[tilespmem:s9], [sflag:$0x1] =	stream.indirect.gather [hbm4b:s3+s8], $0x80, s2, s8, $0xb8;
	[tilespmem:$0x10800] =	vst v63  }
0xbe: {  	_ = 	snop  }
0xbf: {  	[tilespmem:s10], [sflag:$0x1] =	stream.indirect.gather [hbm4b:s3+s8], $0x80, s8, s8, $0xb8;
	[tilespmem:$0x10800] =	vst v63  }
0xc0: {  	_ =	swait.ge [sflag:s11], $0x4000  }
0xc1: {  	[sflag:s11] =	ssyncset.done $0x0  }
0xc2: {  	[sflag:s11] =	ssyncadd.s32 $0xFFFFC000  }
0xc3: {  	_ =	swait.ge [sflag:s11], $0x4000  }
0xc4: {  	[sflag:s11] =	ssyncset.done $0x0  }
0xc5: {  	[sflag:s11] =	ssyncadd.s32 $0xFFFFC000  }
0xc6: {  	[hbm4b:s4+s8] =	stream.indirect.scatter [tilespmem:s9], [sflag:$0x3], $0x80, s7, s8, $0xb8;
	[tilespmem:$0x10800] =	vst v63  }
0xc7: {  	_ = 	snop  }
0xc8: {  	[hbm4b:s4+s8] =	stream.indirect.scatter [tilespmem:s10], [sflag:$0x3], $0x80, s12, s8, $0xb8;
	[tilespmem:$0x10800] =	vst v63  }
0xc9: {  	_ = 	snop  }
0xca: {  	[tilespmem:s14], [sflag:$0x2] =	stream.indirect.gather [hbm4b:s3+s8], $0x80, s13, s8, $0xb8;
	[tilespmem:$0x10800] =	vst v63  }
0xcb: {  	_ = 	snop  }
0xcc: {  	[tilespmem:s16], [sflag:$0x2] =	stream.indirect.gather [hbm4b:s3+s8], $0x80, s15, s8, $0xb8;
	[tilespmem:$0x10800] =	vst v63  }
0xcd: {  	_ =	swait.ge [sflag:s17], $0x4000  }
0xce: {  	[sflag:s17] =	ssyncset.done $0x0  }
0xcf: {  	[sflag:s17] =	ssyncadd.s32 $0xFFFFC000  }
0xd0: {  	_ =	swait.ge [sflag:s17], $0x4000  }
0xd1: {  	[sflag:s17] =	ssyncset.done $0x0  }
0xd2: {  	[sflag:s17] =	ssyncadd.s32 $0xFFFFC000  }
0xd3: {  	[hbm4b:s4+s8] =	stream.indirect.scatter [tilespmem:s14], [sflag:$0x4], $0x80, s18, s8, $0xb8;
	[tilespmem:$0x10800] =	vst v63  }
0xd4: {  	_ = 	snop  }
0xd5: {  	[hbm4b:s4+s8] =	stream.indirect.scatter [tilespmem:s16], [sflag:$0x4], $0x80, s19, s8, $0xb8;
	[tilespmem:$0x10800] =	vst v63  }
0xd6: {  	_ =	swait.ge [sflag:s20], $0x4000  }
0xd7: {  	[sflag:s20] =	ssyncset.done $0x0  }
0xd8: {  	[sflag:s20] =	ssyncadd.s32 $0xFFFFC000  }
0xd9: {  	_ =	swait.ge [sflag:s20], $0x4000  }
0xda: {  	[sflag:s20] =	ssyncset.done $0x0  }
0xdb: {  	[sflag:s20] =	ssyncadd.s32 $0xFFFFC000  }
0xdc: {  	[tilespmem:s9], [sflag:$0x1] =	stream.indirect.gather [hbm4b:s3+s8], $0x80, s21, s8, $0xb8;
	[tilespmem:$0x10800] =	vst v63  }
0xdd: {  	_ = 	snop  }
0xde: {  	[tilespmem:s10], [sflag:$0x1] =	stream.indirect.gather [hbm4b:s3+s8], $0x80, s22, s8, $0xb8;
	[tilespmem:$0x10800] =	vst v63  }
0xdf: {  	_ =	swait.ge [sflag:s11], $0x4000  }
0xe0: {  	[sflag:s11] =	ssyncset.done $0x0  }
0xe1: {  	[sflag:s11] =	ssyncadd.s32 $0xFFFFC000  }
0xe2: {  	_ =	swait.ge [sflag:s11], $0x4000  }
0xe3: {  	[sflag:s11] =	ssyncset.done $0x0  }
0xe4: {  	[sflag:s11] =	ssyncadd.s32 $0xFFFFC000  }
0xe5: {  	[hbm4b:s4+s8] =	stream.indirect.scatter [tilespmem:s9], [sflag:$0x3], $0x80, s23, s8, $0xb8;
	[tilespmem:$0x10800] =	vst v63  }
0xe6: {  	_ = 	snop  }
0xe7: {  	[hbm4b:s4+s8] =	stream.indirect.scatter [tilespmem:s10], [sflag:$0x3], $0x80, s24, s8, $0xb8;
	[tilespmem:$0x10800] =	vst v63  }
0xe8: {  	_ =	swait.ge [sflag:s25], $0x4000  }
0xe9: {  	[sflag:s25] =	ssyncset.done $0x0  }
0xea: {  	[sflag:s25] =	ssyncadd.s32 $0xFFFFC000  }
0xeb: {  	_ =	swait.ge [sflag:s25], $0x4000  }
0xec: {  	[sflag:s25] =	ssyncset.done $0x0  }
0xed: {  	[sflag:s25] =	ssyncadd.s32 $0xFFFFC000  }
0xee: {  	[tilespmem:s14], [sflag:$0x2] =	stream.indirect.gather [hbm4b:s3+s8], $0x80, s26, s8, $0xb8;
	[tilespmem:$0x10800] =	vst v63  }
0xef: {  	_ = 	snop  }
0xf0: {  	[tilespmem:s16], [sflag:$0x2] =	stream.indirect.gather [hbm4b:s3+s8], $0x80, s28, s8, $0xb8;
	[tilespmem:$0x10800] =	vst v63  }
0xf1: {  	_ =	swait.ge [sflag:s17], $0x4000  }
0xf2: {  	[sflag:s17] =	ssyncset.done $0x0  }
0xf3: {  	[sflag:s17] =	ssyncadd.s32 $0xFFFFC000  }
0xf4: {  	_ =	swait.ge [sflag:s17], $0x4000  }
0xf5: {  	[sflag:s17] =	ssyncset.done $0x0  }
0xf6: {  	[sflag:s17] =	ssyncadd.s32 $0xFFFFC000  }
0xf7: {  	[hbm4b:s4+s8] =	stream.indirect.scatter [tilespmem:s14], [sflag:$0x4], $0x80, s29, s8, $0xb8;
	[tilespmem:$0x10800] =	vst v63  }
0xf8: {  	_ = 	snop  }
0xf9: {  	[hbm4b:s4+s8] =	stream.indirect.scatter [tilespmem:s16], [sflag:$0x4], $0x80, s30, s8, $0xb8;
	[tilespmem:$0x10800] =	vst v63  }
0xfa: {  	_ =	swait.ge [sflag:s20], $0x4000  }
0xfb: {  	[sflag:s20] =	ssyncset.done $0x0  }
0xfc: {  	[sflag:s20] =	ssyncadd.s32 $0xFFFFC000  }
0xfd: {  	_ =	swait.ge [sflag:s20], $0x4000  }
0xfe: {  	[sflag:s20] =	ssyncset.done $0x0  }
0xff: {  	[sflag:s20] =	ssyncadd.s32 $0xFFFFC000  }
0x100: {  	_ =	swait.ge [sflag:s25], $0x4000  }
0x101: {  	[sflag:s25] =	ssyncset.done $0x0  }
0x102: {  	[sflag:s25] =	ssyncadd.s32 $0xFFFFC000  }
0x103: {  	_ =	swait.ge [sflag:s25], $0x4000  }
0x104: {  	s5 =	rddreg [dreg:$0x5]  }
0x105: {  	s31 =	rddreg [dreg:$0x4];
	s1 =	sadd.s32 $0x1, s5  }
0x106: {  	p0 =	sne.s32 s1, s31  }
.Ltmp1:
0x107: {  	_ = 	snop;
	(pc) =	sbr.rel @p0 .LBB2_1-.Ltmp1, $3  }
0x108: {  	_ =	sdelay $0x1  }
0x109: {  	[sflag:s25] =	ssyncset.done $0x0  }
0x10a: {  	[sflag:s25] =	ssyncadd.s32 $0xFFFFC000  }
0x10b: {  	_ =	sfence.sel $0x180000  }
0x10c: {  	[bflag:$0x0] =	sbarrier.arrive $0xFFFF  }
0x10d: {  	_ =	strace $0x90000047  }
0x10e: {  	s0 =	stileid.u32;
	[bflag:$0x2] =	sbarrier.arrive $0xFFFF  }
0x10f: {  	p0 =	sne.s32 s0, $0x0;
	s0 =	rddreg [dreg:$0x1]  }
0x110: {  	s0 =	sadd.s32 @!p0 $0x100000, s0  }
0x111: {  	[sflag:s0] =	ssyncadd.tile.s32 @!p0 $0x1;
	_ =	shalt  }
.Lfunc_end2:
_tile_overlayer_lowered:
.L_overlay_start_2:
0x112: {  	(tag) =	ssettag $0x2  }
0x113: {  	s0 =	rddreg [dreg:$0x0];
	s2 =	stileid.u32  }
0x114: {  	s1 =	rddreg [dreg:$0x1];
	p0 =	sne.s32 s2, $0x0  }
0x115: {  	s3 =	rddreg [dreg:$0x2];
	[bflag:$0x3] =	sbarrier.arrive $0xFFFF;
	s2 =	simm.s32 @!p0 $0x1C05  }
0x116: {  	[timem:s3], [sflag:s2] =	dma.local @!p0 [hbm:s0], s1  }
0x117: {  	s0 =	simm.s32 @!p0 $0x5  }
0x118: {  	_ =	swait.ge @!p0 [sflag:s0], s1  }
0x119: {  	s1 =	ssub.s32 @!p0 $0x0, s1;
	[sflag:s0] =	ssyncset.done @!p0 $0x0  }
0x11a: {  	[sflag:s0] =	ssyncadd.s32 @!p0 s1  }
0x11b: {  	[bflag:$0x3] =	sbarrier.arrive $0xFFFF  }
0x11c: {  	_ =	shalt  }

</sc_bundles>
